<compile_context>
chip_gen: v7x
topology: tpu7x:2x2x1
jax: 0.10.2.dev20260603
libtpu: 0.0.44.dev20260713+nightly
codegen_flags: <defaults>
</compile_context>

<pallas_src>
import functools

import jax
import jax.numpy as jnp
from jax import lax
from jax.experimental import pallas as pl
from jax.experimental.pallas import tpu as pltpu
from jax.experimental.pallas import tpu_sc as plsc

_CVN = 1000
_VOCAB_PAD = 1024
_MAXSEQ = 20
_EDIM = 32
_FDIM = 64
_NC, _NS = 2, 16
_NW = _NC * _NS
_ITEMS = 51200
_PW = _ITEMS // _NW
_RPS = 128
_SPS = 5
_RSUP = _RPS * _SPS
_ISUP = _RSUP // _MAXSEQ
_IPB = 2 * _ISUP
_NBLK = _PW // _IPB
_SCH = 80
_VOCAB = 1000000
_TBLK = 8192
_VPAD = 1 << 20
_QT = _TBLK // 4


def _g_matmul_body(elem_ref, w_ref, out_ref):
    out_ref[...] = jnp.dot(elem_ref[...], w_ref[0], preferred_element_type=jnp.float32)


def _build_g(elem_pad, w_t):
    return pl.pallas_call(
        _g_matmul_body,
        grid=(_MAXSEQ,),
        in_specs=[
            pl.BlockSpec((_VOCAB_PAD, _EDIM), lambda k: (0, 0)),
            pl.BlockSpec((1, _EDIM, _FDIM), lambda k: (k, 0, 0)),
        ],
        out_specs=pl.BlockSpec((_VOCAB_PAD, _FDIM), lambda k: (k, 0)),
        out_shape=jax.ShapeDtypeStruct((_MAXSEQ * _VOCAB_PAD, _FDIM), jnp.float32),
    )(elem_pad, w_t)


def _tr_body(in_ref, out_ref):
    row = lax.broadcasted_iota(jnp.int32, (_EDIM, 128), 0)
    col = lax.broadcasted_iota(jnp.int32, (_EDIM, 128), 1)
    x = in_ref[...]
    acc = None
    for j in range(4):
        sel = (col == row + _EDIM * j).astype(jnp.float32)
        xc = x[:, _QT * j:_QT * (j + 1)]
        xt = lax.dot_general(xc, sel, (((0,), (0,)), ((), ())),
                             preferred_element_type=jnp.float32)
        acc = xt if acc is None else acc + xt
    out_ref[...] = acc


def _linearize_embed(embed_t):
    return pl.pallas_call(
        _tr_body,
        grid=(_VPAD // _TBLK,),
        in_specs=[pl.BlockSpec((_EDIM, _TBLK),
                               lambda i: (0, jnp.minimum(i, _VOCAB // _TBLK)))],
        out_specs=pl.BlockSpec((_QT, 128), lambda i: (i, 0)),
        out_shape=jax.ShapeDtypeStruct((_VPAD // 4, 128), jnp.float32),
    )(embed_t)


_SC_MESH = plsc.VectorSubcoreMesh(
    core_axis_name="c", subcore_axis_name="s", num_cores=_NC, num_subcores=_NS
)


def _worker_id():
    return lax.axis_index("s") * _NC + lax.axis_index("c")


def _tree_sum(vs):
    while len(vs) > 1:
        nxt = [vs[i] + vs[i + 1] for i in range(0, len(vs) - 1, 2)]
        if len(vs) % 2:
            nxt.append(vs[-1])
        vs = nxt
    return vs[0]


@functools.partial(
    pl.kernel,
    out_type=jax.ShapeDtypeStruct((_ITEMS, _FDIM), jnp.float32),
    mesh=_SC_MESH,
    scratch_types=[
        pltpu.VMEM((2, _IPB * _MAXSEQ), jnp.int32),
        pltpu.VMEM((_IPB * _MAXSEQ,), jnp.int32),
        pltpu.VMEM((2, _RSUP, _FDIM), jnp.float32),
        pltpu.VMEM((_IPB, _FDIM), jnp.float32),
        pltpu.SemaphoreType.DMA,
        pltpu.SemaphoreType.DMA,
    ],
    compiler_params=pltpu.CompilerParams(use_tc_tiling_on_sc=False),
)
def _sc_char(char_hbm, g_hbm, char_out_hbm, cidx, offs, rbuf, obuf, gsem0, gsem1):
    base = pl.multiple_of(_worker_id() * _PW, _PW)

    def offs_step(v, carry):
        j = lax.iota(jnp.int32, 16) + v * 16
        offs[pl.ds(v * 16, 16)] = lax.rem(j, _MAXSEQ) * _VOCAB_PAD
        return carry

    lax.fori_loop(0, _IPB * _MAXSEQ // 16, offs_step, 0)

    def load_idx(blk, p):
        coff = pl.multiple_of((base + blk * _IPB) * _MAXSEQ, _RPS)
        pltpu.sync_copy(char_hbm.at[pl.ds(coff, _IPB * _MAXSEQ)], cidx.at[p])

        def idx_step(v, c2):
            cs = cidx[p, pl.ds(v * 16, 16)]
            cs = jnp.where(cs < 0, _CVN, cs)
            cidx[p, pl.ds(v * 16, 16)] = cs + offs[pl.ds(v * 16, 16)]
            return c2

        lax.fori_loop(0, _IPB * _MAXSEQ // 16, idx_step, 0)

    def fire(p, half, buf, sem):
        for s in range(_SPS):
            soff = pl.multiple_of(half * _RSUP + s * _RPS, _RPS)
            pltpu.async_copy(
                g_hbm.at[cidx.at[p, pl.ds(soff, _RPS)]],
                rbuf.at[buf, pl.ds(s * _RPS, _RPS)], sem)

    def drain(buf, sem):
        for s in range(_SPS):
            pltpu.make_async_copy(
                g_hbm.at[cidx.at[0, pl.ds(0, _RPS)]],
                rbuf.at[buf, pl.ds(s * _RPS, _RPS)], sem).wait()

    def accum(half, buf):
        def item_step(it, c2):
            rbase = it * _MAXSEQ
            for j in range(_FDIM // 16):
                sl = pl.ds(j * 16, 16)
                rows = [rbuf[buf, rbase + r, sl] for r in range(_MAXSEQ)]
                obuf[half * _ISUP + it, sl] = _tree_sum(rows)
            return c2

        lax.fori_loop(0, _ISUP, item_step, 0)

    load_idx(0, 0)
    fire(0, 0, 0, gsem0)

    def char_block(blk, carry):
        p = lax.rem(blk, 2)
        fire(p, 1, 1, gsem1)

        @pl.when(blk < _NBLK - 1)
        def _():
            load_idx(blk + 1, 1 - p)

        drain(0, gsem0)
        accum(0, 0)

        @pl.when(blk < _NBLK - 1)
        def _():
            fire(1 - p, 0, 0, gsem0)

        drain(1, gsem1)
        accum(1, 1)
        pltpu.sync_copy(obuf, char_out_hbm.at[pl.ds(base + blk * _IPB, _IPB)])
        return carry

    lax.fori_loop(0, _NBLK, char_block, 0)


@functools.partial(
    pl.kernel,
    out_type=jax.ShapeDtypeStruct((_ITEMS, _EDIM), jnp.float32),
    mesh=_SC_MESH,
    scratch_types=[
        pltpu.VMEM((_SCH,), jnp.int32),
        pltpu.VMEM((2, _SCH, _EDIM), jnp.float32),
        pltpu.SemaphoreType.DMA,
        pltpu.SemaphoreType.DMA,
        pltpu.SemaphoreType.DMA,
    ],
    compiler_params=pltpu.CompilerParams(use_tc_tiling_on_sc=False),
)
def _sc_seq(seq_idx_hbm, embed_hbm, dep_hbm, seq_out_hbm, sidx, srows, isem, gsem, osem):
    base = pl.multiple_of(_worker_id() * _PW, _PW)

    def drain_store(buf):
        pltpu.make_async_copy(
            srows.at[buf], seq_out_hbm.at[pl.ds(0, _SCH)], osem
        ).wait()

    def seq_chunk(c, carry):
        off = pl.multiple_of(base + c * _SCH, _SCH)
        buf = lax.rem(c, 2)

        @pl.when(c >= 2)
        def _():
            drain_store(buf)

        pltpu.sync_copy(seq_idx_hbm.at[pl.ds(off, _SCH)], sidx)
        for v in range(_SCH // 16):
            t = sidx[pl.ds(v * 16, 16)]
            hi = t & jnp.int32(~(_TBLK - 1))
            slot = hi + 4 * (t & jnp.int32(_QT - 1)) + (
                (t & jnp.int32(_TBLK - 1)) >> 11)
            sidx[pl.ds(v * 16, 16)] = slot
        pltpu.async_copy(embed_hbm.at[sidx], srows.at[buf], gsem).wait()
        pltpu.async_copy(srows.at[buf], seq_out_hbm.at[pl.ds(off, _SCH)], osem)
        return carry

    lax.fori_loop(0, _PW // _SCH, seq_chunk, 0)
    drain_store(0)
    drain_store(1)


def kernel(sequence, char_seq, embed_table, elem_table, conv_w):
    L, N = sequence.shape
    seq_flat = sequence.reshape(L * N)
    char_flat = char_seq.reshape(L * N * _MAXSEQ).astype(jnp.int32)
    elem_pad = jnp.pad(elem_table, ((0, _VOCAB_PAD - elem_table.shape[0]), (0, 0)))
    w_t = conv_w.transpose(2, 1, 0)
    g = _build_g(elem_pad, w_t)
    char_out = _sc_char(char_flat, g)
    embed_lin = _linearize_embed(embed_table.T).reshape(_VPAD, _EDIM)
    seq_out = _sc_seq(seq_flat, embed_lin, char_out)
    return seq_out.reshape(L, N, _EDIM), char_out.reshape(L, N, _FDIM)

# --- scband reference (transcript-rebuilt; emitter-appended) ---
"""Pipeline reference for scband-query-embedding-56255481643432 (READ-ONLY COPY).

The authoritative reference and input builder live on the scoring server;
editing this copy changes nothing except your own understanding.
"""

import jax, jax.numpy as jnp
import numpy as np

VOCAB = 1000000
CVN = 1000
MAXSEQ = 20
EDIM = 32
ELEM_EDIM = 32
ELEM_FDIM = 64
L = 50
N = 1024


def setup_inputs(seed: int = 0) -> dict:
    key = jax.random.key(seed)
    ks = jax.random.split(key, 5)
    sequence = jax.random.randint(ks[0], (L, N), 0, VOCAB, dtype=jnp.int32)
    char_seq = jax.random.randint(ks[1], (L, N, MAXSEQ), 0, CVN, dtype=jnp.int32)
    embed_table = jax.random.normal(ks[2], (VOCAB, EDIM), dtype=jnp.float32) * 0.02
    elem_table = jax.random.normal(ks[3], (CVN + 1, ELEM_EDIM), dtype=jnp.float32) * 0.02
    # padding/mask row (index == character_vocab_num) is zero
    elem_table = elem_table.at[CVN].set(0.0)
    conv_w = jax.random.normal(ks[4], (ELEM_FDIM, ELEM_EDIM, MAXSEQ), dtype=jnp.float32) * 0.02
    return {"sequence": sequence, "char_seq": char_seq, "embed_table": embed_table,
            "elem_table": elem_table, "conv_w": conv_w}


def reference(sequence, char_seq, embed_table, elem_table, conv_w):
    # seq_embed = self.embed(sequence)
    seq_embed = jnp.take(embed_table, sequence, axis=0)  # (L, N, EDIM)
    # char_seq = char_seq + (char_seq == -1) * (character_vocab_num + 1)  -> maps -1 to CVN
    cs = char_seq + (char_seq == -1).astype(char_seq.dtype) * (CVN + 1)
    # EmbeddingWithMask: embedding with mask index CVN producing zeros
    mask = (cs != CVN).astype(jnp.float32)[..., None]
    ce = jnp.take(elem_table, cs, axis=0) * mask  # (L, N, MAXSEQ, ELEM_EDIM)
    # reshape(L*N, n, -1).permute(0, 2, 1) then Conv1d(kernel_size=MAXSEQ, bias=False)
    x = ce.reshape(L * N, MAXSEQ, ELEM_EDIM).transpose(0, 2, 1)  # (L*N, C_in, MAXSEQ)
    # conv with kernel spanning full length -> output length 1 -> einsum
    out = jnp.einsum('bck,ock->bo', x, conv_w)  # (L*N, ELEM_FDIM)
    char_seq_embed = out.reshape(L, N, ELEM_FDIM)
    return (seq_embed, char_seq_embed)

if __name__ == "__main__":
    import jax
    _d = setup_inputs()
    print(jax.jit(kernel)(*tuple(_d.values())))

</pallas_src>

<mosaic_0001>
#map = affine_map<(d0, d1) -> (0)>
#map1 = affine_map<(d0, d1) -> (0, 0)>
module attributes {stable_mosaic.version = 14 : i64} {
  func.func @_sc_char(%arg0: i32, %arg1: i32, %arg2: memref<1024000xi32, #tpu.memory_space<hbm>>, %arg3: memref<20480x64xf32, #tpu.memory_space<hbm>>, %arg4: memref<51200x64xf32, #tpu.memory_space<hbm>>, %arg5: memref<2x1280xi32, #tpu.memory_space<vmem>>, %arg6: memref<1280xi32, #tpu.memory_space<vmem>>, %arg7: memref<2x640x64xf32, #tpu.memory_space<vmem>>, %arg8: memref<64x64xf32, #tpu.memory_space<vmem>>, %arg9: memref<!tpu.dma_semaphore, #tpu.memory_space<semaphore_mem>>, %arg10: memref<!tpu.dma_semaphore, #tpu.memory_space<semaphore_mem>>) attributes {dimension_semantics = [#tpu.dimension_semantics<core_parallel>, #tpu.dimension_semantics<subcore_parallel>], iteration_bounds = array<i64: 2, 16>, scalar_prefetch = 0 : i64, scratch_operands = 6 : i64, tpu.core_type = #tpu.core_type<sc_vector_subcore>, window_params = [{transform_indices = #map}, {transform_indices = #map1}, {transform_indices = #map1}]} {
    %mul3A = arith.constant 2 : i32
    %mul3A_0 = arith.muli %arg1, %mul3A : i32
    %add3A = arith.addi %mul3A_0, %arg0 : i32
    %mul3A_1 = arith.constant 1600 : i32
    %mul3A_2 = arith.muli %add3A, %mul3A_1 : i32
    %multiple_of3A = tpu.assume_multiple %mul3A_2, 1600 : i32
    %scan3A = arith.constant 0 : i32
    %scan3A_3 = arith.constant 0 : i32
    %scan3A_4 = arith.constant 80 : i32
    %scan3A_5 = arith.addi %scan3A_3, %scan3A_4 : i32
    %scan3A_6 = arith.constant 1 : i32
    scf.for %scan3A_89 = %scan3A_3 to %scan3A_5 step %scan3A_6  : i32 {
      %iota3A = tpu.iota {dimensions = array<i32: 0>} : vector<16xi32>
      %mul3A_90 = arith.constant 16 : i32
      %mul3A_91 = arith.muli %scan3A_89, %mul3A_90 : i32
      %add3A_92 = vector.broadcast %mul3A_91 : i32 to vector<16xi32>
      %add3A_93 = arith.addi %iota3A, %add3A_92 : vector<16xi32>
      %rem3A = arith.constant 20 : i32
      %rem3A_94 = vector.broadcast %rem3A : i32 to vector<16xi32>
      %rem3A_95 = arith.remsi %add3A_93, %rem3A_94 : vector<16xi32>
      %mul3A_96 = arith.constant 1024 : i32
      %mul3A_97 = vector.broadcast %mul3A_96 : i32 to vector<16xi32>
      %mul3A_98 = arith.muli %rem3A_95, %mul3A_97 : vector<16xi32>
      %mul3A_99 = arith.constant 16 : i32
      %mul3A_100 = arith.muli %scan3A_89, %mul3A_99 : i32
      %swap3A = arith.index_cast %mul3A_100 : i32 to index
      %swap3A_101 = tpu.vector_load %arg6[%swap3A] {strides = array<i32>} : memref<1280xi32, #tpu.memory_space<vmem>>, vector<16xi32>,
      %swap3A_102 = vector.shape_cast %swap3A_101 : vector<16xi32> to vector<16xi32>
      %swap3A_103 = vector.shape_cast %mul3A_98 : vector<16xi32> to vector<16xi32>
      tpu.vector_store %arg6[%swap3A], %swap3A_103 {strides = array<i32>} : memref<1280xi32, #tpu.memory_space<vmem>>, vector<16xi32>,
    }
    %scan3A_7 = arith.constant 80 : i32
    %add3A_8 = arith.constant 0 : i32
    %add3A_9 = arith.addi %multiple_of3A, %add3A_8 : i32
    %mul3A_10 = arith.constant 20 : i32
    %mul3A_11 = arith.muli %add3A_9, %mul3A_10 : i32
    %multiple_of3A_12 = tpu.assume_multiple %mul3A_11, 128 : i32
    %run_scoped3A = arith.constant 0 : i32
    "tpu.region"() ({
      %run_scoped3A_89 = tpu.sem_alloc : memref<!tpu.dma_semaphore, #tpu.memory_space<semaphore_mem>>
      %dma_start3A_90 = arith.constant 0 : i32
      %dma_start3A_91 = tpu.memref_slice %arg5[%run_scoped3A, %dma_start3A_90] : memref<2x1280xi32, #tpu.memory_space<vmem>> -> memref<1x1280xi32, #tpu.memory_space<vmem>>
      %dma_start3A_92 = tpu.memref_squeeze %dma_start3A_91 : memref<1x1280xi32, #tpu.memory_space<vmem>> -> memref<1280xi32, #tpu.memory_space<vmem>>
      %dma_start3A_93 = tpu.memref_slice %arg2[%multiple_of3A_12] : memref<1024000xi32, #tpu.memory_space<hbm>> -> memref<1280xi32, #tpu.memory_space<hbm>>
      %dma_start3A_94 = arith.constant 0 : i32
      %dma_start3A_95 = tpu.memref_slice %arg5[%run_scoped3A, %dma_start3A_94] : memref<2x1280xi32, #tpu.memory_space<vmem>> -> memref<1x1280xi32, #tpu.memory_space<vmem>>
      %dma_start3A_96 = tpu.memref_squeeze %dma_start3A_95 : memref<1x1280xi32, #tpu.memory_space<vmem>> -> memref<1280xi32, #tpu.memory_space<vmem>>
      %dma_start3A_97 = tpu.memref_slice %arg2[%multiple_of3A_12] : memref<1024000xi32, #tpu.memory_space<hbm>> -> memref<1280xi32, #tpu.memory_space<hbm>>
      tpu.enqueue_dma source(%dma_start3A_97 : memref<1280xi32, #tpu.memory_space<hbm>>) target(%dma_start3A_96 : memref<1280xi32, #tpu.memory_space<vmem>>) target_semaphore(%run_scoped3A_89 : memref<!tpu.dma_semaphore, #tpu.memory_space<semaphore_mem>>)
      %dma_wait3A = arith.constant 0 : i32
      %dma_wait3A_98 = tpu.memref_slice %arg5[%run_scoped3A, %dma_wait3A] : memref<2x1280xi32, #tpu.memory_space<vmem>> -> memref<1x1280xi32, #tpu.memory_space<vmem>>
      %dma_wait3A_99 = tpu.memref_squeeze %dma_wait3A_98 : memref<1x1280xi32, #tpu.memory_space<vmem>> -> memref<1280xi32, #tpu.memory_space<vmem>>
      %dma_wait3A_100 = tpu.memref_slice %arg2[%multiple_of3A_12] : memref<1024000xi32, #tpu.memory_space<hbm>> -> memref<1280xi32, #tpu.memory_space<hbm>>
      %dma_wait3A_101 = arith.constant 0 : i32
      %dma_wait3A_102 = tpu.memref_slice %arg5[%run_scoped3A, %dma_wait3A_101] : memref<2x1280xi32, #tpu.memory_space<vmem>> -> memref<1x1280xi32, #tpu.memory_space<vmem>>
      %dma_wait3A_103 = tpu.memref_squeeze %dma_wait3A_102 : memref<1x1280xi32, #tpu.memory_space<vmem>> -> memref<1280xi32, #tpu.memory_space<vmem>>
      %dma_wait3A_104 = tpu.memref_slice %arg2[%multiple_of3A_12] : memref<1024000xi32, #tpu.memory_space<hbm>> -> memref<1280xi32, #tpu.memory_space<hbm>>
      tpu.wait_dma2 semaphore(%run_scoped3A_89 : memref<!tpu.dma_semaphore, #tpu.memory_space<semaphore_mem>>) src(%dma_wait3A_104 : memref<1280xi32, #tpu.memory_space<hbm>>) dst(%dma_wait3A_103 : memref<1280xi32, #tpu.memory_space<vmem>>)
      tpu.yield
    }) : () -> ()
    %scan3A_13 = arith.constant 0 : i32
    %scan3A_14 = arith.constant 0 : i32
    %scan3A_15 = arith.constant 80 : i32
    %scan3A_16 = arith.addi %scan3A_14, %scan3A_15 : i32
    %scan3A_17 = arith.constant 1 : i32
    scf.for %scan3A_89 = %scan3A_14 to %scan3A_16 step %scan3A_17  : i32 {
      %mul3A_90 = arith.constant 16 : i32
      %mul3A_91 = arith.muli %scan3A_89, %mul3A_90 : i32
      %get3A = arith.constant 0 : i32
      %get3A_92 = arith.index_cast %get3A : i32 to index
      %get3A_93 = arith.index_cast %mul3A_91 : i32 to index
      %get3A_94 = tpu.vector_load %arg5[%get3A_92, %get3A_93] {strides = array<i32>} : memref<2x1280xi32, #tpu.memory_space<vmem>>, vector<1x16xi32>,
      %get3A_95 = vector.shape_cast %get3A_94 : vector<1x16xi32> to vector<16xi32>
      %lt3A = arith.constant 0 : i32
      %lt3A_96 = vector.broadcast %lt3A : i32 to vector<16xi32>
      %lt3A_97 = arith.cmpi slt, %get3A_95, %lt3A_96 : vector<16xi32>
      %jit3A = arith.constant 1000 : i32
      %broadcast_in_dim3A = vector.broadcast %jit3A : i32 to vector<16xi32>
      %select_n3A = arith.select %lt3A_97, %broadcast_in_dim3A, %get3A_95 : vector<16xi1>, vector<16xi32>
      %mul3A_98 = arith.constant 16 : i32
      %mul3A_99 = arith.muli %scan3A_89, %mul3A_98 : i32
      %get3A_100 = arith.index_cast %mul3A_99 : i32 to index
      %get3A_101 = tpu.vector_load %arg6[%get3A_100] {strides = array<i32>} : memref<1280xi32, #tpu.memory_space<vmem>>, vector<16xi32>,
      %get3A_102 = vector.shape_cast %get3A_101 : vector<16xi32> to vector<16xi32>
      %add3A_103 = arith.addi %select_n3A, %get3A_102 : vector<16xi32>
      %mul3A_104 = arith.constant 16 : i32
      %mul3A_105 = arith.muli %scan3A_89, %mul3A_104 : i32
      %swap3A = arith.constant 0 : i32
      %swap3A_106 = arith.index_cast %swap3A : i32 to index
      %swap3A_107 = arith.index_cast %mul3A_105 : i32 to index
      %swap3A_108 = tpu.vector_load %arg5[%swap3A_106, %swap3A_107] {strides = array<i32>} : memref<2x1280xi32, #tpu.memory_space<vmem>>, vector<1x16xi32>,
      %swap3A_109 = vector.shape_cast %swap3A_108 : vector<1x16xi32> to vector<16xi32>
      %swap3A_110 = vector.shape_cast %add3A_103 : vector<16xi32> to vector<1x16xi32>
      tpu.vector_store %arg5[%swap3A_106, %swap3A_107], %swap3A_110 {strides = array<i32>} : memref<2x1280xi32, #tpu.memory_space<vmem>>, vector<1x16xi32>,
    }
    %scan3A_18 = arith.constant 80 : i32
    %multiple_of3A_19 = arith.constant 0 : i32
    %multiple_of3A_20 = tpu.assume_multiple %multiple_of3A_19, 128 : i32
    %dma_start3A = arith.constant 0 : i32
    %dma_start3A_21 = arith.constant 0 : i32
    %dma_start3A_22 = arith.constant 0 : i32
    %dma_start3A_23 = arith.constant 0 : i32
    %dma_start3A_24 = tpu.memref_slice %arg7[%dma_start3A_21, %dma_start3A_22, %dma_start3A_23] : memref<2x640x64xf32, #tpu.memory_space<vmem>> -> memref<1x128x64xf32, #tpu.memory_space<vmem>>
    %dma_start3A_25 = tpu.memref_squeeze %dma_start3A_24 : memref<1x128x64xf32, #tpu.memory_space<vmem>> -> memref<128x64xf32, #tpu.memory_space<vmem>>
    %dma_start3A_26 = tpu.memref_slice %arg5[%dma_start3A, %multiple_of3A_20] : memref<2x1280xi32, #tpu.memory_space<vmem>> -> memref<1x128xi32, #tpu.memory_space<vmem>>
    %dma_start3A_27 = tpu.memref_squeeze %dma_start3A_26 : memref<1x128xi32, #tpu.memory_space<vmem>> -> memref<128xi32, #tpu.memory_space<vmem>>
    %dma_start3A_28 = arith.constant 0 : i32
    %dma_start3A_29 = arith.constant 0 : i32
    %dma_start3A_30 = tpu.memref_slice %arg3[%dma_start3A_28, %dma_start3A_29] : memref<20480x64xf32, #tpu.memory_space<hbm>> -> memref<20480x64xf32, #tpu.memory_space<hbm>>
    tpu.enqueue_indirect_dma source(%dma_start3A_30 : memref<20480x64xf32, #tpu.memory_space<hbm>>) target(%dma_start3A_25 : memref<128x64xf32, #tpu.memory_space<vmem>>) offsets(%dma_start3A_27 : memref<128xi32, #tpu.memory_space<vmem>>) semaphore(%arg9 : memref<!tpu.dma_semaphore, #tpu.memory_space<semaphore_mem>>)
    %multiple_of3A_31 = arith.constant 128 : i32
    %multiple_of3A_32 = tpu.assume_multiple %multiple_of3A_31, 128 : i32
    %dma_start3A_33 = arith.constant 0 : i32
    %dma_start3A_34 = arith.constant 0 : i32
    %dma_start3A_35 = arith.constant 128 : i32
    %dma_start3A_36 = arith.constant 0 : i32
    %dma_start3A_37 = tpu.memref_slice %arg7[%dma_start3A_34, %dma_start3A_35, %dma_start3A_36] : memref<2x640x64xf32, #tpu.memory_space<vmem>> -> memref<1x128x64xf32, #tpu.memory_space<vmem>>
    %dma_start3A_38 = tpu.memref_squeeze %dma_start3A_37 : memref<1x128x64xf32, #tpu.memory_space<vmem>> -> memref<128x64xf32, #tpu.memory_space<vmem>>
    %dma_start3A_39 = tpu.memref_slice %arg5[%dma_start3A_33, %multiple_of3A_32] : memref<2x1280xi32, #tpu.memory_space<vmem>> -> memref<1x128xi32, #tpu.memory_space<vmem>>
    %dma_start3A_40 = tpu.memref_squeeze %dma_start3A_39 : memref<1x128xi32, #tpu.memory_space<vmem>> -> memref<128xi32, #tpu.memory_space<vmem>>
    %dma_start3A_41 = arith.constant 0 : i32
    %dma_start3A_42 = arith.constant 0 : i32
    %dma_start3A_43 = tpu.memref_slice %arg3[%dma_start3A_41, %dma_start3A_42] : memref<20480x64xf32, #tpu.memory_space<hbm>> -> memref<20480x64xf32, #tpu.memory_space<hbm>>
    tpu.enqueue_indirect_dma source(%dma_start3A_43 : memref<20480x64xf32, #tpu.memory_space<hbm>>) target(%dma_start3A_38 : memref<128x64xf32, #tpu.memory_space<vmem>>) offsets(%dma_start3A_40 : memref<128xi32, #tpu.memory_space<vmem>>) semaphore(%arg9 : memref<!tpu.dma_semaphore, #tpu.memory_space<semaphore_mem>>)
    %multiple_of3A_44 = arith.constant 256 : i32
    %multiple_of3A_45 = tpu.assume_multiple %multiple_of3A_44, 128 : i32
    %dma_start3A_46 = arith.constant 0 : i32
    %dma_start3A_47 = arith.constant 0 : i32
    %dma_start3A_48 = arith.constant 256 : i32
    %dma_start3A_49 = arith.constant 0 : i32
    %dma_start3A_50 = tpu.memref_slice %arg7[%dma_start3A_47, %dma_start3A_48, %dma_start3A_49] : memref<2x640x64xf32, #tpu.memory_space<vmem>> -> memref<1x128x64xf32, #tpu.memory_space<vmem>>
    %dma_start3A_51 = tpu.memref_squeeze %dma_start3A_50 : memref<1x128x64xf32, #tpu.memory_space<vmem>> -> memref<128x64xf32, #tpu.memory_space<vmem>>
    %dma_start3A_52 = tpu.memref_slice %arg5[%dma_start3A_46, %multiple_of3A_45] : memref<2x1280xi32, #tpu.memory_space<vmem>> -> memref<1x128xi32, #tpu.memory_space<vmem>>
    %dma_start3A_53 = tpu.memref_squeeze %dma_start3A_52 : memref<1x128xi32, #tpu.memory_space<vmem>> -> memref<128xi32, #tpu.memory_space<vmem>>
    %dma_start3A_54 = arith.constant 0 : i32
    %dma_start3A_55 = arith.constant 0 : i32
    %dma_start3A_56 = tpu.memref_slice %arg3[%dma_start3A_54, %dma_start3A_55] : memref<20480x64xf32, #tpu.memory_space<hbm>> -> memref<20480x64xf32, #tpu.memory_space<hbm>>
    tpu.enqueue_indirect_dma source(%dma_start3A_56 : memref<20480x64xf32, #tpu.memory_space<hbm>>) target(%dma_start3A_51 : memref<128x64xf32, #tpu.memory_space<vmem>>) offsets(%dma_start3A_53 : memref<128xi32, #tpu.memory_space<vmem>>) semaphore(%arg9 : memref<!tpu.dma_semaphore, #tpu.memory_space<semaphore_mem>>)
    %multiple_of3A_57 = arith.constant 384 : i32
    %multiple_of3A_58 = tpu.assume_multiple %multiple_of3A_57, 128 : i32
    %dma_start3A_59 = arith.constant 0 : i32
    %dma_start3A_60 = arith.constant 0 : i32
    %dma_start3A_61 = arith.constant 384 : i32
    %dma_start3A_62 = arith.constant 0 : i32
    %dma_start3A_63 = tpu.memref_slice %arg7[%dma_start3A_60, %dma_start3A_61, %dma_start3A_62] : memref<2x640x64xf32, #tpu.memory_space<vmem>> -> memref<1x128x64xf32, #tpu.memory_space<vmem>>
    %dma_start3A_64 = tpu.memref_squeeze %dma_start3A_63 : memref<1x128x64xf32, #tpu.memory_space<vmem>> -> memref<128x64xf32, #tpu.memory_space<vmem>>
    %dma_start3A_65 = tpu.memref_slice %arg5[%dma_start3A_59, %multiple_of3A_58] : memref<2x1280xi32, #tpu.memory_space<vmem>> -> memref<1x128xi32, #tpu.memory_space<vmem>>
    %dma_start3A_66 = tpu.memref_squeeze %dma_start3A_65 : memref<1x128xi32, #tpu.memory_space<vmem>> -> memref<128xi32, #tpu.memory_space<vmem>>
    %dma_start3A_67 = arith.constant 0 : i32
    %dma_start3A_68 = arith.constant 0 : i32
    %dma_start3A_69 = tpu.memref_slice %arg3[%dma_start3A_67, %dma_start3A_68] : memref<20480x64xf32, #tpu.memory_space<hbm>> -> memref<20480x64xf32, #tpu.memory_space<hbm>>
    tpu.enqueue_indirect_dma source(%dma_start3A_69 : memref<20480x64xf32, #tpu.memory_space<hbm>>) target(%dma_start3A_64 : memref<128x64xf32, #tpu.memory_space<vmem>>) offsets(%dma_start3A_66 : memref<128xi32, #tpu.memory_space<vmem>>) semaphore(%arg9 : memref<!tpu.dma_semaphore, #tpu.memory_space<semaphore_mem>>)
    %multiple_of3A_70 = arith.constant 512 : i32
    %multiple_of3A_71 = tpu.assume_multiple %multiple_of3A_70, 128 : i32
    %dma_start3A_72 = arith.constant 0 : i32
    %dma_start3A_73 = arith.constant 0 : i32
    %dma_start3A_74 = arith.constant 512 : i32
    %dma_start3A_75 = arith.constant 0 : i32
    %dma_start3A_76 = tpu.memref_slice %arg7[%dma_start3A_73, %dma_start3A_74, %dma_start3A_75] : memref<2x640x64xf32, #tpu.memory_space<vmem>> -> memref<1x128x64xf32, #tpu.memory_space<vmem>>
    %dma_start3A_77 = tpu.memref_squeeze %dma_start3A_76 : memref<1x128x64xf32, #tpu.memory_space<vmem>> -> memref<128x64xf32, #tpu.memory_space<vmem>>
    %dma_start3A_78 = tpu.memref_slice %arg5[%dma_start3A_72, %multiple_of3A_71] : memref<2x1280xi32, #tpu.memory_space<vmem>> -> memref<1x128xi32, #tpu.memory_space<vmem>>
    %dma_start3A_79 = tpu.memref_squeeze %dma_start3A_78 : memref<1x128xi32, #tpu.memory_space<vmem>> -> memref<128xi32, #tpu.memory_space<vmem>>
    %dma_start3A_80 = arith.constant 0 : i32
    %dma_start3A_81 = arith.constant 0 : i32
    %dma_start3A_82 = tpu.memref_slice %arg3[%dma_start3A_80, %dma_start3A_81] : memref<20480x64xf32, #tpu.memory_space<hbm>> -> memref<20480x64xf32, #tpu.memory_space<hbm>>
    tpu.enqueue_indirect_dma source(%dma_start3A_82 : memref<20480x64xf32, #tpu.memory_space<hbm>>) target(%dma_start3A_77 : memref<128x64xf32, #tpu.memory_space<vmem>>) offsets(%dma_start3A_79 : memref<128xi32, #tpu.memory_space<vmem>>) semaphore(%arg9 : memref<!tpu.dma_semaphore, #tpu.memory_space<semaphore_mem>>)
    %scan3A_83 = arith.constant 0 : i32
    %scan3A_84 = arith.constant 0 : i32
    %scan3A_85 = arith.constant 25 : i32
    %scan3A_86 = arith.addi %scan3A_84, %scan3A_85 : i32
    %scan3A_87 = arith.constant 1 : i32
    scf.for %scan3A_89 = %scan3A_84 to %scan3A_86 step %scan3A_87  : i32 {
      %rem3A = arith.constant 2 : i32
      %rem3A_90 = arith.remsi %scan3A_89, %rem3A : i32
      %multiple_of3A_91 = arith.constant 640 : i32
      %multiple_of3A_92 = tpu.assume_multiple %multiple_of3A_91, 128 : i32
      %dma_start3A_93 = arith.constant 1 : i32
      %dma_start3A_94 = arith.constant 0 : i32
      %dma_start3A_95 = arith.constant 0 : i32
      %dma_start3A_96 = tpu.memref_slice %arg7[%dma_start3A_93, %dma_start3A_94, %dma_start3A_95] : memref<2x640x64xf32, #tpu.memory_space<vmem>> -> memref<1x128x64xf32, #tpu.memory_space<vmem>>
      %dma_start3A_97 = tpu.memref_squeeze %dma_start3A_96 : memref<1x128x64xf32, #tpu.memory_space<vmem>> -> memref<128x64xf32, #tpu.memory_space<vmem>>
      %dma_start3A_98 = tpu.memref_slice %arg5[%rem3A_90, %multiple_of3A_92] : memref<2x1280xi32, #tpu.memory_space<vmem>> -> memref<1x128xi32, #tpu.memory_space<vmem>>
      %dma_start3A_99 = tpu.memref_squeeze %dma_start3A_98 : memref<1x128xi32, #tpu.memory_space<vmem>> -> memref<128xi32, #tpu.memory_space<vmem>>
      %dma_start3A_100 = arith.constant 0 : i32
      %dma_start3A_101 = arith.constant 0 : i32
      %dma_start3A_102 = tpu.memref_slice %arg3[%dma_start3A_100, %dma_start3A_101] : memref<20480x64xf32, #tpu.memory_space<hbm>> -> memref<20480x64xf32, #tpu.memory_space<hbm>>
      tpu.enqueue_indirect_dma source(%dma_start3A_102 : memref<20480x64xf32, #tpu.memory_space<hbm>>) target(%dma_start3A_97 : memref<128x64xf32, #tpu.memory_space<vmem>>) offsets(%dma_start3A_99 : memref<128xi32, #tpu.memory_space<vmem>>) semaphore(%arg10 : memref<!tpu.dma_semaphore, #tpu.memory_space<semaphore_mem>>)
      %multiple_of3A_103 = arith.constant 768 : i32
      %multiple_of3A_104 = tpu.assume_multiple %multiple_of3A_103, 128 : i32
      %dma_start3A_105 = arith.constant 1 : i32
      %dma_start3A_106 = arith.constant 128 : i32
      %dma_start3A_107 = arith.constant 0 : i32
      %dma_start3A_108 = tpu.memref_slice %arg7[%dma_start3A_105, %dma_start3A_106, %dma_start3A_107] : memref<2x640x64xf32, #tpu.memory_space<vmem>> -> memref<1x128x64xf32, #tpu.memory_space<vmem>>
      %dma_start3A_109 = tpu.memref_squeeze %dma_start3A_108 : memref<1x128x64xf32, #tpu.memory_space<vmem>> -> memref<128x64xf32, #tpu.memory_space<vmem>>
      %dma_start3A_110 = tpu.memref_slice %arg5[%rem3A_90, %multiple_of3A_104] : memref<2x1280xi32, #tpu.memory_space<vmem>> -> memref<1x128xi32, #tpu.memory_space<vmem>>
      %dma_start3A_111 = tpu.memref_squeeze %dma_start3A_110 : memref<1x128xi32, #tpu.memory_space<vmem>> -> memref<128xi32, #tpu.memory_space<vmem>>
      %dma_start3A_112 = arith.constant 0 : i32
      %dma_start3A_113 = arith.constant 0 : i32
      %dma_start3A_114 = tpu.memref_slice %arg3[%dma_start3A_112, %dma_start3A_113] : memref<20480x64xf32, #tpu.memory_space<hbm>> -> memref<20480x64xf32, #tpu.memory_space<hbm>>
      tpu.enqueue_indirect_dma source(%dma_start3A_114 : memref<20480x64xf32, #tpu.memory_space<hbm>>) target(%dma_start3A_109 : memref<128x64xf32, #tpu.memory_space<vmem>>) offsets(%dma_start3A_111 : memref<128xi32, #tpu.memory_space<vmem>>) semaphore(%arg10 : memref<!tpu.dma_semaphore, #tpu.memory_space<semaphore_mem>>)
      %multiple_of3A_115 = arith.constant 896 : i32
      %multiple_of3A_116 = tpu.assume_multiple %multiple_of3A_115, 128 : i32
      %dma_start3A_117 = arith.constant 1 : i32
      %dma_start3A_118 = arith.constant 256 : i32
      %dma_start3A_119 = arith.constant 0 : i32
      %dma_start3A_120 = tpu.memref_slice %arg7[%dma_start3A_117, %dma_start3A_118, %dma_start3A_119] : memref<2x640x64xf32, #tpu.memory_space<vmem>> -> memref<1x128x64xf32, #tpu.memory_space<vmem>>
      %dma_start3A_121 = tpu.memref_squeeze %dma_start3A_120 : memref<1x128x64xf32, #tpu.memory_space<vmem>> -> memref<128x64xf32, #tpu.memory_space<vmem>>
      %dma_start3A_122 = tpu.memref_slice %arg5[%rem3A_90, %multiple_of3A_116] : memref<2x1280xi32, #tpu.memory_space<vmem>> -> memref<1x128xi32, #tpu.memory_space<vmem>>
      %dma_start3A_123 = tpu.memref_squeeze %dma_start3A_122 : memref<1x128xi32, #tpu.memory_space<vmem>> -> memref<128xi32, #tpu.memory_space<vmem>>
      %dma_start3A_124 = arith.constant 0 : i32
      %dma_start3A_125 = arith.constant 0 : i32
      %dma_start3A_126 = tpu.memref_slice %arg3[%dma_start3A_124, %dma_start3A_125] : memref<20480x64xf32, #tpu.memory_space<hbm>> -> memref<20480x64xf32, #tpu.memory_space<hbm>>
      tpu.enqueue_indirect_dma source(%dma_start3A_126 : memref<20480x64xf32, #tpu.memory_space<hbm>>) target(%dma_start3A_121 : memref<128x64xf32, #tpu.memory_space<vmem>>) offsets(%dma_start3A_123 : memref<128xi32, #tpu.memory_space<vmem>>) semaphore(%arg10 : memref<!tpu.dma_semaphore, #tpu.memory_space<semaphore_mem>>)
      %multiple_of3A_127 = arith.constant 1024 : i32
      %multiple_of3A_128 = tpu.assume_multiple %multiple_of3A_127, 128 : i32
      %dma_start3A_129 = arith.constant 1 : i32
      %dma_start3A_130 = arith.constant 384 : i32
      %dma_start3A_131 = arith.constant 0 : i32
      %dma_start3A_132 = tpu.memref_slice %arg7[%dma_start3A_129, %dma_start3A_130, %dma_start3A_131] : memref<2x640x64xf32, #tpu.memory_space<vmem>> -> memref<1x128x64xf32, #tpu.memory_space<vmem>>
      %dma_start3A_133 = tpu.memref_squeeze %dma_start3A_132 : memref<1x128x64xf32, #tpu.memory_space<vmem>> -> memref<128x64xf32, #tpu.memory_space<vmem>>
      %dma_start3A_134 = tpu.memref_slice %arg5[%rem3A_90, %multiple_of3A_128] : memref<2x1280xi32, #tpu.memory_space<vmem>> -> memref<1x128xi32, #tpu.memory_space<vmem>>
      %dma_start3A_135 = tpu.memref_squeeze %dma_start3A_134 : memref<1x128xi32, #tpu.memory_space<vmem>> -> memref<128xi32, #tpu.memory_space<vmem>>
      %dma_start3A_136 = arith.constant 0 : i32
      %dma_start3A_137 = arith.constant 0 : i32
      %dma_start3A_138 = tpu.memref_slice %arg3[%dma_start3A_136, %dma_start3A_137] : memref<20480x64xf32, #tpu.memory_space<hbm>> -> memref<20480x64xf32, #tpu.memory_space<hbm>>
      tpu.enqueue_indirect_dma source(%dma_start3A_138 : memref<20480x64xf32, #tpu.memory_space<hbm>>) target(%dma_start3A_133 : memref<128x64xf32, #tpu.memory_space<vmem>>) offsets(%dma_start3A_135 : memref<128xi32, #tpu.memory_space<vmem>>) semaphore(%arg10 : memref<!tpu.dma_semaphore, #tpu.memory_space<semaphore_mem>>)
      %multiple_of3A_139 = arith.constant 1152 : i32
      %multiple_of3A_140 = tpu.assume_multiple %multiple_of3A_139, 128 : i32
      %dma_start3A_141 = arith.constant 1 : i32
      %dma_start3A_142 = arith.constant 512 : i32
      %dma_start3A_143 = arith.constant 0 : i32
      %dma_start3A_144 = tpu.memref_slice %arg7[%dma_start3A_141, %dma_start3A_142, %dma_start3A_143] : memref<2x640x64xf32, #tpu.memory_space<vmem>> -> memref<1x128x64xf32, #tpu.memory_space<vmem>>
      %dma_start3A_145 = tpu.memref_squeeze %dma_start3A_144 : memref<1x128x64xf32, #tpu.memory_space<vmem>> -> memref<128x64xf32, #tpu.memory_space<vmem>>
      %dma_start3A_146 = tpu.memref_slice %arg5[%rem3A_90, %multiple_of3A_140] : memref<2x1280xi32, #tpu.memory_space<vmem>> -> memref<1x128xi32, #tpu.memory_space<vmem>>
      %dma_start3A_147 = tpu.memref_squeeze %dma_start3A_146 : memref<1x128xi32, #tpu.memory_space<vmem>> -> memref<128xi32, #tpu.memory_space<vmem>>
      %dma_start3A_148 = arith.constant 0 : i32
      %dma_start3A_149 = arith.constant 0 : i32
      %dma_start3A_150 = tpu.memref_slice %arg3[%dma_start3A_148, %dma_start3A_149] : memref<20480x64xf32, #tpu.memory_space<hbm>> -> memref<20480x64xf32, #tpu.memory_space<hbm>>
      tpu.enqueue_indirect_dma source(%dma_start3A_150 : memref<20480x64xf32, #tpu.memory_space<hbm>>) target(%dma_start3A_145 : memref<128x64xf32, #tpu.memory_space<vmem>>) offsets(%dma_start3A_147 : memref<128xi32, #tpu.memory_space<vmem>>) semaphore(%arg10 : memref<!tpu.dma_semaphore, #tpu.memory_space<semaphore_mem>>)
      %lt3A = arith.constant 24 : i32
      %lt3A_151 = arith.cmpi slt, %scan3A_89, %lt3A : i32
      %convert_element_type3A = arith.extui %lt3A_151 : i1 to i32
      %cond3A = arith.constant 0 : i32
      %cond3A_152 = arith.cmpi ne, %convert_element_type3A, %cond3A : i32
      scf.if %cond3A_152 {
        %add3A_292 = arith.constant 1 : i32
        %add3A_293 = arith.addi %scan3A_89, %add3A_292 : i32
        %sub3A = arith.constant 1 : i32
        %sub3A_294 = arith.subi %sub3A, %rem3A_90 : i32
        %mul3A_295 = arith.constant 64 : i32
        %mul3A_296 = arith.muli %add3A_293, %mul3A_295 : i32
        %add3A_297 = arith.addi %multiple_of3A, %mul3A_296 : i32
        %mul3A_298 = arith.constant 20 : i32
        %mul3A_299 = arith.muli %add3A_297, %mul3A_298 : i32
        %multiple_of3A_300 = tpu.assume_multiple %mul3A_299, 128 : i32
        "tpu.region"() ({
          %run_scoped3A_307 = tpu.sem_alloc : memref<!tpu.dma_semaphore, #tpu.memory_space<semaphore_mem>>
          %dma_start3A_308 = arith.constant 0 : i32
          %dma_start3A_309 = tpu.memref_slice %arg5[%sub3A_294, %dma_start3A_308] : memref<2x1280xi32, #tpu.memory_space<vmem>> -> memref<1x1280xi32, #tpu.memory_space<vmem>>
          %dma_start3A_310 = tpu.memref_squeeze %dma_start3A_309 : memref<1x1280xi32, #tpu.memory_space<vmem>> -> memref<1280xi32, #tpu.memory_space<vmem>>
          %dma_start3A_311 = tpu.memref_slice %arg2[%multiple_of3A_300] : memref<1024000xi32, #tpu.memory_space<hbm>> -> memref<1280xi32, #tpu.memory_space<hbm>>
          %dma_start3A_312 = arith.constant 0 : i32
          %dma_start3A_313 = tpu.memref_slice %arg5[%sub3A_294, %dma_start3A_312] : memref<2x1280xi32, #tpu.memory_space<vmem>> -> memref<1x1280xi32, #tpu.memory_space<vmem>>
          %dma_start3A_314 = tpu.memref_squeeze %dma_start3A_313 : memref<1x1280xi32, #tpu.memory_space<vmem>> -> memref<1280xi32, #tpu.memory_space<vmem>>
          %dma_start3A_315 = tpu.memref_slice %arg2[%multiple_of3A_300] : memref<1024000xi32, #tpu.memory_space<hbm>> -> memref<1280xi32, #tpu.memory_space<hbm>>
          tpu.enqueue_dma source(%dma_start3A_315 : memref<1280xi32, #tpu.memory_space<hbm>>) target(%dma_start3A_314 : memref<1280xi32, #tpu.memory_space<vmem>>) target_semaphore(%run_scoped3A_307 : memref<!tpu.dma_semaphore, #tpu.memory_space<semaphore_mem>>)
          %dma_wait3A_316 = arith.constant 0 : i32
          %dma_wait3A_317 = tpu.memref_slice %arg5[%sub3A_294, %dma_wait3A_316] : memref<2x1280xi32, #tpu.memory_space<vmem>> -> memref<1x1280xi32, #tpu.memory_space<vmem>>
          %dma_wait3A_318 = tpu.memref_squeeze %dma_wait3A_317 : memref<1x1280xi32, #tpu.memory_space<vmem>> -> memref<1280xi32, #tpu.memory_space<vmem>>
          %dma_wait3A_319 = tpu.memref_slice %arg2[%multiple_of3A_300] : memref<1024000xi32, #tpu.memory_space<hbm>> -> memref<1280xi32, #tpu.memory_space<hbm>>
          %dma_wait3A_320 = arith.constant 0 : i32
          %dma_wait3A_321 = tpu.memref_slice %arg5[%sub3A_294, %dma_wait3A_320] : memref<2x1280xi32, #tpu.memory_space<vmem>> -> memref<1x1280xi32, #tpu.memory_space<vmem>>
          %dma_wait3A_322 = tpu.memref_squeeze %dma_wait3A_321 : memref<1x1280xi32, #tpu.memory_space<vmem>> -> memref<1280xi32, #tpu.memory_space<vmem>>
          %dma_wait3A_323 = tpu.memref_slice %arg2[%multiple_of3A_300] : memref<1024000xi32, #tpu.memory_space<hbm>> -> memref<1280xi32, #tpu.memory_space<hbm>>
          tpu.wait_dma2 semaphore(%run_scoped3A_307 : memref<!tpu.dma_semaphore, #tpu.memory_space<semaphore_mem>>) src(%dma_wait3A_323 : memref<1280xi32, #tpu.memory_space<hbm>>) dst(%dma_wait3A_322 : memref<1280xi32, #tpu.memory_space<vmem>>)
          tpu.yield
        }) : () -> ()
        %scan3A_301 = arith.constant 0 : i32
        %scan3A_302 = arith.constant 0 : i32
        %scan3A_303 = arith.constant 80 : i32
        %scan3A_304 = arith.addi %scan3A_302, %scan3A_303 : i32
        %scan3A_305 = arith.constant 1 : i32
        scf.for %scan3A_307 = %scan3A_302 to %scan3A_304 step %scan3A_305  : i32 {
          %mul3A_308 = arith.constant 16 : i32
          %mul3A_309 = arith.muli %scan3A_307, %mul3A_308 : i32
          %get3A = arith.index_cast %sub3A_294 : i32 to index
          %get3A_310 = arith.index_cast %mul3A_309 : i32 to index
          %get3A_311 = tpu.vector_load %arg5[%get3A, %get3A_310] {strides = array<i32>} : memref<2x1280xi32, #tpu.memory_space<vmem>>, vector<1x16xi32>,
          %get3A_312 = vector.shape_cast %get3A_311 : vector<1x16xi32> to vector<16xi32>
          %lt3A_313 = arith.constant 0 : i32
          %lt3A_314 = vector.broadcast %lt3A_313 : i32 to vector<16xi32>
          %lt3A_315 = arith.cmpi slt, %get3A_312, %lt3A_314 : vector<16xi32>
          %jit3A = arith.constant 1000 : i32
          %broadcast_in_dim3A = vector.broadcast %jit3A : i32 to vector<16xi32>
          %select_n3A = arith.select %lt3A_315, %broadcast_in_dim3A, %get3A_312 : vector<16xi1>, vector<16xi32>
          %mul3A_316 = arith.constant 16 : i32
          %mul3A_317 = arith.muli %scan3A_307, %mul3A_316 : i32
          %get3A_318 = arith.index_cast %mul3A_317 : i32 to index
          %get3A_319 = tpu.vector_load %arg6[%get3A_318] {strides = array<i32>} : memref<1280xi32, #tpu.memory_space<vmem>>, vector<16xi32>,
          %get3A_320 = vector.shape_cast %get3A_319 : vector<16xi32> to vector<16xi32>
          %add3A_321 = arith.addi %select_n3A, %get3A_320 : vector<16xi32>
          %mul3A_322 = arith.constant 16 : i32
          %mul3A_323 = arith.muli %scan3A_307, %mul3A_322 : i32
          %swap3A = arith.index_cast %sub3A_294 : i32 to index
          %swap3A_324 = arith.index_cast %mul3A_323 : i32 to index
          %swap3A_325 = tpu.vector_load %arg5[%swap3A, %swap3A_324] {strides = array<i32>} : memref<2x1280xi32, #tpu.memory_space<vmem>>, vector<1x16xi32>,
          %swap3A_326 = vector.shape_cast %swap3A_325 : vector<1x16xi32> to vector<16xi32>
          %swap3A_327 = vector.shape_cast %add3A_321 : vector<16xi32> to vector<1x16xi32>
          tpu.vector_store %arg5[%swap3A, %swap3A_324], %swap3A_327 {strides = array<i32>} : memref<2x1280xi32, #tpu.memory_space<vmem>>, vector<1x16xi32>,
        }
        %scan3A_306 = arith.constant 80 : i32
      } else {
      }
      %dma_wait3A = arith.constant 0 : i32
      %dma_wait3A_153 = arith.constant 0 : i32
      %dma_wait3A_154 = arith.constant 0 : i32
      %dma_wait3A_155 = arith.constant 0 : i32
      %dma_wait3A_156 = tpu.memref_slice %arg7[%dma_wait3A_153, %dma_wait3A_154, %dma_wait3A_155] : memref<2x640x64xf32, #tpu.memory_space<vmem>> -> memref<1x128x64xf32, #tpu.memory_space<vmem>>
      %dma_wait3A_157 = tpu.memref_squeeze %dma_wait3A_156 : memref<1x128x64xf32, #tpu.memory_space<vmem>> -> memref<128x64xf32, #tpu.memory_space<vmem>>
      %dma_wait3A_158 = arith.constant 0 : i32
      %dma_wait3A_159 = tpu.memref_slice %arg5[%dma_wait3A, %dma_wait3A_158] : memref<2x1280xi32, #tpu.memory_space<vmem>> -> memref<1x128xi32, #tpu.memory_space<vmem>>
      %dma_wait3A_160 = tpu.memref_squeeze %dma_wait3A_159 : memref<1x128xi32, #tpu.memory_space<vmem>> -> memref<128xi32, #tpu.memory_space<vmem>>
      %dma_wait3A_161 = arith.constant 0 : i32
      %dma_wait3A_162 = arith.constant 0 : i32
      %dma_wait3A_163 = tpu.memref_slice %arg3[%dma_wait3A_161, %dma_wait3A_162] : memref<20480x64xf32, #tpu.memory_space<hbm>> -> memref<20480x64xf32, #tpu.memory_space<hbm>>
      tpu.wait_indirect_dma semaphore(%arg9 : memref<!tpu.dma_semaphore, #tpu.memory_space<semaphore_mem>>) src(%dma_wait3A_163 : memref<20480x64xf32, #tpu.memory_space<hbm>>) dst(%dma_wait3A_157 : memref<128x64xf32, #tpu.memory_space<vmem>>)
      %dma_wait3A_164 = arith.constant 0 : i32
      %dma_wait3A_165 = arith.constant 0 : i32
      %dma_wait3A_166 = arith.constant 128 : i32
      %dma_wait3A_167 = arith.constant 0 : i32
      %dma_wait3A_168 = tpu.memref_slice %arg7[%dma_wait3A_165, %dma_wait3A_166, %dma_wait3A_167] : memref<2x640x64xf32, #tpu.memory_space<vmem>> -> memref<1x128x64xf32, #tpu.memory_space<vmem>>
      %dma_wait3A_169 = tpu.memref_squeeze %dma_wait3A_168 : memref<1x128x64xf32, #tpu.memory_space<vmem>> -> memref<128x64xf32, #tpu.memory_space<vmem>>
      %dma_wait3A_170 = arith.constant 0 : i32
      %dma_wait3A_171 = tpu.memref_slice %arg5[%dma_wait3A_164, %dma_wait3A_170] : memref<2x1280xi32, #tpu.memory_space<vmem>> -> memref<1x128xi32, #tpu.memory_space<vmem>>
      %dma_wait3A_172 = tpu.memref_squeeze %dma_wait3A_171 : memref<1x128xi32, #tpu.memory_space<vmem>> -> memref<128xi32, #tpu.memory_space<vmem>>
      %dma_wait3A_173 = arith.constant 0 : i32
      %dma_wait3A_174 = arith.constant 0 : i32
      %dma_wait3A_175 = tpu.memref_slice %arg3[%dma_wait3A_173, %dma_wait3A_174] : memref<20480x64xf32, #tpu.memory_space<hbm>> -> memref<20480x64xf32, #tpu.memory_space<hbm>>
      tpu.wait_indirect_dma semaphore(%arg9 : memref<!tpu.dma_semaphore, #tpu.memory_space<semaphore_mem>>) src(%dma_wait3A_175 : memref<20480x64xf32, #tpu.memory_space<hbm>>) dst(%dma_wait3A_169 : memref<128x64xf32, #tpu.memory_space<vmem>>)
      %dma_wait3A_176 = arith.constant 0 : i32
      %dma_wait3A_177 = arith.constant 0 : i32
      %dma_wait3A_178 = arith.constant 256 : i32
      %dma_wait3A_179 = arith.constant 0 : i32
      %dma_wait3A_180 = tpu.memref_slice %arg7[%dma_wait3A_177, %dma_wait3A_178, %dma_wait3A_179] : memref<2x640x64xf32, #tpu.memory_space<vmem>> -> memref<1x128x64xf32, #tpu.memory_space<vmem>>
      %dma_wait3A_181 = tpu.memref_squeeze %dma_wait3A_180 : memref<1x128x64xf32, #tpu.memory_space<vmem>> -> memref<128x64xf32, #tpu.memory_space<vmem>>
      %dma_wait3A_182 = arith.constant 0 : i32
      %dma_wait3A_183 = tpu.memref_slice %arg5[%dma_wait3A_176, %dma_wait3A_182] : memref<2x1280xi32, #tpu.memory_space<vmem>> -> memref<1x128xi32, #tpu.memory_space<vmem>>
      %dma_wait3A_184 = tpu.memref_squeeze %dma_wait3A_183 : memref<1x128xi32, #tpu.memory_space<vmem>> -> memref<128xi32, #tpu.memory_space<vmem>>
      %dma_wait3A_185 = arith.constant 0 : i32
      %dma_wait3A_186 = arith.constant 0 : i32
      %dma_wait3A_187 = tpu.memref_slice %arg3[%dma_wait3A_185, %dma_wait3A_186] : memref<20480x64xf32, #tpu.memory_space<hbm>> -> memref<20480x64xf32, #tpu.memory_space<hbm>>
      tpu.wait_indirect_dma semaphore(%arg9 : memref<!tpu.dma_semaphore, #tpu.memory_space<semaphore_mem>>) src(%dma_wait3A_187 : memref<20480x64xf32, #tpu.memory_space<hbm>>) dst(%dma_wait3A_181 : memref<128x64xf32, #tpu.memory_space<vmem>>)
      %dma_wait3A_188 = arith.constant 0 : i32
      %dma_wait3A_189 = arith.constant 0 : i32
      %dma_wait3A_190 = arith.constant 384 : i32
      %dma_wait3A_191 = arith.constant 0 : i32
      %dma_wait3A_192 = tpu.memref_slice %arg7[%dma_wait3A_189, %dma_wait3A_190, %dma_wait3A_191] : memref<2x640x64xf32, #tpu.memory_space<vmem>> -> memref<1x128x64xf32, #tpu.memory_space<vmem>>
      %dma_wait3A_193 = tpu.memref_squeeze %dma_wait3A_192 : memref<1x128x64xf32, #tpu.memory_space<vmem>> -> memref<128x64xf32, #tpu.memory_space<vmem>>
      %dma_wait3A_194 = arith.constant 0 : i32
      %dma_wait3A_195 = tpu.memref_slice %arg5[%dma_wait3A_188, %dma_wait3A_194] : memref<2x1280xi32, #tpu.memory_space<vmem>> -> memref<1x128xi32, #tpu.memory_space<vmem>>
      %dma_wait3A_196 = tpu.memref_squeeze %dma_wait3A_195 : memref<1x128xi32, #tpu.memory_space<vmem>> -> memref<128xi32, #tpu.memory_space<vmem>>
      %dma_wait3A_197 = arith.constant 0 : i32
      %dma_wait3A_198 = arith.constant 0 : i32
      %dma_wait3A_199 = tpu.memref_slice %arg3[%dma_wait3A_197, %dma_wait3A_198] : memref<20480x64xf32, #tpu.memory_space<hbm>> -> memref<20480x64xf32, #tpu.memory_space<hbm>>
      tpu.wait_indirect_dma semaphore(%arg9 : memref<!tpu.dma_semaphore, #tpu.memory_space<semaphore_mem>>) src(%dma_wait3A_199 : memref<20480x64xf32, #tpu.memory_space<hbm>>) dst(%dma_wait3A_193 : memref<128x64xf32, #tpu.memory_space<vmem>>)
      %dma_wait3A_200 = arith.constant 0 : i32
      %dma_wait3A_201 = arith.constant 0 : i32
      %dma_wait3A_202 = arith.constant 512 : i32
      %dma_wait3A_203 = arith.constant 0 : i32
      %dma_wait3A_204 = tpu.memref_slice %arg7[%dma_wait3A_201, %dma_wait3A_202, %dma_wait3A_203] : memref<2x640x64xf32, #tpu.memory_space<vmem>> -> memref<1x128x64xf32, #tpu.memory_space<vmem>>
      %dma_wait3A_205 = tpu.memref_squeeze %dma_wait3A_204 : memref<1x128x64xf32, #tpu.memory_space<vmem>> -> memref<128x64xf32, #tpu.memory_space<vmem>>
      %dma_wait3A_206 = arith.constant 0 : i32
      %dma_wait3A_207 = tpu.memref_slice %arg5[%dma_wait3A_200, %dma_wait3A_206] : memref<2x1280xi32, #tpu.memory_space<vmem>> -> memref<1x128xi32, #tpu.memory_space<vmem>>
      %dma_wait3A_208 = tpu.memref_squeeze %dma_wait3A_207 : memref<1x128xi32, #tpu.memory_space<vmem>> -> memref<128xi32, #tpu.memory_space<vmem>>
      %dma_wait3A_209 = arith.constant 0 : i32
      %dma_wait3A_210 = arith.constant 0 : i32
      %dma_wait3A_211 = tpu.memref_slice %arg3[%dma_wait3A_209, %dma_wait3A_210] : memref<20480x64xf32, #tpu.memory_space<hbm>> -> memref<20480x64xf32, #tpu.memory_space<hbm>>
      tpu.wait_indirect_dma semaphore(%arg9 : memref<!tpu.dma_semaphore, #tpu.memory_space<semaphore_mem>>) src(%dma_wait3A_211 : memref<20480x64xf32, #tpu.memory_space<hbm>>) dst(%dma_wait3A_205 : memref<128x64xf32, #tpu.memory_space<vmem>>)
      %scan3A_212 = arith.constant 0 : i32
      %scan3A_213 = arith.constant 0 : i32
      %scan3A_214 = arith.constant 32 : i32
      %scan3A_215 = arith.addi %scan3A_213, %scan3A_214 : i32
      %scan3A_216 = arith.constant 1 : i32
      scf.for %scan3A_292 = %scan3A_213 to %scan3A_215 step %scan3A_216  : i32 {
        %mul3A_293 = arith.constant 20 : i32
        %mul3A_294 = arith.muli %scan3A_292, %mul3A_293 : i32
        %add3A_295 = arith.constant 0 : i32
        %add3A_296 = arith.addi %mul3A_294, %add3A_295 : i32
        %get3A = arith.constant 0 : i32
        %get3A_297 = arith.index_cast %get3A : i32 to index
        %get3A_298 = arith.index_cast %add3A_296 : i32 to index
        %get3A_299 = arith.constant 0 : index
        %get3A_300 = tpu.vector_load %arg7[%get3A_297, %get3A_298, %get3A_299] {strides = array<i32>} : memref<2x640x64xf32, #tpu.memory_space<vmem>>, vector<1x1x16xf32>,
        %get3A_301 = vector.shape_cast %get3A_300 : vector<1x1x16xf32> to vector<16xf32>
        %add3A_302 = arith.constant 1 : i32
        %add3A_303 = arith.addi %mul3A_294, %add3A_302 : i32
        %get3A_304 = arith.constant 0 : i32
        %get3A_305 = arith.index_cast %get3A_304 : i32 to index
        %get3A_306 = arith.index_cast %add3A_303 : i32 to index
        %get3A_307 = arith.constant 0 : index
        %get3A_308 = tpu.vector_load %arg7[%get3A_305, %get3A_306, %get3A_307] {strides = array<i32>} : memref<2x640x64xf32, #tpu.memory_space<vmem>>, vector<1x1x16xf32>,
        %get3A_309 = vector.shape_cast %get3A_308 : vector<1x1x16xf32> to vector<16xf32>
        %add3A_310 = arith.constant 2 : i32
        %add3A_311 = arith.addi %mul3A_294, %add3A_310 : i32
        %get3A_312 = arith.constant 0 : i32
        %get3A_313 = arith.index_cast %get3A_312 : i32 to index
        %get3A_314 = arith.index_cast %add3A_311 : i32 to index
        %get3A_315 = arith.constant 0 : index
        %get3A_316 = tpu.vector_load %arg7[%get3A_313, %get3A_314, %get3A_315] {strides = array<i32>} : memref<2x640x64xf32, #tpu.memory_space<vmem>>, vector<1x1x16xf32>,
        %get3A_317 = vector.shape_cast %get3A_316 : vector<1x1x16xf32> to vector<16xf32>
        %add3A_318 = arith.constant 3 : i32
        %add3A_319 = arith.addi %mul3A_294, %add3A_318 : i32
        %get3A_320 = arith.constant 0 : i32
        %get3A_321 = arith.index_cast %get3A_320 : i32 to index
        %get3A_322 = arith.index_cast %add3A_319 : i32 to index
        %get3A_323 = arith.constant 0 : index
        %get3A_324 = tpu.vector_load %arg7[%get3A_321, %get3A_322, %get3A_323] {strides = array<i32>} : memref<2x640x64xf32, #tpu.memory_space<vmem>>, vector<1x1x16xf32>,
        %get3A_325 = vector.shape_cast %get3A_324 : vector<1x1x16xf32> to vector<16xf32>
        %add3A_326 = arith.constant 4 : i32
        %add3A_327 = arith.addi %mul3A_294, %add3A_326 : i32
        %get3A_328 = arith.constant 0 : i32
        %get3A_329 = arith.index_cast %get3A_328 : i32 to index
        %get3A_330 = arith.index_cast %add3A_327 : i32 to index
        %get3A_331 = arith.constant 0 : index
        %get3A_332 = tpu.vector_load %arg7[%get3A_329, %get3A_330, %get3A_331] {strides = array<i32>} : memref<2x640x64xf32, #tpu.memory_space<vmem>>, vector<1x1x16xf32>,
        %get3A_333 = vector.shape_cast %get3A_332 : vector<1x1x16xf32> to vector<16xf32>
        %add3A_334 = arith.constant 5 : i32
        %add3A_335 = arith.addi %mul3A_294, %add3A_334 : i32
        %get3A_336 = arith.constant 0 : i32
        %get3A_337 = arith.index_cast %get3A_336 : i32 to index
        %get3A_338 = arith.index_cast %add3A_335 : i32 to index
        %get3A_339 = arith.constant 0 : index
        %get3A_340 = tpu.vector_load %arg7[%get3A_337, %get3A_338, %get3A_339] {strides = array<i32>} : memref<2x640x64xf32, #tpu.memory_space<vmem>>, vector<1x1x16xf32>,
        %get3A_341 = vector.shape_cast %get3A_340 : vector<1x1x16xf32> to vector<16xf32>
        %add3A_342 = arith.constant 6 : i32
        %add3A_343 = arith.addi %mul3A_294, %add3A_342 : i32
        %get3A_344 = arith.constant 0 : i32
        %get3A_345 = arith.index_cast %get3A_344 : i32 to index
        %get3A_346 = arith.index_cast %add3A_343 : i32 to index
        %get3A_347 = arith.constant 0 : index
        %get3A_348 = tpu.vector_load %arg7[%get3A_345, %get3A_346, %get3A_347] {strides = array<i32>} : memref<2x640x64xf32, #tpu.memory_space<vmem>>, vector<1x1x16xf32>,
        %get3A_349 = vector.shape_cast %get3A_348 : vector<1x1x16xf32> to vector<16xf32>
        %add3A_350 = arith.constant 7 : i32
        %add3A_351 = arith.addi %mul3A_294, %add3A_350 : i32
        %get3A_352 = arith.constant 0 : i32
        %get3A_353 = arith.index_cast %get3A_352 : i32 to index
        %get3A_354 = arith.index_cast %add3A_351 : i32 to index
        %get3A_355 = arith.constant 0 : index
        %get3A_356 = tpu.vector_load %arg7[%get3A_353, %get3A_354, %get3A_355] {strides = array<i32>} : memref<2x640x64xf32, #tpu.memory_space<vmem>>, vector<1x1x16xf32>,
        %get3A_357 = vector.shape_cast %get3A_356 : vector<1x1x16xf32> to vector<16xf32>
        %add3A_358 = arith.constant 8 : i32
        %add3A_359 = arith.addi %mul3A_294, %add3A_358 : i32
        %get3A_360 = arith.constant 0 : i32
        %get3A_361 = arith.index_cast %get3A_360 : i32 to index
        %get3A_362 = arith.index_cast %add3A_359 : i32 to index
        %get3A_363 = arith.constant 0 : index
        %get3A_364 = tpu.vector_load %arg7[%get3A_361, %get3A_362, %get3A_363] {strides = array<i32>} : memref<2x640x64xf32, #tpu.memory_space<vmem>>, vector<1x1x16xf32>,
        %get3A_365 = vector.shape_cast %get3A_364 : vector<1x1x16xf32> to vector<16xf32>
        %add3A_366 = arith.constant 9 : i32
        %add3A_367 = arith.addi %mul3A_294, %add3A_366 : i32
        %get3A_368 = arith.constant 0 : i32
        %get3A_369 = arith.index_cast %get3A_368 : i32 to index
        %get3A_370 = arith.index_cast %add3A_367 : i32 to index
        %get3A_371 = arith.constant 0 : index
        %get3A_372 = tpu.vector_load %arg7[%get3A_369, %get3A_370, %get3A_371] {strides = array<i32>} : memref<2x640x64xf32, #tpu.memory_space<vmem>>, vector<1x1x16xf32>,
        %get3A_373 = vector.shape_cast %get3A_372 : vector<1x1x16xf32> to vector<16xf32>
        %add3A_374 = arith.constant 10 : i32
        %add3A_375 = arith.addi %mul3A_294, %add3A_374 : i32
        %get3A_376 = arith.constant 0 : i32
        %get3A_377 = arith.index_cast %get3A_376 : i32 to index
        %get3A_378 = arith.index_cast %add3A_375 : i32 to index
        %get3A_379 = arith.constant 0 : index
        %get3A_380 = tpu.vector_load %arg7[%get3A_377, %get3A_378, %get3A_379] {strides = array<i32>} : memref<2x640x64xf32, #tpu.memory_space<vmem>>, vector<1x1x16xf32>,
        %get3A_381 = vector.shape_cast %get3A_380 : vector<1x1x16xf32> to vector<16xf32>
        %add3A_382 = arith.constant 11 : i32
        %add3A_383 = arith.addi %mul3A_294, %add3A_382 : i32
        %get3A_384 = arith.constant 0 : i32
        %get3A_385 = arith.index_cast %get3A_384 : i32 to index
        %get3A_386 = arith.index_cast %add3A_383 : i32 to index
        %get3A_387 = arith.constant 0 : index
        %get3A_388 = tpu.vector_load %arg7[%get3A_385, %get3A_386, %get3A_387] {strides = array<i32>} : memref<2x640x64xf32, #tpu.memory_space<vmem>>, vector<1x1x16xf32>,
        %get3A_389 = vector.shape_cast %get3A_388 : vector<1x1x16xf32> to vector<16xf32>
        %add3A_390 = arith.constant 12 : i32
        %add3A_391 = arith.addi %mul3A_294, %add3A_390 : i32
        %get3A_392 = arith.constant 0 : i32
        %get3A_393 = arith.index_cast %get3A_392 : i32 to index
        %get3A_394 = arith.index_cast %add3A_391 : i32 to index
        %get3A_395 = arith.constant 0 : index
        %get3A_396 = tpu.vector_load %arg7[%get3A_393, %get3A_394, %get3A_395] {strides = array<i32>} : memref<2x640x64xf32, #tpu.memory_space<vmem>>, vector<1x1x16xf32>,
        %get3A_397 = vector.shape_cast %get3A_396 : vector<1x1x16xf32> to vector<16xf32>
        %add3A_398 = arith.constant 13 : i32
        %add3A_399 = arith.addi %mul3A_294, %add3A_398 : i32
        %get3A_400 = arith.constant 0 : i32
        %get3A_401 = arith.index_cast %get3A_400 : i32 to index
        %get3A_402 = arith.index_cast %add3A_399 : i32 to index
        %get3A_403 = arith.constant 0 : index
        %get3A_404 = tpu.vector_load %arg7[%get3A_401, %get3A_402, %get3A_403] {strides = array<i32>} : memref<2x640x64xf32, #tpu.memory_space<vmem>>, vector<1x1x16xf32>,
        %get3A_405 = vector.shape_cast %get3A_404 : vector<1x1x16xf32> to vector<16xf32>
        %add3A_406 = arith.constant 14 : i32
        %add3A_407 = arith.addi %mul3A_294, %add3A_406 : i32
        %get3A_408 = arith.constant 0 : i32
        %get3A_409 = arith.index_cast %get3A_408 : i32 to index
        %get3A_410 = arith.index_cast %add3A_407 : i32 to index
        %get3A_411 = arith.constant 0 : index
        %get3A_412 = tpu.vector_load %arg7[%get3A_409, %get3A_410, %get3A_411] {strides = array<i32>} : memref<2x640x64xf32, #tpu.memory_space<vmem>>, vector<1x1x16xf32>,
        %get3A_413 = vector.shape_cast %get3A_412 : vector<1x1x16xf32> to vector<16xf32>
        %add3A_414 = arith.constant 15 : i32
        %add3A_415 = arith.addi %mul3A_294, %add3A_414 : i32
        %get3A_416 = arith.constant 0 : i32
        %get3A_417 = arith.index_cast %get3A_416 : i32 to index
        %get3A_418 = arith.index_cast %add3A_415 : i32 to index
        %get3A_419 = arith.constant 0 : index
        %get3A_420 = tpu.vector_load %arg7[%get3A_417, %get3A_418, %get3A_419] {strides = array<i32>} : memref<2x640x64xf32, #tpu.memory_space<vmem>>, vector<1x1x16xf32>,
        %get3A_421 = vector.shape_cast %get3A_420 : vector<1x1x16xf32> to vector<16xf32>
        %add3A_422 = arith.constant 16 : i32
        %add3A_423 = arith.addi %mul3A_294, %add3A_422 : i32
        %get3A_424 = arith.constant 0 : i32
        %get3A_425 = arith.index_cast %get3A_424 : i32 to index
        %get3A_426 = arith.index_cast %add3A_423 : i32 to index
        %get3A_427 = arith.constant 0 : index
        %get3A_428 = tpu.vector_load %arg7[%get3A_425, %get3A_426, %get3A_427] {strides = array<i32>} : memref<2x640x64xf32, #tpu.memory_space<vmem>>, vector<1x1x16xf32>,
        %get3A_429 = vector.shape_cast %get3A_428 : vector<1x1x16xf32> to vector<16xf32>
        %add3A_430 = arith.constant 17 : i32
        %add3A_431 = arith.addi %mul3A_294, %add3A_430 : i32
        %get3A_432 = arith.constant 0 : i32
        %get3A_433 = arith.index_cast %get3A_432 : i32 to index
        %get3A_434 = arith.index_cast %add3A_431 : i32 to index
        %get3A_435 = arith.constant 0 : index
        %get3A_436 = tpu.vector_load %arg7[%get3A_433, %get3A_434, %get3A_435] {strides = array<i32>} : memref<2x640x64xf32, #tpu.memory_space<vmem>>, vector<1x1x16xf32>,
        %get3A_437 = vector.shape_cast %get3A_436 : vector<1x1x16xf32> to vector<16xf32>
        %add3A_438 = arith.constant 18 : i32
        %add3A_439 = arith.addi %mul3A_294, %add3A_438 : i32
        %get3A_440 = arith.constant 0 : i32
        %get3A_441 = arith.index_cast %get3A_440 : i32 to index
        %get3A_442 = arith.index_cast %add3A_439 : i32 to index
        %get3A_443 = arith.constant 0 : index
        %get3A_444 = tpu.vector_load %arg7[%get3A_441, %get3A_442, %get3A_443] {strides = array<i32>} : memref<2x640x64xf32, #tpu.memory_space<vmem>>, vector<1x1x16xf32>,
        %get3A_445 = vector.shape_cast %get3A_444 : vector<1x1x16xf32> to vector<16xf32>
        %add3A_446 = arith.constant 19 : i32
        %add3A_447 = arith.addi %mul3A_294, %add3A_446 : i32
        %get3A_448 = arith.constant 0 : i32
        %get3A_449 = arith.index_cast %get3A_448 : i32 to index
        %get3A_450 = arith.index_cast %add3A_447 : i32 to index
        %get3A_451 = arith.constant 0 : index
        %get3A_452 = tpu.vector_load %arg7[%get3A_449, %get3A_450, %get3A_451] {strides = array<i32>} : memref<2x640x64xf32, #tpu.memory_space<vmem>>, vector<1x1x16xf32>,
        %get3A_453 = vector.shape_cast %get3A_452 : vector<1x1x16xf32> to vector<16xf32>
        %add3A_454 = arith.addf %get3A_301, %get3A_309 : vector<16xf32>
        %add3A_455 = arith.addf %get3A_317, %get3A_325 : vector<16xf32>
        %add3A_456 = arith.addf %get3A_333, %get3A_341 : vector<16xf32>
        %add3A_457 = arith.addf %get3A_349, %get3A_357 : vector<16xf32>
        %add3A_458 = arith.addf %get3A_365, %get3A_373 : vector<16xf32>
        %add3A_459 = arith.addf %get3A_381, %get3A_389 : vector<16xf32>
        %add3A_460 = arith.addf %get3A_397, %get3A_405 : vector<16xf32>
        %add3A_461 = arith.addf %get3A_413, %get3A_421 : vector<16xf32>
        %add3A_462 = arith.addf %get3A_429, %get3A_437 : vector<16xf32>
        %add3A_463 = arith.addf %get3A_445, %get3A_453 : vector<16xf32>
        %add3A_464 = arith.addf %add3A_454, %add3A_455 : vector<16xf32>
        %add3A_465 = arith.addf %add3A_456, %add3A_457 : vector<16xf32>
        %add3A_466 = arith.addf %add3A_458, %add3A_459 : vector<16xf32>
        %add3A_467 = arith.addf %add3A_460, %add3A_461 : vector<16xf32>
        %add3A_468 = arith.addf %add3A_462, %add3A_463 : vector<16xf32>
        %add3A_469 = arith.addf %add3A_464, %add3A_465 : vector<16xf32>
        %add3A_470 = arith.addf %add3A_466, %add3A_467 : vector<16xf32>
        %add3A_471 = arith.addf %add3A_469, %add3A_470 : vector<16xf32>
        %add3A_472 = arith.addf %add3A_471, %add3A_468 : vector<16xf32>
        %add3A_473 = arith.constant 0 : i32
        %add3A_474 = arith.addi %add3A_473, %scan3A_292 : i32
        %swap3A = arith.index_cast %add3A_474 : i32 to index
        %swap3A_475 = arith.constant 0 : index
        %swap3A_476 = tpu.vector_load %arg8[%swap3A, %swap3A_475] {strides = array<i32>} : memref<64x64xf32, #tpu.memory_space<vmem>>, vector<1x16xf32>,
        %swap3A_477 = vector.shape_cast %swap3A_476 : vector<1x16xf32> to vector<16xf32>
        %swap3A_478 = vector.shape_cast %add3A_472 : vector<16xf32> to vector<1x16xf32>
        tpu.vector_store %arg8[%swap3A, %swap3A_475], %swap3A_478 {strides = array<i32>} : memref<64x64xf32, #tpu.memory_space<vmem>>, vector<1x16xf32>,
        %add3A_479 = arith.constant 0 : i32
        %add3A_480 = arith.addi %mul3A_294, %add3A_479 : i32
        %get3A_481 = arith.constant 0 : i32
        %get3A_482 = arith.index_cast %get3A_481 : i32 to index
        %get3A_483 = arith.index_cast %add3A_480 : i32 to index
        %get3A_484 = arith.constant 16 : index
        %get3A_485 = tpu.vector_load %arg7[%get3A_482, %get3A_483, %get3A_484] {strides = array<i32>} : memref<2x640x64xf32, #tpu.memory_space<vmem>>, vector<1x1x16xf32>,
        %get3A_486 = vector.shape_cast %get3A_485 : vector<1x1x16xf32> to vector<16xf32>
        %add3A_487 = arith.constant 1 : i32
        %add3A_488 = arith.addi %mul3A_294, %add3A_487 : i32
        %get3A_489 = arith.constant 0 : i32
        %get3A_490 = arith.index_cast %get3A_489 : i32 to index
        %get3A_491 = arith.index_cast %add3A_488 : i32 to index
        %get3A_492 = arith.constant 16 : index
        %get3A_493 = tpu.vector_load %arg7[%get3A_490, %get3A_491, %get3A_492] {strides = array<i32>} : memref<2x640x64xf32, #tpu.memory_space<vmem>>, vector<1x1x16xf32>,
        %get3A_494 = vector.shape_cast %get3A_493 : vector<1x1x16xf32> to vector<16xf32>
        %add3A_495 = arith.constant 2 : i32
        %add3A_496 = arith.addi %mul3A_294, %add3A_495 : i32
        %get3A_497 = arith.constant 0 : i32
        %get3A_498 = arith.index_cast %get3A_497 : i32 to index
        %get3A_499 = arith.index_cast %add3A_496 : i32 to index
        %get3A_500 = arith.constant 16 : index
        %get3A_501 = tpu.vector_load %arg7[%get3A_498, %get3A_499, %get3A_500] {strides = array<i32>} : memref<2x640x64xf32, #tpu.memory_space<vmem>>, vector<1x1x16xf32>,
        %get3A_502 = vector.shape_cast %get3A_501 : vector<1x1x16xf32> to vector<16xf32>
        %add3A_503 = arith.constant 3 : i32
        %add3A_504 = arith.addi %mul3A_294, %add3A_503 : i32
        %get3A_505 = arith.constant 0 : i32
        %get3A_506 = arith.index_cast %get3A_505 : i32 to index
        %get3A_507 = arith.index_cast %add3A_504 : i32 to index
        %get3A_508 = arith.constant 16 : index
        %get3A_509 = tpu.vector_load %arg7[%get3A_506, %get3A_507, %get3A_508] {strides = array<i32>} : memref<2x640x64xf32, #tpu.memory_space<vmem>>, vector<1x1x16xf32>,
        %get3A_510 = vector.shape_cast %get3A_509 : vector<1x1x16xf32> to vector<16xf32>
        %add3A_511 = arith.constant 4 : i32
        %add3A_512 = arith.addi %mul3A_294, %add3A_511 : i32
        %get3A_513 = arith.constant 0 : i32
        %get3A_514 = arith.index_cast %get3A_513 : i32 to index
        %get3A_515 = arith.index_cast %add3A_512 : i32 to index
        %get3A_516 = arith.constant 16 : index
        %get3A_517 = tpu.vector_load %arg7[%get3A_514, %get3A_515, %get3A_516] {strides = array<i32>} : memref<2x640x64xf32, #tpu.memory_space<vmem>>, vector<1x1x16xf32>,
        %get3A_518 = vector.shape_cast %get3A_517 : vector<1x1x16xf32> to vector<16xf32>
        %add3A_519 = arith.constant 5 : i32
        %add3A_520 = arith.addi %mul3A_294, %add3A_519 : i32
        %get3A_521 = arith.constant 0 : i32
        %get3A_522 = arith.index_cast %get3A_521 : i32 to index
        %get3A_523 = arith.index_cast %add3A_520 : i32 to index
        %get3A_524 = arith.constant 16 : index
        %get3A_525 = tpu.vector_load %arg7[%get3A_522, %get3A_523, %get3A_524] {strides = array<i32>} : memref<2x640x64xf32, #tpu.memory_space<vmem>>, vector<1x1x16xf32>,
        %get3A_526 = vector.shape_cast %get3A_525 : vector<1x1x16xf32> to vector<16xf32>
        %add3A_527 = arith.constant 6 : i32
        %add3A_528 = arith.addi %mul3A_294, %add3A_527 : i32
        %get3A_529 = arith.constant 0 : i32
        %get3A_530 = arith.index_cast %get3A_529 : i32 to index
        %get3A_531 = arith.index_cast %add3A_528 : i32 to index
        %get3A_532 = arith.constant 16 : index
        %get3A_533 = tpu.vector_load %arg7[%get3A_530, %get3A_531, %get3A_532] {strides = array<i32>} : memref<2x640x64xf32, #tpu.memory_space<vmem>>, vector<1x1x16xf32>,
        %get3A_534 = vector.shape_cast %get3A_533 : vector<1x1x16xf32> to vector<16xf32>
        %add3A_535 = arith.constant 7 : i32
        %add3A_536 = arith.addi %mul3A_294, %add3A_535 : i32
        %get3A_537 = arith.constant 0 : i32
        %get3A_538 = arith.index_cast %get3A_537 : i32 to index
        %get3A_539 = arith.index_cast %add3A_536 : i32 to index
        %get3A_540 = arith.constant 16 : index
        %get3A_541 = tpu.vector_load %arg7[%get3A_538, %get3A_539, %get3A_540] {strides = array<i32>} : memref<2x640x64xf32, #tpu.memory_space<vmem>>, vector<1x1x16xf32>,
        %get3A_542 = vector.shape_cast %get3A_541 : vector<1x1x16xf32> to vector<16xf32>
        %add3A_543 = arith.constant 8 : i32
        %add3A_544 = arith.addi %mul3A_294, %add3A_543 : i32
        %get3A_545 = arith.constant 0 : i32
        %get3A_546 = arith.index_cast %get3A_545 : i32 to index
        %get3A_547 = arith.index_cast %add3A_544 : i32 to index
        %get3A_548 = arith.constant 16 : index
        %get3A_549 = tpu.vector_load %arg7[%get3A_546, %get3A_547, %get3A_548] {strides = array<i32>} : memref<2x640x64xf32, #tpu.memory_space<vmem>>, vector<1x1x16xf32>,
        %get3A_550 = vector.shape_cast %get3A_549 : vector<1x1x16xf32> to vector<16xf32>
        %add3A_551 = arith.constant 9 : i32
        %add3A_552 = arith.addi %mul3A_294, %add3A_551 : i32
        %get3A_553 = arith.constant 0 : i32
        %get3A_554 = arith.index_cast %get3A_553 : i32 to index
        %get3A_555 = arith.index_cast %add3A_552 : i32 to index
        %get3A_556 = arith.constant 16 : index
        %get3A_557 = tpu.vector_load %arg7[%get3A_554, %get3A_555, %get3A_556] {strides = array<i32>} : memref<2x640x64xf32, #tpu.memory_space<vmem>>, vector<1x1x16xf32>,
        %get3A_558 = vector.shape_cast %get3A_557 : vector<1x1x16xf32> to vector<16xf32>
        %add3A_559 = arith.constant 10 : i32
        %add3A_560 = arith.addi %mul3A_294, %add3A_559 : i32
        %get3A_561 = arith.constant 0 : i32
        %get3A_562 = arith.index_cast %get3A_561 : i32 to index
        %get3A_563 = arith.index_cast %add3A_560 : i32 to index
        %get3A_564 = arith.constant 16 : index
        %get3A_565 = tpu.vector_load %arg7[%get3A_562, %get3A_563, %get3A_564] {strides = array<i32>} : memref<2x640x64xf32, #tpu.memory_space<vmem>>, vector<1x1x16xf32>,
        %get3A_566 = vector.shape_cast %get3A_565 : vector<1x1x16xf32> to vector<16xf32>
        %add3A_567 = arith.constant 11 : i32
        %add3A_568 = arith.addi %mul3A_294, %add3A_567 : i32
        %get3A_569 = arith.constant 0 : i32
        %get3A_570 = arith.index_cast %get3A_569 : i32 to index
        %get3A_571 = arith.index_cast %add3A_568 : i32 to index
        %get3A_572 = arith.constant 16 : index
        %get3A_573 = tpu.vector_load %arg7[%get3A_570, %get3A_571, %get3A_572] {strides = array<i32>} : memref<2x640x64xf32, #tpu.memory_space<vmem>>, vector<1x1x16xf32>,
        %get3A_574 = vector.shape_cast %get3A_573 : vector<1x1x16xf32> to vector<16xf32>
        %add3A_575 = arith.constant 12 : i32
        %add3A_576 = arith.addi %mul3A_294, %add3A_575 : i32
        %get3A_577 = arith.constant 0 : i32
        %get3A_578 = arith.index_cast %get3A_577 : i32 to index
        %get3A_579 = arith.index_cast %add3A_576 : i32 to index
        %get3A_580 = arith.constant 16 : index
        %get3A_581 = tpu.vector_load %arg7[%get3A_578, %get3A_579, %get3A_580] {strides = array<i32>} : memref<2x640x64xf32, #tpu.memory_space<vmem>>, vector<1x1x16xf32>,
        %get3A_582 = vector.shape_cast %get3A_581 : vector<1x1x16xf32> to vector<16xf32>
        %add3A_583 = arith.constant 13 : i32
        %add3A_584 = arith.addi %mul3A_294, %add3A_583 : i32
        %get3A_585 = arith.constant 0 : i32
        %get3A_586 = arith.index_cast %get3A_585 : i32 to index
        %get3A_587 = arith.index_cast %add3A_584 : i32 to index
        %get3A_588 = arith.constant 16 : index
        %get3A_589 = tpu.vector_load %arg7[%get3A_586, %get3A_587, %get3A_588] {strides = array<i32>} : memref<2x640x64xf32, #tpu.memory_space<vmem>>, vector<1x1x16xf32>,
        %get3A_590 = vector.shape_cast %get3A_589 : vector<1x1x16xf32> to vector<16xf32>
        %add3A_591 = arith.constant 14 : i32
        %add3A_592 = arith.addi %mul3A_294, %add3A_591 : i32
        %get3A_593 = arith.constant 0 : i32
        %get3A_594 = arith.index_cast %get3A_593 : i32 to index
        %get3A_595 = arith.index_cast %add3A_592 : i32 to index
        %get3A_596 = arith.constant 16 : index
        %get3A_597 = tpu.vector_load %arg7[%get3A_594, %get3A_595, %get3A_596] {strides = array<i32>} : memref<2x640x64xf32, #tpu.memory_space<vmem>>, vector<1x1x16xf32>,
        %get3A_598 = vector.shape_cast %get3A_597 : vector<1x1x16xf32> to vector<16xf32>
        %add3A_599 = arith.constant 15 : i32
        %add3A_600 = arith.addi %mul3A_294, %add3A_599 : i32
        %get3A_601 = arith.constant 0 : i32
        %get3A_602 = arith.index_cast %get3A_601 : i32 to index
        %get3A_603 = arith.index_cast %add3A_600 : i32 to index
        %get3A_604 = arith.constant 16 : index
        %get3A_605 = tpu.vector_load %arg7[%get3A_602, %get3A_603, %get3A_604] {strides = array<i32>} : memref<2x640x64xf32, #tpu.memory_space<vmem>>, vector<1x1x16xf32>,
        %get3A_606 = vector.shape_cast %get3A_605 : vector<1x1x16xf32> to vector<16xf32>
        %add3A_607 = arith.constant 16 : i32
        %add3A_608 = arith.addi %mul3A_294, %add3A_607 : i32
        %get3A_609 = arith.constant 0 : i32
        %get3A_610 = arith.index_cast %get3A_609 : i32 to index
        %get3A_611 = arith.index_cast %add3A_608 : i32 to index
        %get3A_612 = arith.constant 16 : index
        %get3A_613 = tpu.vector_load %arg7[%get3A_610, %get3A_611, %get3A_612] {strides = array<i32>} : memref<2x640x64xf32, #tpu.memory_space<vmem>>, vector<1x1x16xf32>,
        %get3A_614 = vector.shape_cast %get3A_613 : vector<1x1x16xf32> to vector<16xf32>
        %add3A_615 = arith.constant 17 : i32
        %add3A_616 = arith.addi %mul3A_294, %add3A_615 : i32
        %get3A_617 = arith.constant 0 : i32
        %get3A_618 = arith.index_cast %get3A_617 : i32 to index
        %get3A_619 = arith.index_cast %add3A_616 : i32 to index
        %get3A_620 = arith.constant 16 : index
        %get3A_621 = tpu.vector_load %arg7[%get3A_618, %get3A_619, %get3A_620] {strides = array<i32>} : memref<2x640x64xf32, #tpu.memory_space<vmem>>, vector<1x1x16xf32>,
        %get3A_622 = vector.shape_cast %get3A_621 : vector<1x1x16xf32> to vector<16xf32>
        %add3A_623 = arith.constant 18 : i32
        %add3A_624 = arith.addi %mul3A_294, %add3A_623 : i32
        %get3A_625 = arith.constant 0 : i32
        %get3A_626 = arith.index_cast %get3A_625 : i32 to index
        %get3A_627 = arith.index_cast %add3A_624 : i32 to index
        %get3A_628 = arith.constant 16 : index
        %get3A_629 = tpu.vector_load %arg7[%get3A_626, %get3A_627, %get3A_628] {strides = array<i32>} : memref<2x640x64xf32, #tpu.memory_space<vmem>>, vector<1x1x16xf32>,
        %get3A_630 = vector.shape_cast %get3A_629 : vector<1x1x16xf32> to vector<16xf32>
        %add3A_631 = arith.constant 19 : i32
        %add3A_632 = arith.addi %mul3A_294, %add3A_631 : i32
        %get3A_633 = arith.constant 0 : i32
        %get3A_634 = arith.index_cast %get3A_633 : i32 to index
        %get3A_635 = arith.index_cast %add3A_632 : i32 to index
        %get3A_636 = arith.constant 16 : index
        %get3A_637 = tpu.vector_load %arg7[%get3A_634, %get3A_635, %get3A_636] {strides = array<i32>} : memref<2x640x64xf32, #tpu.memory_space<vmem>>, vector<1x1x16xf32>,
        %get3A_638 = vector.shape_cast %get3A_637 : vector<1x1x16xf32> to vector<16xf32>
        %add3A_639 = arith.addf %get3A_486, %get3A_494 : vector<16xf32>
        %add3A_640 = arith.addf %get3A_502, %get3A_510 : vector<16xf32>
        %add3A_641 = arith.addf %get3A_518, %get3A_526 : vector<16xf32>
        %add3A_642 = arith.addf %get3A_534, %get3A_542 : vector<16xf32>
        %add3A_643 = arith.addf %get3A_550, %get3A_558 : vector<16xf32>
        %add3A_644 = arith.addf %get3A_566, %get3A_574 : vector<16xf32>
        %add3A_645 = arith.addf %get3A_582, %get3A_590 : vector<16xf32>
        %add3A_646 = arith.addf %get3A_598, %get3A_606 : vector<16xf32>
        %add3A_647 = arith.addf %get3A_614, %get3A_622 : vector<16xf32>
        %add3A_648 = arith.addf %get3A_630, %get3A_638 : vector<16xf32>
        %add3A_649 = arith.addf %add3A_639, %add3A_640 : vector<16xf32>
        %add3A_650 = arith.addf %add3A_641, %add3A_642 : vector<16xf32>
        %add3A_651 = arith.addf %add3A_643, %add3A_644 : vector<16xf32>
        %add3A_652 = arith.addf %add3A_645, %add3A_646 : vector<16xf32>
        %add3A_653 = arith.addf %add3A_647, %add3A_648 : vector<16xf32>
        %add3A_654 = arith.addf %add3A_649, %add3A_650 : vector<16xf32>
        %add3A_655 = arith.addf %add3A_651, %add3A_652 : vector<16xf32>
        %add3A_656 = arith.addf %add3A_654, %add3A_655 : vector<16xf32>
        %add3A_657 = arith.addf %add3A_656, %add3A_653 : vector<16xf32>
        %add3A_658 = arith.constant 0 : i32
        %add3A_659 = arith.addi %add3A_658, %scan3A_292 : i32
        %swap3A_660 = arith.index_cast %add3A_659 : i32 to index
        %swap3A_661 = arith.constant 16 : index
        %swap3A_662 = tpu.vector_load %arg8[%swap3A_660, %swap3A_661] {strides = array<i32>} : memref<64x64xf32, #tpu.memory_space<vmem>>, vector<1x16xf32>,
        %swap3A_663 = vector.shape_cast %swap3A_662 : vector<1x16xf32> to vector<16xf32>
        %swap3A_664 = vector.shape_cast %add3A_657 : vector<16xf32> to vector<1x16xf32>
        tpu.vector_store %arg8[%swap3A_660, %swap3A_661], %swap3A_664 {strides = array<i32>} : memref<64x64xf32, #tpu.memory_space<vmem>>, vector<1x16xf32>,
        %add3A_665 = arith.constant 0 : i32
        %add3A_666 = arith.addi %mul3A_294, %add3A_665 : i32
        %get3A_667 = arith.constant 0 : i32
        %get3A_668 = arith.index_cast %get3A_667 : i32 to index
        %get3A_669 = arith.index_cast %add3A_666 : i32 to index
        %get3A_670 = arith.constant 32 : index
        %get3A_671 = tpu.vector_load %arg7[%get3A_668, %get3A_669, %get3A_670] {strides = array<i32>} : memref<2x640x64xf32, #tpu.memory_space<vmem>>, vector<1x1x16xf32>,
        %get3A_672 = vector.shape_cast %get3A_671 : vector<1x1x16xf32> to vector<16xf32>
        %add3A_673 = arith.constant 1 : i32
        %add3A_674 = arith.addi %mul3A_294, %add3A_673 : i32
        %get3A_675 = arith.constant 0 : i32
        %get3A_676 = arith.index_cast %get3A_675 : i32 to index
        %get3A_677 = arith.index_cast %add3A_674 : i32 to index
        %get3A_678 = arith.constant 32 : index
        %get3A_679 = tpu.vector_load %arg7[%get3A_676, %get3A_677, %get3A_678] {strides = array<i32>} : memref<2x640x64xf32, #tpu.memory_space<vmem>>, vector<1x1x16xf32>,
        %get3A_680 = vector.shape_cast %get3A_679 : vector<1x1x16xf32> to vector<16xf32>
        %add3A_681 = arith.constant 2 : i32
        %add3A_682 = arith.addi %mul3A_294, %add3A_681 : i32
        %get3A_683 = arith.constant 0 : i32
        %get3A_684 = arith.index_cast %get3A_683 : i32 to index
        %get3A_685 = arith.index_cast %add3A_682 : i32 to index
        %get3A_686 = arith.constant 32 : index
        %get3A_687 = tpu.vector_load %arg7[%get3A_684, %get3A_685, %get3A_686] {strides = array<i32>} : memref<2x640x64xf32, #tpu.memory_space<vmem>>, vector<1x1x16xf32>,
        %get3A_688 = vector.shape_cast %get3A_687 : vector<1x1x16xf32> to vector<16xf32>
        %add3A_689 = arith.constant 3 : i32
        %add3A_690 = arith.addi %mul3A_294, %add3A_689 : i32
        %get3A_691 = arith.constant 0 : i32
        %get3A_692 = arith.index_cast %get3A_691 : i32 to index
        %get3A_693 = arith.index_cast %add3A_690 : i32 to index
        %get3A_694 = arith.constant 32 : index
        %get3A_695 = tpu.vector_load %arg7[%get3A_692, %get3A_693, %get3A_694] {strides = array<i32>} : memref<2x640x64xf32, #tpu.memory_space<vmem>>, vector<1x1x16xf32>,
        %get3A_696 = vector.shape_cast %get3A_695 : vector<1x1x16xf32> to vector<16xf32>
        %add3A_697 = arith.constant 4 : i32
        %add3A_698 = arith.addi %mul3A_294, %add3A_697 : i32
        %get3A_699 = arith.constant 0 : i32
        %get3A_700 = arith.index_cast %get3A_699 : i32 to index
        %get3A_701 = arith.index_cast %add3A_698 : i32 to index
        %get3A_702 = arith.constant 32 : index
        %get3A_703 = tpu.vector_load %arg7[%get3A_700, %get3A_701, %get3A_702] {strides = array<i32>} : memref<2x640x64xf32, #tpu.memory_space<vmem>>, vector<1x1x16xf32>,
        %get3A_704 = vector.shape_cast %get3A_703 : vector<1x1x16xf32> to vector<16xf32>
        %add3A_705 = arith.constant 5 : i32
        %add3A_706 = arith.addi %mul3A_294, %add3A_705 : i32
        %get3A_707 = arith.constant 0 : i32
        %get3A_708 = arith.index_cast %get3A_707 : i32 to index
        %get3A_709 = arith.index_cast %add3A_706 : i32 to index
        %get3A_710 = arith.constant 32 : index
        %get3A_711 = tpu.vector_load %arg7[%get3A_708, %get3A_709, %get3A_710] {strides = array<i32>} : memref<2x640x64xf32, #tpu.memory_space<vmem>>, vector<1x1x16xf32>,
        %get3A_712 = vector.shape_cast %get3A_711 : vector<1x1x16xf32> to vector<16xf32>
        %add3A_713 = arith.constant 6 : i32
        %add3A_714 = arith.addi %mul3A_294, %add3A_713 : i32
        %get3A_715 = arith.constant 0 : i32
        %get3A_716 = arith.index_cast %get3A_715 : i32 to index
        %get3A_717 = arith.index_cast %add3A_714 : i32 to index
        %get3A_718 = arith.constant 32 : index
        %get3A_719 = tpu.vector_load %arg7[%get3A_716, %get3A_717, %get3A_718] {strides = array<i32>} : memref<2x640x64xf32, #tpu.memory_space<vmem>>, vector<1x1x16xf32>,
        %get3A_720 = vector.shape_cast %get3A_719 : vector<1x1x16xf32> to vector<16xf32>
        %add3A_721 = arith.constant 7 : i32
        %add3A_722 = arith.addi %mul3A_294, %add3A_721 : i32
        %get3A_723 = arith.constant 0 : i32
        %get3A_724 = arith.index_cast %get3A_723 : i32 to index
        %get3A_725 = arith.index_cast %add3A_722 : i32 to index
        %get3A_726 = arith.constant 32 : index
        %get3A_727 = tpu.vector_load %arg7[%get3A_724, %get3A_725, %get3A_726] {strides = array<i32>} : memref<2x640x64xf32, #tpu.memory_space<vmem>>, vector<1x1x16xf32>,
        %get3A_728 = vector.shape_cast %get3A_727 : vector<1x1x16xf32> to vector<16xf32>
        %add3A_729 = arith.constant 8 : i32
        %add3A_730 = arith.addi %mul3A_294, %add3A_729 : i32
        %get3A_731 = arith.constant 0 : i32
        %get3A_732 = arith.index_cast %get3A_731 : i32 to index
        %get3A_733 = arith.index_cast %add3A_730 : i32 to index
        %get3A_734 = arith.constant 32 : index
        %get3A_735 = tpu.vector_load %arg7[%get3A_732, %get3A_733, %get3A_734] {strides = array<i32>} : memref<2x640x64xf32, #tpu.memory_space<vmem>>, vector<1x1x16xf32>,
        %get3A_736 = vector.shape_cast %get3A_735 : vector<1x1x16xf32> to vector<16xf32>
        %add3A_737 = arith.constant 9 : i32
        %add3A_738 = arith.addi %mul3A_294, %add3A_737 : i32
        %get3A_739 = arith.constant 0 : i32
        %get3A_740 = arith.index_cast %get3A_739 : i32 to index
        %get3A_741 = arith.index_cast %add3A_738 : i32 to index
        %get3A_742 = arith.constant 32 : index
        %get3A_743 = tpu.vector_load %arg7[%get3A_740, %get3A_741, %get3A_742] {strides = array<i32>} : memref<2x640x64xf32, #tpu.memory_space<vmem>>, vector<1x1x16xf32>,
        %get3A_744 = vector.shape_cast %get3A_743 : vector<1x1x16xf32> to vector<16xf32>
        %add3A_745 = arith.constant 10 : i32
        %add3A_746 = arith.addi %mul3A_294, %add3A_745 : i32
        %get3A_747 = arith.constant 0 : i32
        %get3A_748 = arith.index_cast %get3A_747 : i32 to index
        %get3A_749 = arith.index_cast %add3A_746 : i32 to index
        %get3A_750 = arith.constant 32 : index
        %get3A_751 = tpu.vector_load %arg7[%get3A_748, %get3A_749, %get3A_750] {strides = array<i32>} : memref<2x640x64xf32, #tpu.memory_space<vmem>>, vector<1x1x16xf32>,
        %get3A_752 = vector.shape_cast %get3A_751 : vector<1x1x16xf32> to vector<16xf32>
        %add3A_753 = arith.constant 11 : i32
        %add3A_754 = arith.addi %mul3A_294, %add3A_753 : i32
        %get3A_755 = arith.constant 0 : i32
        %get3A_756 = arith.index_cast %get3A_755 : i32 to index
        %get3A_757 = arith.index_cast %add3A_754 : i32 to index
        %get3A_758 = arith.constant 32 : index
        %get3A_759 = tpu.vector_load %arg7[%get3A_756, %get3A_757, %get3A_758] {strides = array<i32>} : memref<2x640x64xf32, #tpu.memory_space<vmem>>, vector<1x1x16xf32>,
        %get3A_760 = vector.shape_cast %get3A_759 : vector<1x1x16xf32> to vector<16xf32>
        %add3A_761 = arith.constant 12 : i32
        %add3A_762 = arith.addi %mul3A_294, %add3A_761 : i32
        %get3A_763 = arith.constant 0 : i32
        %get3A_764 = arith.index_cast %get3A_763 : i32 to index
        %get3A_765 = arith.index_cast %add3A_762 : i32 to index
        %get3A_766 = arith.constant 32 : index
        %get3A_767 = tpu.vector_load %arg7[%get3A_764, %get3A_765, %get3A_766] {strides = array<i32>} : memref<2x640x64xf32, #tpu.memory_space<vmem>>, vector<1x1x16xf32>,
        %get3A_768 = vector.shape_cast %get3A_767 : vector<1x1x16xf32> to vector<16xf32>
        %add3A_769 = arith.constant 13 : i32
        %add3A_770 = arith.addi %mul3A_294, %add3A_769 : i32
        %get3A_771 = arith.constant 0 : i32
        %get3A_772 = arith.index_cast %get3A_771 : i32 to index
        %get3A_773 = arith.index_cast %add3A_770 : i32 to index
        %get3A_774 = arith.constant 32 : index
        %get3A_775 = tpu.vector_load %arg7[%get3A_772, %get3A_773, %get3A_774] {strides = array<i32>} : memref<2x640x64xf32, #tpu.memory_space<vmem>>, vector<1x1x16xf32>,
        %get3A_776 = vector.shape_cast %get3A_775 : vector<1x1x16xf32> to vector<16xf32>
        %add3A_777 = arith.constant 14 : i32
        %add3A_778 = arith.addi %mul3A_294, %add3A_777 : i32
        %get3A_779 = arith.constant 0 : i32
        %get3A_780 = arith.index_cast %get3A_779 : i32 to index
        %get3A_781 = arith.index_cast %add3A_778 : i32 to index
        %get3A_782 = arith.constant 32 : index
        %get3A_783 = tpu.vector_load %arg7[%get3A_780, %get3A_781, %get3A_782] {strides = array<i32>} : memref<2x640x64xf32, #tpu.memory_space<vmem>>, vector<1x1x16xf32>,
        %get3A_784 = vector.shape_cast %get3A_783 : vector<1x1x16xf32> to vector<16xf32>
        %add3A_785 = arith.constant 15 : i32
        %add3A_786 = arith.addi %mul3A_294, %add3A_785 : i32
        %get3A_787 = arith.constant 0 : i32
        %get3A_788 = arith.index_cast %get3A_787 : i32 to index
        %get3A_789 = arith.index_cast %add3A_786 : i32 to index
        %get3A_790 = arith.constant 32 : index
        %get3A_791 = tpu.vector_load %arg7[%get3A_788, %get3A_789, %get3A_790] {strides = array<i32>} : memref<2x640x64xf32, #tpu.memory_space<vmem>>, vector<1x1x16xf32>,
        %get3A_792 = vector.shape_cast %get3A_791 : vector<1x1x16xf32> to vector<16xf32>
        %add3A_793 = arith.constant 16 : i32
        %add3A_794 = arith.addi %mul3A_294, %add3A_793 : i32
        %get3A_795 = arith.constant 0 : i32
        %get3A_796 = arith.index_cast %get3A_795 : i32 to index
        %get3A_797 = arith.index_cast %add3A_794 : i32 to index
        %get3A_798 = arith.constant 32 : index
        %get3A_799 = tpu.vector_load %arg7[%get3A_796, %get3A_797, %get3A_798] {strides = array<i32>} : memref<2x640x64xf32, #tpu.memory_space<vmem>>, vector<1x1x16xf32>,
        %get3A_800 = vector.shape_cast %get3A_799 : vector<1x1x16xf32> to vector<16xf32>
        %add3A_801 = arith.constant 17 : i32
        %add3A_802 = arith.addi %mul3A_294, %add3A_801 : i32
        %get3A_803 = arith.constant 0 : i32
        %get3A_804 = arith.index_cast %get3A_803 : i32 to index
        %get3A_805 = arith.index_cast %add3A_802 : i32 to index
        %get3A_806 = arith.constant 32 : index
        %get3A_807 = tpu.vector_load %arg7[%get3A_804, %get3A_805, %get3A_806] {strides = array<i32>} : memref<2x640x64xf32, #tpu.memory_space<vmem>>, vector<1x1x16xf32>,
        %get3A_808 = vector.shape_cast %get3A_807 : vector<1x1x16xf32> to vector<16xf32>
        %add3A_809 = arith.constant 18 : i32
        %add3A_810 = arith.addi %mul3A_294, %add3A_809 : i32
        %get3A_811 = arith.constant 0 : i32
        %get3A_812 = arith.index_cast %get3A_811 : i32 to index
        %get3A_813 = arith.index_cast %add3A_810 : i32 to index
        %get3A_814 = arith.constant 32 : index
        %get3A_815 = tpu.vector_load %arg7[%get3A_812, %get3A_813, %get3A_814] {strides = array<i32>} : memref<2x640x64xf32, #tpu.memory_space<vmem>>, vector<1x1x16xf32>,
        %get3A_816 = vector.shape_cast %get3A_815 : vector<1x1x16xf32> to vector<16xf32>
        %add3A_817 = arith.constant 19 : i32
        %add3A_818 = arith.addi %mul3A_294, %add3A_817 : i32
        %get3A_819 = arith.constant 0 : i32
        %get3A_820 = arith.index_cast %get3A_819 : i32 to index
        %get3A_821 = arith.index_cast %add3A_818 : i32 to index
        %get3A_822 = arith.constant 32 : index
        %get3A_823 = tpu.vector_load %arg7[%get3A_820, %get3A_821, %get3A_822] {strides = array<i32>} : memref<2x640x64xf32, #tpu.memory_space<vmem>>, vector<1x1x16xf32>,
        %get3A_824 = vector.shape_cast %get3A_823 : vector<1x1x16xf32> to vector<16xf32>
        %add3A_825 = arith.addf %get3A_672, %get3A_680 : vector<16xf32>
        %add3A_826 = arith.addf %get3A_688, %get3A_696 : vector<16xf32>
        %add3A_827 = arith.addf %get3A_704, %get3A_712 : vector<16xf32>
        %add3A_828 = arith.addf %get3A_720, %get3A_728 : vector<16xf32>
        %add3A_829 = arith.addf %get3A_736, %get3A_744 : vector<16xf32>
        %add3A_830 = arith.addf %get3A_752, %get3A_760 : vector<16xf32>
        %add3A_831 = arith.addf %get3A_768, %get3A_776 : vector<16xf32>
        %add3A_832 = arith.addf %get3A_784, %get3A_792 : vector<16xf32>
        %add3A_833 = arith.addf %get3A_800, %get3A_808 : vector<16xf32>
        %add3A_834 = arith.addf %get3A_816, %get3A_824 : vector<16xf32>
        %add3A_835 = arith.addf %add3A_825, %add3A_826 : vector<16xf32>
        %add3A_836 = arith.addf %add3A_827, %add3A_828 : vector<16xf32>
        %add3A_837 = arith.addf %add3A_829, %add3A_830 : vector<16xf32>
        %add3A_838 = arith.addf %add3A_831, %add3A_832 : vector<16xf32>
        %add3A_839 = arith.addf %add3A_833, %add3A_834 : vector<16xf32>
        %add3A_840 = arith.addf %add3A_835, %add3A_836 : vector<16xf32>
        %add3A_841 = arith.addf %add3A_837, %add3A_838 : vector<16xf32>
        %add3A_842 = arith.addf %add3A_840, %add3A_841 : vector<16xf32>
        %add3A_843 = arith.addf %add3A_842, %add3A_839 : vector<16xf32>
        %add3A_844 = arith.constant 0 : i32
        %add3A_845 = arith.addi %add3A_844, %scan3A_292 : i32
        %swap3A_846 = arith.index_cast %add3A_845 : i32 to index
        %swap3A_847 = arith.constant 32 : index
        %swap3A_848 = tpu.vector_load %arg8[%swap3A_846, %swap3A_847] {strides = array<i32>} : memref<64x64xf32, #tpu.memory_space<vmem>>, vector<1x16xf32>,
        %swap3A_849 = vector.shape_cast %swap3A_848 : vector<1x16xf32> to vector<16xf32>
        %swap3A_850 = vector.shape_cast %add3A_843 : vector<16xf32> to vector<1x16xf32>
        tpu.vector_store %arg8[%swap3A_846, %swap3A_847], %swap3A_850 {strides = array<i32>} : memref<64x64xf32, #tpu.memory_space<vmem>>, vector<1x16xf32>,
        %add3A_851 = arith.constant 0 : i32
        %add3A_852 = arith.addi %mul3A_294, %add3A_851 : i32
        %get3A_853 = arith.constant 0 : i32
        %get3A_854 = arith.index_cast %get3A_853 : i32 to index
        %get3A_855 = arith.index_cast %add3A_852 : i32 to index
        %get3A_856 = arith.constant 48 : index
        %get3A_857 = tpu.vector_load %arg7[%get3A_854, %get3A_855, %get3A_856] {strides = array<i32>} : memref<2x640x64xf32, #tpu.memory_space<vmem>>, vector<1x1x16xf32>,
        %get3A_858 = vector.shape_cast %get3A_857 : vector<1x1x16xf32> to vector<16xf32>
        %add3A_859 = arith.constant 1 : i32
        %add3A_860 = arith.addi %mul3A_294, %add3A_859 : i32
        %get3A_861 = arith.constant 0 : i32
        %get3A_862 = arith.index_cast %get3A_861 : i32 to index
        %get3A_863 = arith.index_cast %add3A_860 : i32 to index
        %get3A_864 = arith.constant 48 : index
        %get3A_865 = tpu.vector_load %arg7[%get3A_862, %get3A_863, %get3A_864] {strides = array<i32>} : memref<2x640x64xf32, #tpu.memory_space<vmem>>, vector<1x1x16xf32>,
        %get3A_866 = vector.shape_cast %get3A_865 : vector<1x1x16xf32> to vector<16xf32>
        %add3A_867 = arith.constant 2 : i32
        %add3A_868 = arith.addi %mul3A_294, %add3A_867 : i32
        %get3A_869 = arith.constant 0 : i32
        %get3A_870 = arith.index_cast %get3A_869 : i32 to index
        %get3A_871 = arith.index_cast %add3A_868 : i32 to index
        %get3A_872 = arith.constant 48 : index
        %get3A_873 = tpu.vector_load %arg7[%get3A_870, %get3A_871, %get3A_872] {strides = array<i32>} : memref<2x640x64xf32, #tpu.memory_space<vmem>>, vector<1x1x16xf32>,
        %get3A_874 = vector.shape_cast %get3A_873 : vector<1x1x16xf32> to vector<16xf32>
        %add3A_875 = arith.constant 3 : i32
        %add3A_876 = arith.addi %mul3A_294, %add3A_875 : i32
        %get3A_877 = arith.constant 0 : i32
        %get3A_878 = arith.index_cast %get3A_877 : i32 to index
        %get3A_879 = arith.index_cast %add3A_876 : i32 to index
        %get3A_880 = arith.constant 48 : index
        %get3A_881 = tpu.vector_load %arg7[%get3A_878, %get3A_879, %get3A_880] {strides = array<i32>} : memref<2x640x64xf32, #tpu.memory_space<vmem>>, vector<1x1x16xf32>,
        %get3A_882 = vector.shape_cast %get3A_881 : vector<1x1x16xf32> to vector<16xf32>
        %add3A_883 = arith.constant 4 : i32
        %add3A_884 = arith.addi %mul3A_294, %add3A_883 : i32
        %get3A_885 = arith.constant 0 : i32
        %get3A_886 = arith.index_cast %get3A_885 : i32 to index
        %get3A_887 = arith.index_cast %add3A_884 : i32 to index
        %get3A_888 = arith.constant 48 : index
        %get3A_889 = tpu.vector_load %arg7[%get3A_886, %get3A_887, %get3A_888] {strides = array<i32>} : memref<2x640x64xf32, #tpu.memory_space<vmem>>, vector<1x1x16xf32>,
        %get3A_890 = vector.shape_cast %get3A_889 : vector<1x1x16xf32> to vector<16xf32>
        %add3A_891 = arith.constant 5 : i32
        %add3A_892 = arith.addi %mul3A_294, %add3A_891 : i32
        %get3A_893 = arith.constant 0 : i32
        %get3A_894 = arith.index_cast %get3A_893 : i32 to index
        %get3A_895 = arith.index_cast %add3A_892 : i32 to index
        %get3A_896 = arith.constant 48 : index
        %get3A_897 = tpu.vector_load %arg7[%get3A_894, %get3A_895, %get3A_896] {strides = array<i32>} : memref<2x640x64xf32, #tpu.memory_space<vmem>>, vector<1x1x16xf32>,
        %get3A_898 = vector.shape_cast %get3A_897 : vector<1x1x16xf32> to vector<16xf32>
        %add3A_899 = arith.constant 6 : i32
        %add3A_900 = arith.addi %mul3A_294, %add3A_899 : i32
        %get3A_901 = arith.constant 0 : i32
        %get3A_902 = arith.index_cast %get3A_901 : i32 to index
        %get3A_903 = arith.index_cast %add3A_900 : i32 to index
        %get3A_904 = arith.constant 48 : index
        %get3A_905 = tpu.vector_load %arg7[%get3A_902, %get3A_903, %get3A_904] {strides = array<i32>} : memref<2x640x64xf32, #tpu.memory_space<vmem>>, vector<1x1x16xf32>,
        %get3A_906 = vector.shape_cast %get3A_905 : vector<1x1x16xf32> to vector<16xf32>
        %add3A_907 = arith.constant 7 : i32
        %add3A_908 = arith.addi %mul3A_294, %add3A_907 : i32
        %get3A_909 = arith.constant 0 : i32
        %get3A_910 = arith.index_cast %get3A_909 : i32 to index
        %get3A_911 = arith.index_cast %add3A_908 : i32 to index
        %get3A_912 = arith.constant 48 : index
        %get3A_913 = tpu.vector_load %arg7[%get3A_910, %get3A_911, %get3A_912] {strides = array<i32>} : memref<2x640x64xf32, #tpu.memory_space<vmem>>, vector<1x1x16xf32>,
        %get3A_914 = vector.shape_cast %get3A_913 : vector<1x1x16xf32> to vector<16xf32>
        %add3A_915 = arith.constant 8 : i32
        %add3A_916 = arith.addi %mul3A_294, %add3A_915 : i32
        %get3A_917 = arith.constant 0 : i32
        %get3A_918 = arith.index_cast %get3A_917 : i32 to index
        %get3A_919 = arith.index_cast %add3A_916 : i32 to index
        %get3A_920 = arith.constant 48 : index
        %get3A_921 = tpu.vector_load %arg7[%get3A_918, %get3A_919, %get3A_920] {strides = array<i32>} : memref<2x640x64xf32, #tpu.memory_space<vmem>>, vector<1x1x16xf32>,
        %get3A_922 = vector.shape_cast %get3A_921 : vector<1x1x16xf32> to vector<16xf32>
        %add3A_923 = arith.constant 9 : i32
        %add3A_924 = arith.addi %mul3A_294, %add3A_923 : i32
        %get3A_925 = arith.constant 0 : i32
        %get3A_926 = arith.index_cast %get3A_925 : i32 to index
        %get3A_927 = arith.index_cast %add3A_924 : i32 to index
        %get3A_928 = arith.constant 48 : index
        %get3A_929 = tpu.vector_load %arg7[%get3A_926, %get3A_927, %get3A_928] {strides = array<i32>} : memref<2x640x64xf32, #tpu.memory_space<vmem>>, vector<1x1x16xf32>,
        %get3A_930 = vector.shape_cast %get3A_929 : vector<1x1x16xf32> to vector<16xf32>
        %add3A_931 = arith.constant 10 : i32
        %add3A_932 = arith.addi %mul3A_294, %add3A_931 : i32
        %get3A_933 = arith.constant 0 : i32
        %get3A_934 = arith.index_cast %get3A_933 : i32 to index
        %get3A_935 = arith.index_cast %add3A_932 : i32 to index
        %get3A_936 = arith.constant 48 : index
        %get3A_937 = tpu.vector_load %arg7[%get3A_934, %get3A_935, %get3A_936] {strides = array<i32>} : memref<2x640x64xf32, #tpu.memory_space<vmem>>, vector<1x1x16xf32>,
        %get3A_938 = vector.shape_cast %get3A_937 : vector<1x1x16xf32> to vector<16xf32>
        %add3A_939 = arith.constant 11 : i32
        %add3A_940 = arith.addi %mul3A_294, %add3A_939 : i32
        %get3A_941 = arith.constant 0 : i32
        %get3A_942 = arith.index_cast %get3A_941 : i32 to index
        %get3A_943 = arith.index_cast %add3A_940 : i32 to index
        %get3A_944 = arith.constant 48 : index
        %get3A_945 = tpu.vector_load %arg7[%get3A_942, %get3A_943, %get3A_944] {strides = array<i32>} : memref<2x640x64xf32, #tpu.memory_space<vmem>>, vector<1x1x16xf32>,
        %get3A_946 = vector.shape_cast %get3A_945 : vector<1x1x16xf32> to vector<16xf32>
        %add3A_947 = arith.constant 12 : i32
        %add3A_948 = arith.addi %mul3A_294, %add3A_947 : i32
        %get3A_949 = arith.constant 0 : i32
        %get3A_950 = arith.index_cast %get3A_949 : i32 to index
        %get3A_951 = arith.index_cast %add3A_948 : i32 to index
        %get3A_952 = arith.constant 48 : index
        %get3A_953 = tpu.vector_load %arg7[%get3A_950, %get3A_951, %get3A_952] {strides = array<i32>} : memref<2x640x64xf32, #tpu.memory_space<vmem>>, vector<1x1x16xf32>,
        %get3A_954 = vector.shape_cast %get3A_953 : vector<1x1x16xf32> to vector<16xf32>
        %add3A_955 = arith.constant 13 : i32
        %add3A_956 = arith.addi %mul3A_294, %add3A_955 : i32
        %get3A_957 = arith.constant 0 : i32
        %get3A_958 = arith.index_cast %get3A_957 : i32 to index
        %get3A_959 = arith.index_cast %add3A_956 : i32 to index
        %get3A_960 = arith.constant 48 : index
        %get3A_961 = tpu.vector_load %arg7[%get3A_958, %get3A_959, %get3A_960] {strides = array<i32>} : memref<2x640x64xf32, #tpu.memory_space<vmem>>, vector<1x1x16xf32>,
        %get3A_962 = vector.shape_cast %get3A_961 : vector<1x1x16xf32> to vector<16xf32>
        %add3A_963 = arith.constant 14 : i32
        %add3A_964 = arith.addi %mul3A_294, %add3A_963 : i32
        %get3A_965 = arith.constant 0 : i32
        %get3A_966 = arith.index_cast %get3A_965 : i32 to index
        %get3A_967 = arith.index_cast %add3A_964 : i32 to index
        %get3A_968 = arith.constant 48 : index
        %get3A_969 = tpu.vector_load %arg7[%get3A_966, %get3A_967, %get3A_968] {strides = array<i32>} : memref<2x640x64xf32, #tpu.memory_space<vmem>>, vector<1x1x16xf32>,
        %get3A_970 = vector.shape_cast %get3A_969 : vector<1x1x16xf32> to vector<16xf32>
        %add3A_971 = arith.constant 15 : i32
        %add3A_972 = arith.addi %mul3A_294, %add3A_971 : i32
        %get3A_973 = arith.constant 0 : i32
        %get3A_974 = arith.index_cast %get3A_973 : i32 to index
        %get3A_975 = arith.index_cast %add3A_972 : i32 to index
        %get3A_976 = arith.constant 48 : index
        %get3A_977 = tpu.vector_load %arg7[%get3A_974, %get3A_975, %get3A_976] {strides = array<i32>} : memref<2x640x64xf32, #tpu.memory_space<vmem>>, vector<1x1x16xf32>,
        %get3A_978 = vector.shape_cast %get3A_977 : vector<1x1x16xf32> to vector<16xf32>
        %add3A_979 = arith.constant 16 : i32
        %add3A_980 = arith.addi %mul3A_294, %add3A_979 : i32
        %get3A_981 = arith.constant 0 : i32
        %get3A_982 = arith.index_cast %get3A_981 : i32 to index
        %get3A_983 = arith.index_cast %add3A_980 : i32 to index
        %get3A_984 = arith.constant 48 : index
        %get3A_985 = tpu.vector_load %arg7[%get3A_982, %get3A_983, %get3A_984] {strides = array<i32>} : memref<2x640x64xf32, #tpu.memory_space<vmem>>, vector<1x1x16xf32>,
        %get3A_986 = vector.shape_cast %get3A_985 : vector<1x1x16xf32> to vector<16xf32>
        %add3A_987 = arith.constant 17 : i32
        %add3A_988 = arith.addi %mul3A_294, %add3A_987 : i32
        %get3A_989 = arith.constant 0 : i32
        %get3A_990 = arith.index_cast %get3A_989 : i32 to index
        %get3A_991 = arith.index_cast %add3A_988 : i32 to index
        %get3A_992 = arith.constant 48 : index
        %get3A_993 = tpu.vector_load %arg7[%get3A_990, %get3A_991, %get3A_992] {strides = array<i32>} : memref<2x640x64xf32, #tpu.memory_space<vmem>>, vector<1x1x16xf32>,
        %get3A_994 = vector.shape_cast %get3A_993 : vector<1x1x16xf32> to vector<16xf32>
        %add3A_995 = arith.constant 18 : i32
        %add3A_996 = arith.addi %mul3A_294, %add3A_995 : i32
        %get3A_997 = arith.constant 0 : i32
        %get3A_998 = arith.index_cast %get3A_997 : i32 to index
        %get3A_999 = arith.index_cast %add3A_996 : i32 to index
        %get3A_1000 = arith.constant 48 : index
        %get3A_1001 = tpu.vector_load %arg7[%get3A_998, %get3A_999, %get3A_1000] {strides = array<i32>} : memref<2x640x64xf32, #tpu.memory_space<vmem>>, vector<1x1x16xf32>,
        %get3A_1002 = vector.shape_cast %get3A_1001 : vector<1x1x16xf32> to vector<16xf32>
        %add3A_1003 = arith.constant 19 : i32
        %add3A_1004 = arith.addi %mul3A_294, %add3A_1003 : i32
        %get3A_1005 = arith.constant 0 : i32
        %get3A_1006 = arith.index_cast %get3A_1005 : i32 to index
        %get3A_1007 = arith.index_cast %add3A_1004 : i32 to index
        %get3A_1008 = arith.constant 48 : index
        %get3A_1009 = tpu.vector_load %arg7[%get3A_1006, %get3A_1007, %get3A_1008] {strides = array<i32>} : memref<2x640x64xf32, #tpu.memory_space<vmem>>, vector<1x1x16xf32>,
        %get3A_1010 = vector.shape_cast %get3A_1009 : vector<1x1x16xf32> to vector<16xf32>
        %add3A_1011 = arith.addf %get3A_858, %get3A_866 : vector<16xf32>
        %add3A_1012 = arith.addf %get3A_874, %get3A_882 : vector<16xf32>
        %add3A_1013 = arith.addf %get3A_890, %get3A_898 : vector<16xf32>
        %add3A_1014 = arith.addf %get3A_906, %get3A_914 : vector<16xf32>
        %add3A_1015 = arith.addf %get3A_922, %get3A_930 : vector<16xf32>
        %add3A_1016 = arith.addf %get3A_938, %get3A_946 : vector<16xf32>
        %add3A_1017 = arith.addf %get3A_954, %get3A_962 : vector<16xf32>
        %add3A_1018 = arith.addf %get3A_970, %get3A_978 : vector<16xf32>
        %add3A_1019 = arith.addf %get3A_986, %get3A_994 : vector<16xf32>
        %add3A_1020 = arith.addf %get3A_1002, %get3A_1010 : vector<16xf32>
        %add3A_1021 = arith.addf %add3A_1011, %add3A_1012 : vector<16xf32>
        %add3A_1022 = arith.addf %add3A_1013, %add3A_1014 : vector<16xf32>
        %add3A_1023 = arith.addf %add3A_1015, %add3A_1016 : vector<16xf32>
        %add3A_1024 = arith.addf %add3A_1017, %add3A_1018 : vector<16xf32>
        %add3A_1025 = arith.addf %add3A_1019, %add3A_1020 : vector<16xf32>
        %add3A_1026 = arith.addf %add3A_1021, %add3A_1022 : vector<16xf32>
        %add3A_1027 = arith.addf %add3A_1023, %add3A_1024 : vector<16xf32>
        %add3A_1028 = arith.addf %add3A_1026, %add3A_1027 : vector<16xf32>
        %add3A_1029 = arith.addf %add3A_1028, %add3A_1025 : vector<16xf32>
        %add3A_1030 = arith.constant 0 : i32
        %add3A_1031 = arith.addi %add3A_1030, %scan3A_292 : i32
        %swap3A_1032 = arith.index_cast %add3A_1031 : i32 to index
        %swap3A_1033 = arith.constant 48 : index
        %swap3A_1034 = tpu.vector_load %arg8[%swap3A_1032, %swap3A_1033] {strides = array<i32>} : memref<64x64xf32, #tpu.memory_space<vmem>>, vector<1x16xf32>,
        %swap3A_1035 = vector.shape_cast %swap3A_1034 : vector<1x16xf32> to vector<16xf32>
        %swap3A_1036 = vector.shape_cast %add3A_1029 : vector<16xf32> to vector<1x16xf32>
        tpu.vector_store %arg8[%swap3A_1032, %swap3A_1033], %swap3A_1036 {strides = array<i32>} : memref<64x64xf32, #tpu.memory_space<vmem>>, vector<1x16xf32>,
      }
      %scan3A_217 = arith.constant 32 : i32
      %lt3A_218 = arith.constant 24 : i32
      %lt3A_219 = arith.cmpi slt, %scan3A_89, %lt3A_218 : i32
      %convert_element_type3A_220 = arith.extui %lt3A_219 : i1 to i32
      %cond3A_221 = arith.constant 0 : i32
      %cond3A_222 = arith.cmpi ne, %convert_element_type3A_220, %cond3A_221 : i32
      scf.if %cond3A_222 {
        %sub3A = arith.constant 1 : i32
        %sub3A_292 = arith.subi %sub3A, %rem3A_90 : i32
        %multiple_of3A_293 = arith.constant 0 : i32
        %multiple_of3A_294 = tpu.assume_multiple %multiple_of3A_293, 128 : i32
        %dma_start3A_295 = arith.constant 0 : i32
        %dma_start3A_296 = arith.constant 0 : i32
        %dma_start3A_297 = arith.constant 0 : i32
        %dma_start3A_298 = tpu.memref_slice %arg7[%dma_start3A_295, %dma_start3A_296, %dma_start3A_297] : memref<2x640x64xf32, #tpu.memory_space<vmem>> -> memref<1x128x64xf32, #tpu.memory_space<vmem>>
        %dma_start3A_299 = tpu.memref_squeeze %dma_start3A_298 : memref<1x128x64xf32, #tpu.memory_space<vmem>> -> memref<128x64xf32, #tpu.memory_space<vmem>>
        %dma_start3A_300 = tpu.memref_slice %arg5[%sub3A_292, %multiple_of3A_294] : memref<2x1280xi32, #tpu.memory_space<vmem>> -> memref<1x128xi32, #tpu.memory_space<vmem>>
        %dma_start3A_301 = tpu.memref_squeeze %dma_start3A_300 : memref<1x128xi32, #tpu.memory_space<vmem>> -> memref<128xi32, #tpu.memory_space<vmem>>
        %dma_start3A_302 = arith.constant 0 : i32
        %dma_start3A_303 = arith.constant 0 : i32
        %dma_start3A_304 = tpu.memref_slice %arg3[%dma_start3A_302, %dma_start3A_303] : memref<20480x64xf32, #tpu.memory_space<hbm>> -> memref<20480x64xf32, #tpu.memory_space<hbm>>
        tpu.enqueue_indirect_dma source(%dma_start3A_304 : memref<20480x64xf32, #tpu.memory_space<hbm>>) target(%dma_start3A_299 : memref<128x64xf32, #tpu.memory_space<vmem>>) offsets(%dma_start3A_301 : memref<128xi32, #tpu.memory_space<vmem>>) semaphore(%arg9 : memref<!tpu.dma_semaphore, #tpu.memory_space<semaphore_mem>>)
        %multiple_of3A_305 = arith.constant 128 : i32
        %multiple_of3A_306 = tpu.assume_multiple %multiple_of3A_305, 128 : i32
        %dma_start3A_307 = arith.constant 0 : i32
        %dma_start3A_308 = arith.constant 128 : i32
        %dma_start3A_309 = arith.constant 0 : i32
        %dma_start3A_310 = tpu.memref_slice %arg7[%dma_start3A_307, %dma_start3A_308, %dma_start3A_309] : memref<2x640x64xf32, #tpu.memory_space<vmem>> -> memref<1x128x64xf32, #tpu.memory_space<vmem>>
        %dma_start3A_311 = tpu.memref_squeeze %dma_start3A_310 : memref<1x128x64xf32, #tpu.memory_space<vmem>> -> memref<128x64xf32, #tpu.memory_space<vmem>>
        %dma_start3A_312 = tpu.memref_slice %arg5[%sub3A_292, %multiple_of3A_306] : memref<2x1280xi32, #tpu.memory_space<vmem>> -> memref<1x128xi32, #tpu.memory_space<vmem>>
        %dma_start3A_313 = tpu.memref_squeeze %dma_start3A_312 : memref<1x128xi32, #tpu.memory_space<vmem>> -> memref<128xi32, #tpu.memory_space<vmem>>
        %dma_start3A_314 = arith.constant 0 : i32
        %dma_start3A_315 = arith.constant 0 : i32
        %dma_start3A_316 = tpu.memref_slice %arg3[%dma_start3A_314, %dma_start3A_315] : memref<20480x64xf32, #tpu.memory_space<hbm>> -> memref<20480x64xf32, #tpu.memory_space<hbm>>
        tpu.enqueue_indirect_dma source(%dma_start3A_316 : memref<20480x64xf32, #tpu.memory_space<hbm>>) target(%dma_start3A_311 : memref<128x64xf32, #tpu.memory_space<vmem>>) offsets(%dma_start3A_313 : memref<128xi32, #tpu.memory_space<vmem>>) semaphore(%arg9 : memref<!tpu.dma_semaphore, #tpu.memory_space<semaphore_mem>>)
        %multiple_of3A_317 = arith.constant 256 : i32
        %multiple_of3A_318 = tpu.assume_multiple %multiple_of3A_317, 128 : i32
        %dma_start3A_319 = arith.constant 0 : i32
        %dma_start3A_320 = arith.constant 256 : i32
        %dma_start3A_321 = arith.constant 0 : i32
        %dma_start3A_322 = tpu.memref_slice %arg7[%dma_start3A_319, %dma_start3A_320, %dma_start3A_321] : memref<2x640x64xf32, #tpu.memory_space<vmem>> -> memref<1x128x64xf32, #tpu.memory_space<vmem>>
        %dma_start3A_323 = tpu.memref_squeeze %dma_start3A_322 : memref<1x128x64xf32, #tpu.memory_space<vmem>> -> memref<128x64xf32, #tpu.memory_space<vmem>>
        %dma_start3A_324 = tpu.memref_slice %arg5[%sub3A_292, %multiple_of3A_318] : memref<2x1280xi32, #tpu.memory_space<vmem>> -> memref<1x128xi32, #tpu.memory_space<vmem>>
        %dma_start3A_325 = tpu.memref_squeeze %dma_start3A_324 : memref<1x128xi32, #tpu.memory_space<vmem>> -> memref<128xi32, #tpu.memory_space<vmem>>
        %dma_start3A_326 = arith.constant 0 : i32
        %dma_start3A_327 = arith.constant 0 : i32
        %dma_start3A_328 = tpu.memref_slice %arg3[%dma_start3A_326, %dma_start3A_327] : memref<20480x64xf32, #tpu.memory_space<hbm>> -> memref<20480x64xf32, #tpu.memory_space<hbm>>
        tpu.enqueue_indirect_dma source(%dma_start3A_328 : memref<20480x64xf32, #tpu.memory_space<hbm>>) target(%dma_start3A_323 : memref<128x64xf32, #tpu.memory_space<vmem>>) offsets(%dma_start3A_325 : memref<128xi32, #tpu.memory_space<vmem>>) semaphore(%arg9 : memref<!tpu.dma_semaphore, #tpu.memory_space<semaphore_mem>>)
        %multiple_of3A_329 = arith.constant 384 : i32
        %multiple_of3A_330 = tpu.assume_multiple %multiple_of3A_329, 128 : i32
        %dma_start3A_331 = arith.constant 0 : i32
        %dma_start3A_332 = arith.constant 384 : i32
        %dma_start3A_333 = arith.constant 0 : i32
        %dma_start3A_334 = tpu.memref_slice %arg7[%dma_start3A_331, %dma_start3A_332, %dma_start3A_333] : memref<2x640x64xf32, #tpu.memory_space<vmem>> -> memref<1x128x64xf32, #tpu.memory_space<vmem>>
        %dma_start3A_335 = tpu.memref_squeeze %dma_start3A_334 : memref<1x128x64xf32, #tpu.memory_space<vmem>> -> memref<128x64xf32, #tpu.memory_space<vmem>>
        %dma_start3A_336 = tpu.memref_slice %arg5[%sub3A_292, %multiple_of3A_330] : memref<2x1280xi32, #tpu.memory_space<vmem>> -> memref<1x128xi32, #tpu.memory_space<vmem>>
        %dma_start3A_337 = tpu.memref_squeeze %dma_start3A_336 : memref<1x128xi32, #tpu.memory_space<vmem>> -> memref<128xi32, #tpu.memory_space<vmem>>
        %dma_start3A_338 = arith.constant 0 : i32
        %dma_start3A_339 = arith.constant 0 : i32
        %dma_start3A_340 = tpu.memref_slice %arg3[%dma_start3A_338, %dma_start3A_339] : memref<20480x64xf32, #tpu.memory_space<hbm>> -> memref<20480x64xf32, #tpu.memory_space<hbm>>
        tpu.enqueue_indirect_dma source(%dma_start3A_340 : memref<20480x64xf32, #tpu.memory_space<hbm>>) target(%dma_start3A_335 : memref<128x64xf32, #tpu.memory_space<vmem>>) offsets(%dma_start3A_337 : memref<128xi32, #tpu.memory_space<vmem>>) semaphore(%arg9 : memref<!tpu.dma_semaphore, #tpu.memory_space<semaphore_mem>>)
        %multiple_of3A_341 = arith.constant 512 : i32
        %multiple_of3A_342 = tpu.assume_multiple %multiple_of3A_341, 128 : i32
        %dma_start3A_343 = arith.constant 0 : i32
        %dma_start3A_344 = arith.constant 512 : i32
        %dma_start3A_345 = arith.constant 0 : i32
        %dma_start3A_346 = tpu.memref_slice %arg7[%dma_start3A_343, %dma_start3A_344, %dma_start3A_345] : memref<2x640x64xf32, #tpu.memory_space<vmem>> -> memref<1x128x64xf32, #tpu.memory_space<vmem>>
        %dma_start3A_347 = tpu.memref_squeeze %dma_start3A_346 : memref<1x128x64xf32, #tpu.memory_space<vmem>> -> memref<128x64xf32, #tpu.memory_space<vmem>>
        %dma_start3A_348 = tpu.memref_slice %arg5[%sub3A_292, %multiple_of3A_342] : memref<2x1280xi32, #tpu.memory_space<vmem>> -> memref<1x128xi32, #tpu.memory_space<vmem>>
        %dma_start3A_349 = tpu.memref_squeeze %dma_start3A_348 : memref<1x128xi32, #tpu.memory_space<vmem>> -> memref<128xi32, #tpu.memory_space<vmem>>
        %dma_start3A_350 = arith.constant 0 : i32
        %dma_start3A_351 = arith.constant 0 : i32
        %dma_start3A_352 = tpu.memref_slice %arg3[%dma_start3A_350, %dma_start3A_351] : memref<20480x64xf32, #tpu.memory_space<hbm>> -> memref<20480x64xf32, #tpu.memory_space<hbm>>
        tpu.enqueue_indirect_dma source(%dma_start3A_352 : memref<20480x64xf32, #tpu.memory_space<hbm>>) target(%dma_start3A_347 : memref<128x64xf32, #tpu.memory_space<vmem>>) offsets(%dma_start3A_349 : memref<128xi32, #tpu.memory_space<vmem>>) semaphore(%arg9 : memref<!tpu.dma_semaphore, #tpu.memory_space<semaphore_mem>>)
      } else {
      }
      %dma_wait3A_223 = arith.constant 0 : i32
      %dma_wait3A_224 = arith.constant 1 : i32
      %dma_wait3A_225 = arith.constant 0 : i32
      %dma_wait3A_226 = arith.constant 0 : i32
      %dma_wait3A_227 = tpu.memref_slice %arg7[%dma_wait3A_224, %dma_wait3A_225, %dma_wait3A_226] : memref<2x640x64xf32, #tpu.memory_space<vmem>> -> memref<1x128x64xf32, #tpu.memory_space<vmem>>
      %dma_wait3A_228 = tpu.memref_squeeze %dma_wait3A_227 : memref<1x128x64xf32, #tpu.memory_space<vmem>> -> memref<128x64xf32, #tpu.memory_space<vmem>>
      %dma_wait3A_229 = arith.constant 0 : i32
      %dma_wait3A_230 = tpu.memref_slice %arg5[%dma_wait3A_223, %dma_wait3A_229] : memref<2x1280xi32, #tpu.memory_space<vmem>> -> memref<1x128xi32, #tpu.memory_space<vmem>>
      %dma_wait3A_231 = tpu.memref_squeeze %dma_wait3A_230 : memref<1x128xi32, #tpu.memory_space<vmem>> -> memref<128xi32, #tpu.memory_space<vmem>>
      %dma_wait3A_232 = arith.constant 0 : i32
      %dma_wait3A_233 = arith.constant 0 : i32
      %dma_wait3A_234 = tpu.memref_slice %arg3[%dma_wait3A_232, %dma_wait3A_233] : memref<20480x64xf32, #tpu.memory_space<hbm>> -> memref<20480x64xf32, #tpu.memory_space<hbm>>
      tpu.wait_indirect_dma semaphore(%arg10 : memref<!tpu.dma_semaphore, #tpu.memory_space<semaphore_mem>>) src(%dma_wait3A_234 : memref<20480x64xf32, #tpu.memory_space<hbm>>) dst(%dma_wait3A_228 : memref<128x64xf32, #tpu.memory_space<vmem>>)
      %dma_wait3A_235 = arith.constant 0 : i32
      %dma_wait3A_236 = arith.constant 1 : i32
      %dma_wait3A_237 = arith.constant 128 : i32
      %dma_wait3A_238 = arith.constant 0 : i32
      %dma_wait3A_239 = tpu.memref_slice %arg7[%dma_wait3A_236, %dma_wait3A_237, %dma_wait3A_238] : memref<2x640x64xf32, #tpu.memory_space<vmem>> -> memref<1x128x64xf32, #tpu.memory_space<vmem>>
      %dma_wait3A_240 = tpu.memref_squeeze %dma_wait3A_239 : memref<1x128x64xf32, #tpu.memory_space<vmem>> -> memref<128x64xf32, #tpu.memory_space<vmem>>
      %dma_wait3A_241 = arith.constant 0 : i32
      %dma_wait3A_242 = tpu.memref_slice %arg5[%dma_wait3A_235, %dma_wait3A_241] : memref<2x1280xi32, #tpu.memory_space<vmem>> -> memref<1x128xi32, #tpu.memory_space<vmem>>
      %dma_wait3A_243 = tpu.memref_squeeze %dma_wait3A_242 : memref<1x128xi32, #tpu.memory_space<vmem>> -> memref<128xi32, #tpu.memory_space<vmem>>
      %dma_wait3A_244 = arith.constant 0 : i32
      %dma_wait3A_245 = arith.constant 0 : i32
      %dma_wait3A_246 = tpu.memref_slice %arg3[%dma_wait3A_244, %dma_wait3A_245] : memref<20480x64xf32, #tpu.memory_space<hbm>> -> memref<20480x64xf32, #tpu.memory_space<hbm>>
      tpu.wait_indirect_dma semaphore(%arg10 : memref<!tpu.dma_semaphore, #tpu.memory_space<semaphore_mem>>) src(%dma_wait3A_246 : memref<20480x64xf32, #tpu.memory_space<hbm>>) dst(%dma_wait3A_240 : memref<128x64xf32, #tpu.memory_space<vmem>>)
      %dma_wait3A_247 = arith.constant 0 : i32
      %dma_wait3A_248 = arith.constant 1 : i32
      %dma_wait3A_249 = arith.constant 256 : i32
      %dma_wait3A_250 = arith.constant 0 : i32
      %dma_wait3A_251 = tpu.memref_slice %arg7[%dma_wait3A_248, %dma_wait3A_249, %dma_wait3A_250] : memref<2x640x64xf32, #tpu.memory_space<vmem>> -> memref<1x128x64xf32, #tpu.memory_space<vmem>>
      %dma_wait3A_252 = tpu.memref_squeeze %dma_wait3A_251 : memref<1x128x64xf32, #tpu.memory_space<vmem>> -> memref<128x64xf32, #tpu.memory_space<vmem>>
      %dma_wait3A_253 = arith.constant 0 : i32
      %dma_wait3A_254 = tpu.memref_slice %arg5[%dma_wait3A_247, %dma_wait3A_253] : memref<2x1280xi32, #tpu.memory_space<vmem>> -> memref<1x128xi32, #tpu.memory_space<vmem>>
      %dma_wait3A_255 = tpu.memref_squeeze %dma_wait3A_254 : memref<1x128xi32, #tpu.memory_space<vmem>> -> memref<128xi32, #tpu.memory_space<vmem>>
      %dma_wait3A_256 = arith.constant 0 : i32
      %dma_wait3A_257 = arith.constant 0 : i32
      %dma_wait3A_258 = tpu.memref_slice %arg3[%dma_wait3A_256, %dma_wait3A_257] : memref<20480x64xf32, #tpu.memory_space<hbm>> -> memref<20480x64xf32, #tpu.memory_space<hbm>>
      tpu.wait_indirect_dma semaphore(%arg10 : memref<!tpu.dma_semaphore, #tpu.memory_space<semaphore_mem>>) src(%dma_wait3A_258 : memref<20480x64xf32, #tpu.memory_space<hbm>>) dst(%dma_wait3A_252 : memref<128x64xf32, #tpu.memory_space<vmem>>)
      %dma_wait3A_259 = arith.constant 0 : i32
      %dma_wait3A_260 = arith.constant 1 : i32
      %dma_wait3A_261 = arith.constant 384 : i32
      %dma_wait3A_262 = arith.constant 0 : i32
      %dma_wait3A_263 = tpu.memref_slice %arg7[%dma_wait3A_260, %dma_wait3A_261, %dma_wait3A_262] : memref<2x640x64xf32, #tpu.memory_space<vmem>> -> memref<1x128x64xf32, #tpu.memory_space<vmem>>
      %dma_wait3A_264 = tpu.memref_squeeze %dma_wait3A_263 : memref<1x128x64xf32, #tpu.memory_space<vmem>> -> memref<128x64xf32, #tpu.memory_space<vmem>>
      %dma_wait3A_265 = arith.constant 0 : i32
      %dma_wait3A_266 = tpu.memref_slice %arg5[%dma_wait3A_259, %dma_wait3A_265] : memref<2x1280xi32, #tpu.memory_space<vmem>> -> memref<1x128xi32, #tpu.memory_space<vmem>>
      %dma_wait3A_267 = tpu.memref_squeeze %dma_wait3A_266 : memref<1x128xi32, #tpu.memory_space<vmem>> -> memref<128xi32, #tpu.memory_space<vmem>>
      %dma_wait3A_268 = arith.constant 0 : i32
      %dma_wait3A_269 = arith.constant 0 : i32
      %dma_wait3A_270 = tpu.memref_slice %arg3[%dma_wait3A_268, %dma_wait3A_269] : memref<20480x64xf32, #tpu.memory_space<hbm>> -> memref<20480x64xf32, #tpu.memory_space<hbm>>
      tpu.wait_indirect_dma semaphore(%arg10 : memref<!tpu.dma_semaphore, #tpu.memory_space<semaphore_mem>>) src(%dma_wait3A_270 : memref<20480x64xf32, #tpu.memory_space<hbm>>) dst(%dma_wait3A_264 : memref<128x64xf32, #tpu.memory_space<vmem>>)
      %dma_wait3A_271 = arith.constant 0 : i32
      %dma_wait3A_272 = arith.constant 1 : i32
      %dma_wait3A_273 = arith.constant 512 : i32
      %dma_wait3A_274 = arith.constant 0 : i32
      %dma_wait3A_275 = tpu.memref_slice %arg7[%dma_wait3A_272, %dma_wait3A_273, %dma_wait3A_274] : memref<2x640x64xf32, #tpu.memory_space<vmem>> -> memref<1x128x64xf32, #tpu.memory_space<vmem>>
      %dma_wait3A_276 = tpu.memref_squeeze %dma_wait3A_275 : memref<1x128x64xf32, #tpu.memory_space<vmem>> -> memref<128x64xf32, #tpu.memory_space<vmem>>
      %dma_wait3A_277 = arith.constant 0 : i32
      %dma_wait3A_278 = tpu.memref_slice %arg5[%dma_wait3A_271, %dma_wait3A_277] : memref<2x1280xi32, #tpu.memory_space<vmem>> -> memref<1x128xi32, #tpu.memory_space<vmem>>
      %dma_wait3A_279 = tpu.memref_squeeze %dma_wait3A_278 : memref<1x128xi32, #tpu.memory_space<vmem>> -> memref<128xi32, #tpu.memory_space<vmem>>
      %dma_wait3A_280 = arith.constant 0 : i32
      %dma_wait3A_281 = arith.constant 0 : i32
      %dma_wait3A_282 = tpu.memref_slice %arg3[%dma_wait3A_280, %dma_wait3A_281] : memref<20480x64xf32, #tpu.memory_space<hbm>> -> memref<20480x64xf32, #tpu.memory_space<hbm>>
      tpu.wait_indirect_dma semaphore(%arg10 : memref<!tpu.dma_semaphore, #tpu.memory_space<semaphore_mem>>) src(%dma_wait3A_282 : memref<20480x64xf32, #tpu.memory_space<hbm>>) dst(%dma_wait3A_276 : memref<128x64xf32, #tpu.memory_space<vmem>>)
      %scan3A_283 = arith.constant 0 : i32
      %scan3A_284 = arith.constant 0 : i32
      %scan3A_285 = arith.constant 32 : i32
      %scan3A_286 = arith.addi %scan3A_284, %scan3A_285 : i32
      %scan3A_287 = arith.constant 1 : i32
      scf.for %scan3A_292 = %scan3A_284 to %scan3A_286 step %scan3A_287  : i32 {
        %mul3A_293 = arith.constant 20 : i32
        %mul3A_294 = arith.muli %scan3A_292, %mul3A_293 : i32
        %add3A_295 = arith.constant 0 : i32
        %add3A_296 = arith.addi %mul3A_294, %add3A_295 : i32
        %get3A = arith.constant 1 : i32
        %get3A_297 = arith.index_cast %get3A : i32 to index
        %get3A_298 = arith.index_cast %add3A_296 : i32 to index
        %get3A_299 = arith.constant 0 : index
        %get3A_300 = tpu.vector_load %arg7[%get3A_297, %get3A_298, %get3A_299] {strides = array<i32>} : memref<2x640x64xf32, #tpu.memory_space<vmem>>, vector<1x1x16xf32>,
        %get3A_301 = vector.shape_cast %get3A_300 : vector<1x1x16xf32> to vector<16xf32>
        %add3A_302 = arith.constant 1 : i32
        %add3A_303 = arith.addi %mul3A_294, %add3A_302 : i32
        %get3A_304 = arith.constant 1 : i32
        %get3A_305 = arith.index_cast %get3A_304 : i32 to index
        %get3A_306 = arith.index_cast %add3A_303 : i32 to index
        %get3A_307 = arith.constant 0 : index
        %get3A_308 = tpu.vector_load %arg7[%get3A_305, %get3A_306, %get3A_307] {strides = array<i32>} : memref<2x640x64xf32, #tpu.memory_space<vmem>>, vector<1x1x16xf32>,
        %get3A_309 = vector.shape_cast %get3A_308 : vector<1x1x16xf32> to vector<16xf32>
        %add3A_310 = arith.constant 2 : i32
        %add3A_311 = arith.addi %mul3A_294, %add3A_310 : i32
        %get3A_312 = arith.constant 1 : i32
        %get3A_313 = arith.index_cast %get3A_312 : i32 to index
        %get3A_314 = arith.index_cast %add3A_311 : i32 to index
        %get3A_315 = arith.constant 0 : index
        %get3A_316 = tpu.vector_load %arg7[%get3A_313, %get3A_314, %get3A_315] {strides = array<i32>} : memref<2x640x64xf32, #tpu.memory_space<vmem>>, vector<1x1x16xf32>,
        %get3A_317 = vector.shape_cast %get3A_316 : vector<1x1x16xf32> to vector<16xf32>
        %add3A_318 = arith.constant 3 : i32
        %add3A_319 = arith.addi %mul3A_294, %add3A_318 : i32
        %get3A_320 = arith.constant 1 : i32
        %get3A_321 = arith.index_cast %get3A_320 : i32 to index
        %get3A_322 = arith.index_cast %add3A_319 : i32 to index
        %get3A_323 = arith.constant 0 : index
        %get3A_324 = tpu.vector_load %arg7[%get3A_321, %get3A_322, %get3A_323] {strides = array<i32>} : memref<2x640x64xf32, #tpu.memory_space<vmem>>, vector<1x1x16xf32>,
        %get3A_325 = vector.shape_cast %get3A_324 : vector<1x1x16xf32> to vector<16xf32>
        %add3A_326 = arith.constant 4 : i32
        %add3A_327 = arith.addi %mul3A_294, %add3A_326 : i32
        %get3A_328 = arith.constant 1 : i32
        %get3A_329 = arith.index_cast %get3A_328 : i32 to index
        %get3A_330 = arith.index_cast %add3A_327 : i32 to index
        %get3A_331 = arith.constant 0 : index
        %get3A_332 = tpu.vector_load %arg7[%get3A_329, %get3A_330, %get3A_331] {strides = array<i32>} : memref<2x640x64xf32, #tpu.memory_space<vmem>>, vector<1x1x16xf32>,
        %get3A_333 = vector.shape_cast %get3A_332 : vector<1x1x16xf32> to vector<16xf32>
        %add3A_334 = arith.constant 5 : i32
        %add3A_335 = arith.addi %mul3A_294, %add3A_334 : i32
        %get3A_336 = arith.constant 1 : i32
        %get3A_337 = arith.index_cast %get3A_336 : i32 to index
        %get3A_338 = arith.index_cast %add3A_335 : i32 to index
        %get3A_339 = arith.constant 0 : index
        %get3A_340 = tpu.vector_load %arg7[%get3A_337, %get3A_338, %get3A_339] {strides = array<i32>} : memref<2x640x64xf32, #tpu.memory_space<vmem>>, vector<1x1x16xf32>,
        %get3A_341 = vector.shape_cast %get3A_340 : vector<1x1x16xf32> to vector<16xf32>
        %add3A_342 = arith.constant 6 : i32
        %add3A_343 = arith.addi %mul3A_294, %add3A_342 : i32
        %get3A_344 = arith.constant 1 : i32
        %get3A_345 = arith.index_cast %get3A_344 : i32 to index
        %get3A_346 = arith.index_cast %add3A_343 : i32 to index
        %get3A_347 = arith.constant 0 : index
        %get3A_348 = tpu.vector_load %arg7[%get3A_345, %get3A_346, %get3A_347] {strides = array<i32>} : memref<2x640x64xf32, #tpu.memory_space<vmem>>, vector<1x1x16xf32>,
        %get3A_349 = vector.shape_cast %get3A_348 : vector<1x1x16xf32> to vector<16xf32>
        %add3A_350 = arith.constant 7 : i32
        %add3A_351 = arith.addi %mul3A_294, %add3A_350 : i32
        %get3A_352 = arith.constant 1 : i32
        %get3A_353 = arith.index_cast %get3A_352 : i32 to index
        %get3A_354 = arith.index_cast %add3A_351 : i32 to index
        %get3A_355 = arith.constant 0 : index
        %get3A_356 = tpu.vector_load %arg7[%get3A_353, %get3A_354, %get3A_355] {strides = array<i32>} : memref<2x640x64xf32, #tpu.memory_space<vmem>>, vector<1x1x16xf32>,
        %get3A_357 = vector.shape_cast %get3A_356 : vector<1x1x16xf32> to vector<16xf32>
        %add3A_358 = arith.constant 8 : i32
        %add3A_359 = arith.addi %mul3A_294, %add3A_358 : i32
        %get3A_360 = arith.constant 1 : i32
        %get3A_361 = arith.index_cast %get3A_360 : i32 to index
        %get3A_362 = arith.index_cast %add3A_359 : i32 to index
        %get3A_363 = arith.constant 0 : index
        %get3A_364 = tpu.vector_load %arg7[%get3A_361, %get3A_362, %get3A_363] {strides = array<i32>} : memref<2x640x64xf32, #tpu.memory_space<vmem>>, vector<1x1x16xf32>,
        %get3A_365 = vector.shape_cast %get3A_364 : vector<1x1x16xf32> to vector<16xf32>
        %add3A_366 = arith.constant 9 : i32
        %add3A_367 = arith.addi %mul3A_294, %add3A_366 : i32
        %get3A_368 = arith.constant 1 : i32
        %get3A_369 = arith.index_cast %get3A_368 : i32 to index
        %get3A_370 = arith.index_cast %add3A_367 : i32 to index
        %get3A_371 = arith.constant 0 : index
        %get3A_372 = tpu.vector_load %arg7[%get3A_369, %get3A_370, %get3A_371] {strides = array<i32>} : memref<2x640x64xf32, #tpu.memory_space<vmem>>, vector<1x1x16xf32>,
        %get3A_373 = vector.shape_cast %get3A_372 : vector<1x1x16xf32> to vector<16xf32>
        %add3A_374 = arith.constant 10 : i32
        %add3A_375 = arith.addi %mul3A_294, %add3A_374 : i32
        %get3A_376 = arith.constant 1 : i32
        %get3A_377 = arith.index_cast %get3A_376 : i32 to index
        %get3A_378 = arith.index_cast %add3A_375 : i32 to index
        %get3A_379 = arith.constant 0 : index
        %get3A_380 = tpu.vector_load %arg7[%get3A_377, %get3A_378, %get3A_379] {strides = array<i32>} : memref<2x640x64xf32, #tpu.memory_space<vmem>>, vector<1x1x16xf32>,
        %get3A_381 = vector.shape_cast %get3A_380 : vector<1x1x16xf32> to vector<16xf32>
        %add3A_382 = arith.constant 11 : i32
        %add3A_383 = arith.addi %mul3A_294, %add3A_382 : i32
        %get3A_384 = arith.constant 1 : i32
        %get3A_385 = arith.index_cast %get3A_384 : i32 to index
        %get3A_386 = arith.index_cast %add3A_383 : i32 to index
        %get3A_387 = arith.constant 0 : index
        %get3A_388 = tpu.vector_load %arg7[%get3A_385, %get3A_386, %get3A_387] {strides = array<i32>} : memref<2x640x64xf32, #tpu.memory_space<vmem>>, vector<1x1x16xf32>,
        %get3A_389 = vector.shape_cast %get3A_388 : vector<1x1x16xf32> to vector<16xf32>
        %add3A_390 = arith.constant 12 : i32
        %add3A_391 = arith.addi %mul3A_294, %add3A_390 : i32
        %get3A_392 = arith.constant 1 : i32
        %get3A_393 = arith.index_cast %get3A_392 : i32 to index
        %get3A_394 = arith.index_cast %add3A_391 : i32 to index
        %get3A_395 = arith.constant 0 : index
        %get3A_396 = tpu.vector_load %arg7[%get3A_393, %get3A_394, %get3A_395] {strides = array<i32>} : memref<2x640x64xf32, #tpu.memory_space<vmem>>, vector<1x1x16xf32>,
        %get3A_397 = vector.shape_cast %get3A_396 : vector<1x1x16xf32> to vector<16xf32>
        %add3A_398 = arith.constant 13 : i32
        %add3A_399 = arith.addi %mul3A_294, %add3A_398 : i32
        %get3A_400 = arith.constant 1 : i32
        %get3A_401 = arith.index_cast %get3A_400 : i32 to index
        %get3A_402 = arith.index_cast %add3A_399 : i32 to index
        %get3A_403 = arith.constant 0 : index
        %get3A_404 = tpu.vector_load %arg7[%get3A_401, %get3A_402, %get3A_403] {strides = array<i32>} : memref<2x640x64xf32, #tpu.memory_space<vmem>>, vector<1x1x16xf32>,
        %get3A_405 = vector.shape_cast %get3A_404 : vector<1x1x16xf32> to vector<16xf32>
        %add3A_406 = arith.constant 14 : i32
        %add3A_407 = arith.addi %mul3A_294, %add3A_406 : i32
        %get3A_408 = arith.constant 1 : i32
        %get3A_409 = arith.index_cast %get3A_408 : i32 to index
        %get3A_410 = arith.index_cast %add3A_407 : i32 to index
        %get3A_411 = arith.constant 0 : index
        %get3A_412 = tpu.vector_load %arg7[%get3A_409, %get3A_410, %get3A_411] {strides = array<i32>} : memref<2x640x64xf32, #tpu.memory_space<vmem>>, vector<1x1x16xf32>,
        %get3A_413 = vector.shape_cast %get3A_412 : vector<1x1x16xf32> to vector<16xf32>
        %add3A_414 = arith.constant 15 : i32
        %add3A_415 = arith.addi %mul3A_294, %add3A_414 : i32
        %get3A_416 = arith.constant 1 : i32
        %get3A_417 = arith.index_cast %get3A_416 : i32 to index
        %get3A_418 = arith.index_cast %add3A_415 : i32 to index
        %get3A_419 = arith.constant 0 : index
        %get3A_420 = tpu.vector_load %arg7[%get3A_417, %get3A_418, %get3A_419] {strides = array<i32>} : memref<2x640x64xf32, #tpu.memory_space<vmem>>, vector<1x1x16xf32>,
        %get3A_421 = vector.shape_cast %get3A_420 : vector<1x1x16xf32> to vector<16xf32>
        %add3A_422 = arith.constant 16 : i32
        %add3A_423 = arith.addi %mul3A_294, %add3A_422 : i32
        %get3A_424 = arith.constant 1 : i32
        %get3A_425 = arith.index_cast %get3A_424 : i32 to index
        %get3A_426 = arith.index_cast %add3A_423 : i32 to index
        %get3A_427 = arith.constant 0 : index
        %get3A_428 = tpu.vector_load %arg7[%get3A_425, %get3A_426, %get3A_427] {strides = array<i32>} : memref<2x640x64xf32, #tpu.memory_space<vmem>>, vector<1x1x16xf32>,
        %get3A_429 = vector.shape_cast %get3A_428 : vector<1x1x16xf32> to vector<16xf32>
        %add3A_430 = arith.constant 17 : i32
        %add3A_431 = arith.addi %mul3A_294, %add3A_430 : i32
        %get3A_432 = arith.constant 1 : i32
        %get3A_433 = arith.index_cast %get3A_432 : i32 to index
        %get3A_434 = arith.index_cast %add3A_431 : i32 to index
        %get3A_435 = arith.constant 0 : index
        %get3A_436 = tpu.vector_load %arg7[%get3A_433, %get3A_434, %get3A_435] {strides = array<i32>} : memref<2x640x64xf32, #tpu.memory_space<vmem>>, vector<1x1x16xf32>,
        %get3A_437 = vector.shape_cast %get3A_436 : vector<1x1x16xf32> to vector<16xf32>
        %add3A_438 = arith.constant 18 : i32
        %add3A_439 = arith.addi %mul3A_294, %add3A_438 : i32
        %get3A_440 = arith.constant 1 : i32
        %get3A_441 = arith.index_cast %get3A_440 : i32 to index
        %get3A_442 = arith.index_cast %add3A_439 : i32 to index
        %get3A_443 = arith.constant 0 : index
        %get3A_444 = tpu.vector_load %arg7[%get3A_441, %get3A_442, %get3A_443] {strides = array<i32>} : memref<2x640x64xf32, #tpu.memory_space<vmem>>, vector<1x1x16xf32>,
        %get3A_445 = vector.shape_cast %get3A_444 : vector<1x1x16xf32> to vector<16xf32>
        %add3A_446 = arith.constant 19 : i32
        %add3A_447 = arith.addi %mul3A_294, %add3A_446 : i32
        %get3A_448 = arith.constant 1 : i32
        %get3A_449 = arith.index_cast %get3A_448 : i32 to index
        %get3A_450 = arith.index_cast %add3A_447 : i32 to index
        %get3A_451 = arith.constant 0 : index
        %get3A_452 = tpu.vector_load %arg7[%get3A_449, %get3A_450, %get3A_451] {strides = array<i32>} : memref<2x640x64xf32, #tpu.memory_space<vmem>>, vector<1x1x16xf32>,
        %get3A_453 = vector.shape_cast %get3A_452 : vector<1x1x16xf32> to vector<16xf32>
        %add3A_454 = arith.addf %get3A_301, %get3A_309 : vector<16xf32>
        %add3A_455 = arith.addf %get3A_317, %get3A_325 : vector<16xf32>
        %add3A_456 = arith.addf %get3A_333, %get3A_341 : vector<16xf32>
        %add3A_457 = arith.addf %get3A_349, %get3A_357 : vector<16xf32>
        %add3A_458 = arith.addf %get3A_365, %get3A_373 : vector<16xf32>
        %add3A_459 = arith.addf %get3A_381, %get3A_389 : vector<16xf32>
        %add3A_460 = arith.addf %get3A_397, %get3A_405 : vector<16xf32>
        %add3A_461 = arith.addf %get3A_413, %get3A_421 : vector<16xf32>
        %add3A_462 = arith.addf %get3A_429, %get3A_437 : vector<16xf32>
        %add3A_463 = arith.addf %get3A_445, %get3A_453 : vector<16xf32>
        %add3A_464 = arith.addf %add3A_454, %add3A_455 : vector<16xf32>
        %add3A_465 = arith.addf %add3A_456, %add3A_457 : vector<16xf32>
        %add3A_466 = arith.addf %add3A_458, %add3A_459 : vector<16xf32>
        %add3A_467 = arith.addf %add3A_460, %add3A_461 : vector<16xf32>
        %add3A_468 = arith.addf %add3A_462, %add3A_463 : vector<16xf32>
        %add3A_469 = arith.addf %add3A_464, %add3A_465 : vector<16xf32>
        %add3A_470 = arith.addf %add3A_466, %add3A_467 : vector<16xf32>
        %add3A_471 = arith.addf %add3A_469, %add3A_470 : vector<16xf32>
        %add3A_472 = arith.addf %add3A_471, %add3A_468 : vector<16xf32>
        %add3A_473 = arith.constant 32 : i32
        %add3A_474 = arith.addi %add3A_473, %scan3A_292 : i32
        %swap3A = arith.index_cast %add3A_474 : i32 to index
        %swap3A_475 = arith.constant 0 : index
        %swap3A_476 = tpu.vector_load %arg8[%swap3A, %swap3A_475] {strides = array<i32>} : memref<64x64xf32, #tpu.memory_space<vmem>>, vector<1x16xf32>,
        %swap3A_477 = vector.shape_cast %swap3A_476 : vector<1x16xf32> to vector<16xf32>
        %swap3A_478 = vector.shape_cast %add3A_472 : vector<16xf32> to vector<1x16xf32>
        tpu.vector_store %arg8[%swap3A, %swap3A_475], %swap3A_478 {strides = array<i32>} : memref<64x64xf32, #tpu.memory_space<vmem>>, vector<1x16xf32>,
        %add3A_479 = arith.constant 0 : i32
        %add3A_480 = arith.addi %mul3A_294, %add3A_479 : i32
        %get3A_481 = arith.constant 1 : i32
        %get3A_482 = arith.index_cast %get3A_481 : i32 to index
        %get3A_483 = arith.index_cast %add3A_480 : i32 to index
        %get3A_484 = arith.constant 16 : index
        %get3A_485 = tpu.vector_load %arg7[%get3A_482, %get3A_483, %get3A_484] {strides = array<i32>} : memref<2x640x64xf32, #tpu.memory_space<vmem>>, vector<1x1x16xf32>,
        %get3A_486 = vector.shape_cast %get3A_485 : vector<1x1x16xf32> to vector<16xf32>
        %add3A_487 = arith.constant 1 : i32
        %add3A_488 = arith.addi %mul3A_294, %add3A_487 : i32
        %get3A_489 = arith.constant 1 : i32
        %get3A_490 = arith.index_cast %get3A_489 : i32 to index
        %get3A_491 = arith.index_cast %add3A_488 : i32 to index
        %get3A_492 = arith.constant 16 : index
        %get3A_493 = tpu.vector_load %arg7[%get3A_490, %get3A_491, %get3A_492] {strides = array<i32>} : memref<2x640x64xf32, #tpu.memory_space<vmem>>, vector<1x1x16xf32>,
        %get3A_494 = vector.shape_cast %get3A_493 : vector<1x1x16xf32> to vector<16xf32>
        %add3A_495 = arith.constant 2 : i32
        %add3A_496 = arith.addi %mul3A_294, %add3A_495 : i32
        %get3A_497 = arith.constant 1 : i32
        %get3A_498 = arith.index_cast %get3A_497 : i32 to index
        %get3A_499 = arith.index_cast %add3A_496 : i32 to index
        %get3A_500 = arith.constant 16 : index
        %get3A_501 = tpu.vector_load %arg7[%get3A_498, %get3A_499, %get3A_500] {strides = array<i32>} : memref<2x640x64xf32, #tpu.memory_space<vmem>>, vector<1x1x16xf32>,
        %get3A_502 = vector.shape_cast %get3A_501 : vector<1x1x16xf32> to vector<16xf32>
        %add3A_503 = arith.constant 3 : i32
        %add3A_504 = arith.addi %mul3A_294, %add3A_503 : i32
        %get3A_505 = arith.constant 1 : i32
        %get3A_506 = arith.index_cast %get3A_505 : i32 to index
        %get3A_507 = arith.index_cast %add3A_504 : i32 to index
        %get3A_508 = arith.constant 16 : index
        %get3A_509 = tpu.vector_load %arg7[%get3A_506, %get3A_507, %get3A_508] {strides = array<i32>} : memref<2x640x64xf32, #tpu.memory_space<vmem>>, vector<1x1x16xf32>,
        %get3A_510 = vector.shape_cast %get3A_509 : vector<1x1x16xf32> to vector<16xf32>
        %add3A_511 = arith.constant 4 : i32
        %add3A_512 = arith.addi %mul3A_294, %add3A_511 : i32
        %get3A_513 = arith.constant 1 : i32
        %get3A_514 = arith.index_cast %get3A_513 : i32 to index
        %get3A_515 = arith.index_cast %add3A_512 : i32 to index
        %get3A_516 = arith.constant 16 : index
        %get3A_517 = tpu.vector_load %arg7[%get3A_514, %get3A_515, %get3A_516] {strides = array<i32>} : memref<2x640x64xf32, #tpu.memory_space<vmem>>, vector<1x1x16xf32>,
        %get3A_518 = vector.shape_cast %get3A_517 : vector<1x1x16xf32> to vector<16xf32>
        %add3A_519 = arith.constant 5 : i32
        %add3A_520 = arith.addi %mul3A_294, %add3A_519 : i32
        %get3A_521 = arith.constant 1 : i32
        %get3A_522 = arith.index_cast %get3A_521 : i32 to index
        %get3A_523 = arith.index_cast %add3A_520 : i32 to index
        %get3A_524 = arith.constant 16 : index
        %get3A_525 = tpu.vector_load %arg7[%get3A_522, %get3A_523, %get3A_524] {strides = array<i32>} : memref<2x640x64xf32, #tpu.memory_space<vmem>>, vector<1x1x16xf32>,
        %get3A_526 = vector.shape_cast %get3A_525 : vector<1x1x16xf32> to vector<16xf32>
        %add3A_527 = arith.constant 6 : i32
        %add3A_528 = arith.addi %mul3A_294, %add3A_527 : i32
        %get3A_529 = arith.constant 1 : i32
        %get3A_530 = arith.index_cast %get3A_529 : i32 to index
        %get3A_531 = arith.index_cast %add3A_528 : i32 to index
        %get3A_532 = arith.constant 16 : index
        %get3A_533 = tpu.vector_load %arg7[%get3A_530, %get3A_531, %get3A_532] {strides = array<i32>} : memref<2x640x64xf32, #tpu.memory_space<vmem>>, vector<1x1x16xf32>,
        %get3A_534 = vector.shape_cast %get3A_533 : vector<1x1x16xf32> to vector<16xf32>
        %add3A_535 = arith.constant 7 : i32
        %add3A_536 = arith.addi %mul3A_294, %add3A_535 : i32
        %get3A_537 = arith.constant 1 : i32
        %get3A_538 = arith.index_cast %get3A_537 : i32 to index
        %get3A_539 = arith.index_cast %add3A_536 : i32 to index
        %get3A_540 = arith.constant 16 : index
        %get3A_541 = tpu.vector_load %arg7[%get3A_538, %get3A_539, %get3A_540] {strides = array<i32>} : memref<2x640x64xf32, #tpu.memory_space<vmem>>, vector<1x1x16xf32>,
        %get3A_542 = vector.shape_cast %get3A_541 : vector<1x1x16xf32> to vector<16xf32>
        %add3A_543 = arith.constant 8 : i32
        %add3A_544 = arith.addi %mul3A_294, %add3A_543 : i32
        %get3A_545 = arith.constant 1 : i32
        %get3A_546 = arith.index_cast %get3A_545 : i32 to index
        %get3A_547 = arith.index_cast %add3A_544 : i32 to index
        %get3A_548 = arith.constant 16 : index
        %get3A_549 = tpu.vector_load %arg7[%get3A_546, %get3A_547, %get3A_548] {strides = array<i32>} : memref<2x640x64xf32, #tpu.memory_space<vmem>>, vector<1x1x16xf32>,
        %get3A_550 = vector.shape_cast %get3A_549 : vector<1x1x16xf32> to vector<16xf32>
        %add3A_551 = arith.constant 9 : i32
        %add3A_552 = arith.addi %mul3A_294, %add3A_551 : i32
        %get3A_553 = arith.constant 1 : i32
        %get3A_554 = arith.index_cast %get3A_553 : i32 to index
        %get3A_555 = arith.index_cast %add3A_552 : i32 to index
        %get3A_556 = arith.constant 16 : index
        %get3A_557 = tpu.vector_load %arg7[%get3A_554, %get3A_555, %get3A_556] {strides = array<i32>} : memref<2x640x64xf32, #tpu.memory_space<vmem>>, vector<1x1x16xf32>,
        %get3A_558 = vector.shape_cast %get3A_557 : vector<1x1x16xf32> to vector<16xf32>
        %add3A_559 = arith.constant 10 : i32
        %add3A_560 = arith.addi %mul3A_294, %add3A_559 : i32
        %get3A_561 = arith.constant 1 : i32
        %get3A_562 = arith.index_cast %get3A_561 : i32 to index
        %get3A_563 = arith.index_cast %add3A_560 : i32 to index
        %get3A_564 = arith.constant 16 : index
        %get3A_565 = tpu.vector_load %arg7[%get3A_562, %get3A_563, %get3A_564] {strides = array<i32>} : memref<2x640x64xf32, #tpu.memory_space<vmem>>, vector<1x1x16xf32>,
        %get3A_566 = vector.shape_cast %get3A_565 : vector<1x1x16xf32> to vector<16xf32>
        %add3A_567 = arith.constant 11 : i32
        %add3A_568 = arith.addi %mul3A_294, %add3A_567 : i32
        %get3A_569 = arith.constant 1 : i32
        %get3A_570 = arith.index_cast %get3A_569 : i32 to index
        %get3A_571 = arith.index_cast %add3A_568 : i32 to index
        %get3A_572 = arith.constant 16 : index
        %get3A_573 = tpu.vector_load %arg7[%get3A_570, %get3A_571, %get3A_572] {strides = array<i32>} : memref<2x640x64xf32, #tpu.memory_space<vmem>>, vector<1x1x16xf32>,
        %get3A_574 = vector.shape_cast %get3A_573 : vector<1x1x16xf32> to vector<16xf32>
        %add3A_575 = arith.constant 12 : i32
        %add3A_576 = arith.addi %mul3A_294, %add3A_575 : i32
        %get3A_577 = arith.constant 1 : i32
        %get3A_578 = arith.index_cast %get3A_577 : i32 to index
        %get3A_579 = arith.index_cast %add3A_576 : i32 to index
        %get3A_580 = arith.constant 16 : index
        %get3A_581 = tpu.vector_load %arg7[%get3A_578, %get3A_579, %get3A_580] {strides = array<i32>} : memref<2x640x64xf32, #tpu.memory_space<vmem>>, vector<1x1x16xf32>,
        %get3A_582 = vector.shape_cast %get3A_581 : vector<1x1x16xf32> to vector<16xf32>
        %add3A_583 = arith.constant 13 : i32
        %add3A_584 = arith.addi %mul3A_294, %add3A_583 : i32
        %get3A_585 = arith.constant 1 : i32
        %get3A_586 = arith.index_cast %get3A_585 : i32 to index
        %get3A_587 = arith.index_cast %add3A_584 : i32 to index
        %get3A_588 = arith.constant 16 : index
        %get3A_589 = tpu.vector_load %arg7[%get3A_586, %get3A_587, %get3A_588] {strides = array<i32>} : memref<2x640x64xf32, #tpu.memory_space<vmem>>, vector<1x1x16xf32>,
        %get3A_590 = vector.shape_cast %get3A_589 : vector<1x1x16xf32> to vector<16xf32>
        %add3A_591 = arith.constant 14 : i32
        %add3A_592 = arith.addi %mul3A_294, %add3A_591 : i32
        %get3A_593 = arith.constant 1 : i32
        %get3A_594 = arith.index_cast %get3A_593 : i32 to index
        %get3A_595 = arith.index_cast %add3A_592 : i32 to index
        %get3A_596 = arith.constant 16 : index
        %get3A_597 = tpu.vector_load %arg7[%get3A_594, %get3A_595, %get3A_596] {strides = array<i32>} : memref<2x640x64xf32, #tpu.memory_space<vmem>>, vector<1x1x16xf32>,
        %get3A_598 = vector.shape_cast %get3A_597 : vector<1x1x16xf32> to vector<16xf32>
        %add3A_599 = arith.constant 15 : i32
        %add3A_600 = arith.addi %mul3A_294, %add3A_599 : i32
        %get3A_601 = arith.constant 1 : i32
        %get3A_602 = arith.index_cast %get3A_601 : i32 to index
        %get3A_603 = arith.index_cast %add3A_600 : i32 to index
        %get3A_604 = arith.constant 16 : index
        %get3A_605 = tpu.vector_load %arg7[%get3A_602, %get3A_603, %get3A_604] {strides = array<i32>} : memref<2x640x64xf32, #tpu.memory_space<vmem>>, vector<1x1x16xf32>,
        %get3A_606 = vector.shape_cast %get3A_605 : vector<1x1x16xf32> to vector<16xf32>
        %add3A_607 = arith.constant 16 : i32
        %add3A_608 = arith.addi %mul3A_294, %add3A_607 : i32
        %get3A_609 = arith.constant 1 : i32
        %get3A_610 = arith.index_cast %get3A_609 : i32 to index
        %get3A_611 = arith.index_cast %add3A_608 : i32 to index
        %get3A_612 = arith.constant 16 : index
        %get3A_613 = tpu.vector_load %arg7[%get3A_610, %get3A_611, %get3A_612] {strides = array<i32>} : memref<2x640x64xf32, #tpu.memory_space<vmem>>, vector<1x1x16xf32>,
        %get3A_614 = vector.shape_cast %get3A_613 : vector<1x1x16xf32> to vector<16xf32>
        %add3A_615 = arith.constant 17 : i32
        %add3A_616 = arith.addi %mul3A_294, %add3A_615 : i32
        %get3A_617 = arith.constant 1 : i32
        %get3A_618 = arith.index_cast %get3A_617 : i32 to index
        %get3A_619 = arith.index_cast %add3A_616 : i32 to index
        %get3A_620 = arith.constant 16 : index
        %get3A_621 = tpu.vector_load %arg7[%get3A_618, %get3A_619, %get3A_620] {strides = array<i32>} : memref<2x640x64xf32, #tpu.memory_space<vmem>>, vector<1x1x16xf32>,
        %get3A_622 = vector.shape_cast %get3A_621 : vector<1x1x16xf32> to vector<16xf32>
        %add3A_623 = arith.constant 18 : i32
        %add3A_624 = arith.addi %mul3A_294, %add3A_623 : i32
        %get3A_625 = arith.constant 1 : i32
        %get3A_626 = arith.index_cast %get3A_625 : i32 to index
        %get3A_627 = arith.index_cast %add3A_624 : i32 to index
        %get3A_628 = arith.constant 16 : index
        %get3A_629 = tpu.vector_load %arg7[%get3A_626, %get3A_627, %get3A_628] {strides = array<i32>} : memref<2x640x64xf32, #tpu.memory_space<vmem>>, vector<1x1x16xf32>,
        %get3A_630 = vector.shape_cast %get3A_629 : vector<1x1x16xf32> to vector<16xf32>
        %add3A_631 = arith.constant 19 : i32
        %add3A_632 = arith.addi %mul3A_294, %add3A_631 : i32
        %get3A_633 = arith.constant 1 : i32
        %get3A_634 = arith.index_cast %get3A_633 : i32 to index
        %get3A_635 = arith.index_cast %add3A_632 : i32 to index
        %get3A_636 = arith.constant 16 : index
        %get3A_637 = tpu.vector_load %arg7[%get3A_634, %get3A_635, %get3A_636] {strides = array<i32>} : memref<2x640x64xf32, #tpu.memory_space<vmem>>, vector<1x1x16xf32>,
        %get3A_638 = vector.shape_cast %get3A_637 : vector<1x1x16xf32> to vector<16xf32>
        %add3A_639 = arith.addf %get3A_486, %get3A_494 : vector<16xf32>
        %add3A_640 = arith.addf %get3A_502, %get3A_510 : vector<16xf32>
        %add3A_641 = arith.addf %get3A_518, %get3A_526 : vector<16xf32>
        %add3A_642 = arith.addf %get3A_534, %get3A_542 : vector<16xf32>
        %add3A_643 = arith.addf %get3A_550, %get3A_558 : vector<16xf32>
        %add3A_644 = arith.addf %get3A_566, %get3A_574 : vector<16xf32>
        %add3A_645 = arith.addf %get3A_582, %get3A_590 : vector<16xf32>
        %add3A_646 = arith.addf %get3A_598, %get3A_606 : vector<16xf32>
        %add3A_647 = arith.addf %get3A_614, %get3A_622 : vector<16xf32>
        %add3A_648 = arith.addf %get3A_630, %get3A_638 : vector<16xf32>
        %add3A_649 = arith.addf %add3A_639, %add3A_640 : vector<16xf32>
        %add3A_650 = arith.addf %add3A_641, %add3A_642 : vector<16xf32>
        %add3A_651 = arith.addf %add3A_643, %add3A_644 : vector<16xf32>
        %add3A_652 = arith.addf %add3A_645, %add3A_646 : vector<16xf32>
        %add3A_653 = arith.addf %add3A_647, %add3A_648 : vector<16xf32>
        %add3A_654 = arith.addf %add3A_649, %add3A_650 : vector<16xf32>
        %add3A_655 = arith.addf %add3A_651, %add3A_652 : vector<16xf32>
        %add3A_656 = arith.addf %add3A_654, %add3A_655 : vector<16xf32>
        %add3A_657 = arith.addf %add3A_656, %add3A_653 : vector<16xf32>
        %add3A_658 = arith.constant 32 : i32
        %add3A_659 = arith.addi %add3A_658, %scan3A_292 : i32
        %swap3A_660 = arith.index_cast %add3A_659 : i32 to index
        %swap3A_661 = arith.constant 16 : index
        %swap3A_662 = tpu.vector_load %arg8[%swap3A_660, %swap3A_661] {strides = array<i32>} : memref<64x64xf32, #tpu.memory_space<vmem>>, vector<1x16xf32>,
        %swap3A_663 = vector.shape_cast %swap3A_662 : vector<1x16xf32> to vector<16xf32>
        %swap3A_664 = vector.shape_cast %add3A_657 : vector<16xf32> to vector<1x16xf32>
        tpu.vector_store %arg8[%swap3A_660, %swap3A_661], %swap3A_664 {strides = array<i32>} : memref<64x64xf32, #tpu.memory_space<vmem>>, vector<1x16xf32>,
        %add3A_665 = arith.constant 0 : i32
        %add3A_666 = arith.addi %mul3A_294, %add3A_665 : i32
        %get3A_667 = arith.constant 1 : i32
        %get3A_668 = arith.index_cast %get3A_667 : i32 to index
        %get3A_669 = arith.index_cast %add3A_666 : i32 to index
        %get3A_670 = arith.constant 32 : index
        %get3A_671 = tpu.vector_load %arg7[%get3A_668, %get3A_669, %get3A_670] {strides = array<i32>} : memref<2x640x64xf32, #tpu.memory_space<vmem>>, vector<1x1x16xf32>,
        %get3A_672 = vector.shape_cast %get3A_671 : vector<1x1x16xf32> to vector<16xf32>
        %add3A_673 = arith.constant 1 : i32
        %add3A_674 = arith.addi %mul3A_294, %add3A_673 : i32
        %get3A_675 = arith.constant 1 : i32
        %get3A_676 = arith.index_cast %get3A_675 : i32 to index
        %get3A_677 = arith.index_cast %add3A_674 : i32 to index
        %get3A_678 = arith.constant 32 : index
        %get3A_679 = tpu.vector_load %arg7[%get3A_676, %get3A_677, %get3A_678] {strides = array<i32>} : memref<2x640x64xf32, #tpu.memory_space<vmem>>, vector<1x1x16xf32>,
        %get3A_680 = vector.shape_cast %get3A_679 : vector<1x1x16xf32> to vector<16xf32>
        %add3A_681 = arith.constant 2 : i32
        %add3A_682 = arith.addi %mul3A_294, %add3A_681 : i32
        %get3A_683 = arith.constant 1 : i32
        %get3A_684 = arith.index_cast %get3A_683 : i32 to index
        %get3A_685 = arith.index_cast %add3A_682 : i32 to index
        %get3A_686 = arith.constant 32 : index
        %get3A_687 = tpu.vector_load %arg7[%get3A_684, %get3A_685, %get3A_686] {strides = array<i32>} : memref<2x640x64xf32, #tpu.memory_space<vmem>>, vector<1x1x16xf32>,
        %get3A_688 = vector.shape_cast %get3A_687 : vector<1x1x16xf32> to vector<16xf32>
        %add3A_689 = arith.constant 3 : i32
        %add3A_690 = arith.addi %mul3A_294, %add3A_689 : i32
        %get3A_691 = arith.constant 1 : i32
        %get3A_692 = arith.index_cast %get3A_691 : i32 to index
        %get3A_693 = arith.index_cast %add3A_690 : i32 to index
        %get3A_694 = arith.constant 32 : index
        %get3A_695 = tpu.vector_load %arg7[%get3A_692, %get3A_693, %get3A_694] {strides = array<i32>} : memref<2x640x64xf32, #tpu.memory_space<vmem>>, vector<1x1x16xf32>,
        %get3A_696 = vector.shape_cast %get3A_695 : vector<1x1x16xf32> to vector<16xf32>
        %add3A_697 = arith.constant 4 : i32
        %add3A_698 = arith.addi %mul3A_294, %add3A_697 : i32
        %get3A_699 = arith.constant 1 : i32
        %get3A_700 = arith.index_cast %get3A_699 : i32 to index
        %get3A_701 = arith.index_cast %add3A_698 : i32 to index
        %get3A_702 = arith.constant 32 : index
        %get3A_703 = tpu.vector_load %arg7[%get3A_700, %get3A_701, %get3A_702] {strides = array<i32>} : memref<2x640x64xf32, #tpu.memory_space<vmem>>, vector<1x1x16xf32>,
        %get3A_704 = vector.shape_cast %get3A_703 : vector<1x1x16xf32> to vector<16xf32>
        %add3A_705 = arith.constant 5 : i32
        %add3A_706 = arith.addi %mul3A_294, %add3A_705 : i32
        %get3A_707 = arith.constant 1 : i32
        %get3A_708 = arith.index_cast %get3A_707 : i32 to index
        %get3A_709 = arith.index_cast %add3A_706 : i32 to index
        %get3A_710 = arith.constant 32 : index
        %get3A_711 = tpu.vector_load %arg7[%get3A_708, %get3A_709, %get3A_710] {strides = array<i32>} : memref<2x640x64xf32, #tpu.memory_space<vmem>>, vector<1x1x16xf32>,
        %get3A_712 = vector.shape_cast %get3A_711 : vector<1x1x16xf32> to vector<16xf32>
        %add3A_713 = arith.constant 6 : i32
        %add3A_714 = arith.addi %mul3A_294, %add3A_713 : i32
        %get3A_715 = arith.constant 1 : i32
        %get3A_716 = arith.index_cast %get3A_715 : i32 to index
        %get3A_717 = arith.index_cast %add3A_714 : i32 to index
        %get3A_718 = arith.constant 32 : index
        %get3A_719 = tpu.vector_load %arg7[%get3A_716, %get3A_717, %get3A_718] {strides = array<i32>} : memref<2x640x64xf32, #tpu.memory_space<vmem>>, vector<1x1x16xf32>,
        %get3A_720 = vector.shape_cast %get3A_719 : vector<1x1x16xf32> to vector<16xf32>
        %add3A_721 = arith.constant 7 : i32
        %add3A_722 = arith.addi %mul3A_294, %add3A_721 : i32
        %get3A_723 = arith.constant 1 : i32
        %get3A_724 = arith.index_cast %get3A_723 : i32 to index
        %get3A_725 = arith.index_cast %add3A_722 : i32 to index
        %get3A_726 = arith.constant 32 : index
        %get3A_727 = tpu.vector_load %arg7[%get3A_724, %get3A_725, %get3A_726] {strides = array<i32>} : memref<2x640x64xf32, #tpu.memory_space<vmem>>, vector<1x1x16xf32>,
        %get3A_728 = vector.shape_cast %get3A_727 : vector<1x1x16xf32> to vector<16xf32>
        %add3A_729 = arith.constant 8 : i32
        %add3A_730 = arith.addi %mul3A_294, %add3A_729 : i32
        %get3A_731 = arith.constant 1 : i32
        %get3A_732 = arith.index_cast %get3A_731 : i32 to index
        %get3A_733 = arith.index_cast %add3A_730 : i32 to index
        %get3A_734 = arith.constant 32 : index
        %get3A_735 = tpu.vector_load %arg7[%get3A_732, %get3A_733, %get3A_734] {strides = array<i32>} : memref<2x640x64xf32, #tpu.memory_space<vmem>>, vector<1x1x16xf32>,
        %get3A_736 = vector.shape_cast %get3A_735 : vector<1x1x16xf32> to vector<16xf32>
        %add3A_737 = arith.constant 9 : i32
        %add3A_738 = arith.addi %mul3A_294, %add3A_737 : i32
        %get3A_739 = arith.constant 1 : i32
        %get3A_740 = arith.index_cast %get3A_739 : i32 to index
        %get3A_741 = arith.index_cast %add3A_738 : i32 to index
        %get3A_742 = arith.constant 32 : index
        %get3A_743 = tpu.vector_load %arg7[%get3A_740, %get3A_741, %get3A_742] {strides = array<i32>} : memref<2x640x64xf32, #tpu.memory_space<vmem>>, vector<1x1x16xf32>,
        %get3A_744 = vector.shape_cast %get3A_743 : vector<1x1x16xf32> to vector<16xf32>
        %add3A_745 = arith.constant 10 : i32
        %add3A_746 = arith.addi %mul3A_294, %add3A_745 : i32
        %get3A_747 = arith.constant 1 : i32
        %get3A_748 = arith.index_cast %get3A_747 : i32 to index
        %get3A_749 = arith.index_cast %add3A_746 : i32 to index
        %get3A_750 = arith.constant 32 : index
        %get3A_751 = tpu.vector_load %arg7[%get3A_748, %get3A_749, %get3A_750] {strides = array<i32>} : memref<2x640x64xf32, #tpu.memory_space<vmem>>, vector<1x1x16xf32>,
        %get3A_752 = vector.shape_cast %get3A_751 : vector<1x1x16xf32> to vector<16xf32>
        %add3A_753 = arith.constant 11 : i32
        %add3A_754 = arith.addi %mul3A_294, %add3A_753 : i32
        %get3A_755 = arith.constant 1 : i32
        %get3A_756 = arith.index_cast %get3A_755 : i32 to index
        %get3A_757 = arith.index_cast %add3A_754 : i32 to index
        %get3A_758 = arith.constant 32 : index
        %get3A_759 = tpu.vector_load %arg7[%get3A_756, %get3A_757, %get3A_758] {strides = array<i32>} : memref<2x640x64xf32, #tpu.memory_space<vmem>>, vector<1x1x16xf32>,
        %get3A_760 = vector.shape_cast %get3A_759 : vector<1x1x16xf32> to vector<16xf32>
        %add3A_761 = arith.constant 12 : i32
        %add3A_762 = arith.addi %mul3A_294, %add3A_761 : i32
        %get3A_763 = arith.constant 1 : i32
        %get3A_764 = arith.index_cast %get3A_763 : i32 to index
        %get3A_765 = arith.index_cast %add3A_762 : i32 to index
        %get3A_766 = arith.constant 32 : index
        %get3A_767 = tpu.vector_load %arg7[%get3A_764, %get3A_765, %get3A_766] {strides = array<i32>} : memref<2x640x64xf32, #tpu.memory_space<vmem>>, vector<1x1x16xf32>,
        %get3A_768 = vector.shape_cast %get3A_767 : vector<1x1x16xf32> to vector<16xf32>
        %add3A_769 = arith.constant 13 : i32
        %add3A_770 = arith.addi %mul3A_294, %add3A_769 : i32
        %get3A_771 = arith.constant 1 : i32
        %get3A_772 = arith.index_cast %get3A_771 : i32 to index
        %get3A_773 = arith.index_cast %add3A_770 : i32 to index
        %get3A_774 = arith.constant 32 : index
        %get3A_775 = tpu.vector_load %arg7[%get3A_772, %get3A_773, %get3A_774] {strides = array<i32>} : memref<2x640x64xf32, #tpu.memory_space<vmem>>, vector<1x1x16xf32>,
        %get3A_776 = vector.shape_cast %get3A_775 : vector<1x1x16xf32> to vector<16xf32>
        %add3A_777 = arith.constant 14 : i32
        %add3A_778 = arith.addi %mul3A_294, %add3A_777 : i32
        %get3A_779 = arith.constant 1 : i32
        %get3A_780 = arith.index_cast %get3A_779 : i32 to index
        %get3A_781 = arith.index_cast %add3A_778 : i32 to index
        %get3A_782 = arith.constant 32 : index
        %get3A_783 = tpu.vector_load %arg7[%get3A_780, %get3A_781, %get3A_782] {strides = array<i32>} : memref<2x640x64xf32, #tpu.memory_space<vmem>>, vector<1x1x16xf32>,
        %get3A_784 = vector.shape_cast %get3A_783 : vector<1x1x16xf32> to vector<16xf32>
        %add3A_785 = arith.constant 15 : i32
        %add3A_786 = arith.addi %mul3A_294, %add3A_785 : i32
        %get3A_787 = arith.constant 1 : i32
        %get3A_788 = arith.index_cast %get3A_787 : i32 to index
        %get3A_789 = arith.index_cast %add3A_786 : i32 to index
        %get3A_790 = arith.constant 32 : index
        %get3A_791 = tpu.vector_load %arg7[%get3A_788, %get3A_789, %get3A_790] {strides = array<i32>} : memref<2x640x64xf32, #tpu.memory_space<vmem>>, vector<1x1x16xf32>,
        %get3A_792 = vector.shape_cast %get3A_791 : vector<1x1x16xf32> to vector<16xf32>
        %add3A_793 = arith.constant 16 : i32
        %add3A_794 = arith.addi %mul3A_294, %add3A_793 : i32
        %get3A_795 = arith.constant 1 : i32
        %get3A_796 = arith.index_cast %get3A_795 : i32 to index
        %get3A_797 = arith.index_cast %add3A_794 : i32 to index
        %get3A_798 = arith.constant 32 : index
        %get3A_799 = tpu.vector_load %arg7[%get3A_796, %get3A_797, %get3A_798] {strides = array<i32>} : memref<2x640x64xf32, #tpu.memory_space<vmem>>, vector<1x1x16xf32>,
        %get3A_800 = vector.shape_cast %get3A_799 : vector<1x1x16xf32> to vector<16xf32>
        %add3A_801 = arith.constant 17 : i32
        %add3A_802 = arith.addi %mul3A_294, %add3A_801 : i32
        %get3A_803 = arith.constant 1 : i32
        %get3A_804 = arith.index_cast %get3A_803 : i32 to index
        %get3A_805 = arith.index_cast %add3A_802 : i32 to index
        %get3A_806 = arith.constant 32 : index
        %get3A_807 = tpu.vector_load %arg7[%get3A_804, %get3A_805, %get3A_806] {strides = array<i32>} : memref<2x640x64xf32, #tpu.memory_space<vmem>>, vector<1x1x16xf32>,
        %get3A_808 = vector.shape_cast %get3A_807 : vector<1x1x16xf32> to vector<16xf32>
        %add3A_809 = arith.constant 18 : i32
        %add3A_810 = arith.addi %mul3A_294, %add3A_809 : i32
        %get3A_811 = arith.constant 1 : i32
        %get3A_812 = arith.index_cast %get3A_811 : i32 to index
        %get3A_813 = arith.index_cast %add3A_810 : i32 to index
        %get3A_814 = arith.constant 32 : index
        %get3A_815 = tpu.vector_load %arg7[%get3A_812, %get3A_813, %get3A_814] {strides = array<i32>} : memref<2x640x64xf32, #tpu.memory_space<vmem>>, vector<1x1x16xf32>,
        %get3A_816 = vector.shape_cast %get3A_815 : vector<1x1x16xf32> to vector<16xf32>
        %add3A_817 = arith.constant 19 : i32
        %add3A_818 = arith.addi %mul3A_294, %add3A_817 : i32
        %get3A_819 = arith.constant 1 : i32
        %get3A_820 = arith.index_cast %get3A_819 : i32 to index
        %get3A_821 = arith.index_cast %add3A_818 : i32 to index
        %get3A_822 = arith.constant 32 : index
        %get3A_823 = tpu.vector_load %arg7[%get3A_820, %get3A_821, %get3A_822] {strides = array<i32>} : memref<2x640x64xf32, #tpu.memory_space<vmem>>, vector<1x1x16xf32>,
        %get3A_824 = vector.shape_cast %get3A_823 : vector<1x1x16xf32> to vector<16xf32>
        %add3A_825 = arith.addf %get3A_672, %get3A_680 : vector<16xf32>
        %add3A_826 = arith.addf %get3A_688, %get3A_696 : vector<16xf32>
        %add3A_827 = arith.addf %get3A_704, %get3A_712 : vector<16xf32>
        %add3A_828 = arith.addf %get3A_720, %get3A_728 : vector<16xf32>
        %add3A_829 = arith.addf %get3A_736, %get3A_744 : vector<16xf32>
        %add3A_830 = arith.addf %get3A_752, %get3A_760 : vector<16xf32>
        %add3A_831 = arith.addf %get3A_768, %get3A_776 : vector<16xf32>
        %add3A_832 = arith.addf %get3A_784, %get3A_792 : vector<16xf32>
        %add3A_833 = arith.addf %get3A_800, %get3A_808 : vector<16xf32>
        %add3A_834 = arith.addf %get3A_816, %get3A_824 : vector<16xf32>
        %add3A_835 = arith.addf %add3A_825, %add3A_826 : vector<16xf32>
        %add3A_836 = arith.addf %add3A_827, %add3A_828 : vector<16xf32>
        %add3A_837 = arith.addf %add3A_829, %add3A_830 : vector<16xf32>
        %add3A_838 = arith.addf %add3A_831, %add3A_832 : vector<16xf32>
        %add3A_839 = arith.addf %add3A_833, %add3A_834 : vector<16xf32>
        %add3A_840 = arith.addf %add3A_835, %add3A_836 : vector<16xf32>
        %add3A_841 = arith.addf %add3A_837, %add3A_838 : vector<16xf32>
        %add3A_842 = arith.addf %add3A_840, %add3A_841 : vector<16xf32>
        %add3A_843 = arith.addf %add3A_842, %add3A_839 : vector<16xf32>
        %add3A_844 = arith.constant 32 : i32
        %add3A_845 = arith.addi %add3A_844, %scan3A_292 : i32
        %swap3A_846 = arith.index_cast %add3A_845 : i32 to index
        %swap3A_847 = arith.constant 32 : index
        %swap3A_848 = tpu.vector_load %arg8[%swap3A_846, %swap3A_847] {strides = array<i32>} : memref<64x64xf32, #tpu.memory_space<vmem>>, vector<1x16xf32>,
        %swap3A_849 = vector.shape_cast %swap3A_848 : vector<1x16xf32> to vector<16xf32>
        %swap3A_850 = vector.shape_cast %add3A_843 : vector<16xf32> to vector<1x16xf32>
        tpu.vector_store %arg8[%swap3A_846, %swap3A_847], %swap3A_850 {strides = array<i32>} : memref<64x64xf32, #tpu.memory_space<vmem>>, vector<1x16xf32>,
        %add3A_851 = arith.constant 0 : i32
        %add3A_852 = arith.addi %mul3A_294, %add3A_851 : i32
        %get3A_853 = arith.constant 1 : i32
        %get3A_854 = arith.index_cast %get3A_853 : i32 to index
        %get3A_855 = arith.index_cast %add3A_852 : i32 to index
        %get3A_856 = arith.constant 48 : index
        %get3A_857 = tpu.vector_load %arg7[%get3A_854, %get3A_855, %get3A_856] {strides = array<i32>} : memref<2x640x64xf32, #tpu.memory_space<vmem>>, vector<1x1x16xf32>,
        %get3A_858 = vector.shape_cast %get3A_857 : vector<1x1x16xf32> to vector<16xf32>
        %add3A_859 = arith.constant 1 : i32
        %add3A_860 = arith.addi %mul3A_294, %add3A_859 : i32
        %get3A_861 = arith.constant 1 : i32
        %get3A_862 = arith.index_cast %get3A_861 : i32 to index
        %get3A_863 = arith.index_cast %add3A_860 : i32 to index
        %get3A_864 = arith.constant 48 : index
        %get3A_865 = tpu.vector_load %arg7[%get3A_862, %get3A_863, %get3A_864] {strides = array<i32>} : memref<2x640x64xf32, #tpu.memory_space<vmem>>, vector<1x1x16xf32>,
        %get3A_866 = vector.shape_cast %get3A_865 : vector<1x1x16xf32> to vector<16xf32>
        %add3A_867 = arith.constant 2 : i32
        %add3A_868 = arith.addi %mul3A_294, %add3A_867 : i32
        %get3A_869 = arith.constant 1 : i32
        %get3A_870 = arith.index_cast %get3A_869 : i32 to index
        %get3A_871 = arith.index_cast %add3A_868 : i32 to index
        %get3A_872 = arith.constant 48 : index
        %get3A_873 = tpu.vector_load %arg7[%get3A_870, %get3A_871, %get3A_872] {strides = array<i32>} : memref<2x640x64xf32, #tpu.memory_space<vmem>>, vector<1x1x16xf32>,
        %get3A_874 = vector.shape_cast %get3A_873 : vector<1x1x16xf32> to vector<16xf32>
        %add3A_875 = arith.constant 3 : i32
        %add3A_876 = arith.addi %mul3A_294, %add3A_875 : i32
        %get3A_877 = arith.constant 1 : i32
        %get3A_878 = arith.index_cast %get3A_877 : i32 to index
        %get3A_879 = arith.index_cast %add3A_876 : i32 to index
        %get3A_880 = arith.constant 48 : index
        %get3A_881 = tpu.vector_load %arg7[%get3A_878, %get3A_879, %get3A_880] {strides = array<i32>} : memref<2x640x64xf32, #tpu.memory_space<vmem>>, vector<1x1x16xf32>,
        %get3A_882 = vector.shape_cast %get3A_881 : vector<1x1x16xf32> to vector<16xf32>
        %add3A_883 = arith.constant 4 : i32
        %add3A_884 = arith.addi %mul3A_294, %add3A_883 : i32
        %get3A_885 = arith.constant 1 : i32
        %get3A_886 = arith.index_cast %get3A_885 : i32 to index
        %get3A_887 = arith.index_cast %add3A_884 : i32 to index
        %get3A_888 = arith.constant 48 : index
        %get3A_889 = tpu.vector_load %arg7[%get3A_886, %get3A_887, %get3A_888] {strides = array<i32>} : memref<2x640x64xf32, #tpu.memory_space<vmem>>, vector<1x1x16xf32>,
        %get3A_890 = vector.shape_cast %get3A_889 : vector<1x1x16xf32> to vector<16xf32>
        %add3A_891 = arith.constant 5 : i32
        %add3A_892 = arith.addi %mul3A_294, %add3A_891 : i32
        %get3A_893 = arith.constant 1 : i32
        %get3A_894 = arith.index_cast %get3A_893 : i32 to index
        %get3A_895 = arith.index_cast %add3A_892 : i32 to index
        %get3A_896 = arith.constant 48 : index
        %get3A_897 = tpu.vector_load %arg7[%get3A_894, %get3A_895, %get3A_896] {strides = array<i32>} : memref<2x640x64xf32, #tpu.memory_space<vmem>>, vector<1x1x16xf32>,
        %get3A_898 = vector.shape_cast %get3A_897 : vector<1x1x16xf32> to vector<16xf32>
        %add3A_899 = arith.constant 6 : i32
        %add3A_900 = arith.addi %mul3A_294, %add3A_899 : i32
        %get3A_901 = arith.constant 1 : i32
        %get3A_902 = arith.index_cast %get3A_901 : i32 to index
        %get3A_903 = arith.index_cast %add3A_900 : i32 to index
        %get3A_904 = arith.constant 48 : index
        %get3A_905 = tpu.vector_load %arg7[%get3A_902, %get3A_903, %get3A_904] {strides = array<i32>} : memref<2x640x64xf32, #tpu.memory_space<vmem>>, vector<1x1x16xf32>,
        %get3A_906 = vector.shape_cast %get3A_905 : vector<1x1x16xf32> to vector<16xf32>
        %add3A_907 = arith.constant 7 : i32
        %add3A_908 = arith.addi %mul3A_294, %add3A_907 : i32
        %get3A_909 = arith.constant 1 : i32
        %get3A_910 = arith.index_cast %get3A_909 : i32 to index
        %get3A_911 = arith.index_cast %add3A_908 : i32 to index
        %get3A_912 = arith.constant 48 : index
        %get3A_913 = tpu.vector_load %arg7[%get3A_910, %get3A_911, %get3A_912] {strides = array<i32>} : memref<2x640x64xf32, #tpu.memory_space<vmem>>, vector<1x1x16xf32>,
        %get3A_914 = vector.shape_cast %get3A_913 : vector<1x1x16xf32> to vector<16xf32>
        %add3A_915 = arith.constant 8 : i32
        %add3A_916 = arith.addi %mul3A_294, %add3A_915 : i32
        %get3A_917 = arith.constant 1 : i32
        %get3A_918 = arith.index_cast %get3A_917 : i32 to index
        %get3A_919 = arith.index_cast %add3A_916 : i32 to index
        %get3A_920 = arith.constant 48 : index
        %get3A_921 = tpu.vector_load %arg7[%get3A_918, %get3A_919, %get3A_920] {strides = array<i32>} : memref<2x640x64xf32, #tpu.memory_space<vmem>>, vector<1x1x16xf32>,
        %get3A_922 = vector.shape_cast %get3A_921 : vector<1x1x16xf32> to vector<16xf32>
        %add3A_923 = arith.constant 9 : i32
        %add3A_924 = arith.addi %mul3A_294, %add3A_923 : i32
        %get3A_925 = arith.constant 1 : i32
        %get3A_926 = arith.index_cast %get3A_925 : i32 to index
        %get3A_927 = arith.index_cast %add3A_924 : i32 to index
        %get3A_928 = arith.constant 48 : index
        %get3A_929 = tpu.vector_load %arg7[%get3A_926, %get3A_927, %get3A_928] {strides = array<i32>} : memref<2x640x64xf32, #tpu.memory_space<vmem>>, vector<1x1x16xf32>,
        %get3A_930 = vector.shape_cast %get3A_929 : vector<1x1x16xf32> to vector<16xf32>
        %add3A_931 = arith.constant 10 : i32
        %add3A_932 = arith.addi %mul3A_294, %add3A_931 : i32
        %get3A_933 = arith.constant 1 : i32
        %get3A_934 = arith.index_cast %get3A_933 : i32 to index
        %get3A_935 = arith.index_cast %add3A_932 : i32 to index
        %get3A_936 = arith.constant 48 : index
        %get3A_937 = tpu.vector_load %arg7[%get3A_934, %get3A_935, %get3A_936] {strides = array<i32>} : memref<2x640x64xf32, #tpu.memory_space<vmem>>, vector<1x1x16xf32>,
        %get3A_938 = vector.shape_cast %get3A_937 : vector<1x1x16xf32> to vector<16xf32>
        %add3A_939 = arith.constant 11 : i32
        %add3A_940 = arith.addi %mul3A_294, %add3A_939 : i32
        %get3A_941 = arith.constant 1 : i32
        %get3A_942 = arith.index_cast %get3A_941 : i32 to index
        %get3A_943 = arith.index_cast %add3A_940 : i32 to index
        %get3A_944 = arith.constant 48 : index
        %get3A_945 = tpu.vector_load %arg7[%get3A_942, %get3A_943, %get3A_944] {strides = array<i32>} : memref<2x640x64xf32, #tpu.memory_space<vmem>>, vector<1x1x16xf32>,
        %get3A_946 = vector.shape_cast %get3A_945 : vector<1x1x16xf32> to vector<16xf32>
        %add3A_947 = arith.constant 12 : i32
        %add3A_948 = arith.addi %mul3A_294, %add3A_947 : i32
        %get3A_949 = arith.constant 1 : i32
        %get3A_950 = arith.index_cast %get3A_949 : i32 to index
        %get3A_951 = arith.index_cast %add3A_948 : i32 to index
        %get3A_952 = arith.constant 48 : index
        %get3A_953 = tpu.vector_load %arg7[%get3A_950, %get3A_951, %get3A_952] {strides = array<i32>} : memref<2x640x64xf32, #tpu.memory_space<vmem>>, vector<1x1x16xf32>,
        %get3A_954 = vector.shape_cast %get3A_953 : vector<1x1x16xf32> to vector<16xf32>
        %add3A_955 = arith.constant 13 : i32
        %add3A_956 = arith.addi %mul3A_294, %add3A_955 : i32
        %get3A_957 = arith.constant 1 : i32
        %get3A_958 = arith.index_cast %get3A_957 : i32 to index
        %get3A_959 = arith.index_cast %add3A_956 : i32 to index
        %get3A_960 = arith.constant 48 : index
        %get3A_961 = tpu.vector_load %arg7[%get3A_958, %get3A_959, %get3A_960] {strides = array<i32>} : memref<2x640x64xf32, #tpu.memory_space<vmem>>, vector<1x1x16xf32>,
        %get3A_962 = vector.shape_cast %get3A_961 : vector<1x1x16xf32> to vector<16xf32>
        %add3A_963 = arith.constant 14 : i32
        %add3A_964 = arith.addi %mul3A_294, %add3A_963 : i32
        %get3A_965 = arith.constant 1 : i32
        %get3A_966 = arith.index_cast %get3A_965 : i32 to index
        %get3A_967 = arith.index_cast %add3A_964 : i32 to index
        %get3A_968 = arith.constant 48 : index
        %get3A_969 = tpu.vector_load %arg7[%get3A_966, %get3A_967, %get3A_968] {strides = array<i32>} : memref<2x640x64xf32, #tpu.memory_space<vmem>>, vector<1x1x16xf32>,
        %get3A_970 = vector.shape_cast %get3A_969 : vector<1x1x16xf32> to vector<16xf32>
        %add3A_971 = arith.constant 15 : i32
        %add3A_972 = arith.addi %mul3A_294, %add3A_971 : i32
        %get3A_973 = arith.constant 1 : i32
        %get3A_974 = arith.index_cast %get3A_973 : i32 to index
        %get3A_975 = arith.index_cast %add3A_972 : i32 to index
        %get3A_976 = arith.constant 48 : index
        %get3A_977 = tpu.vector_load %arg7[%get3A_974, %get3A_975, %get3A_976] {strides = array<i32>} : memref<2x640x64xf32, #tpu.memory_space<vmem>>, vector<1x1x16xf32>,
        %get3A_978 = vector.shape_cast %get3A_977 : vector<1x1x16xf32> to vector<16xf32>
        %add3A_979 = arith.constant 16 : i32
        %add3A_980 = arith.addi %mul3A_294, %add3A_979 : i32
        %get3A_981 = arith.constant 1 : i32
        %get3A_982 = arith.index_cast %get3A_981 : i32 to index
        %get3A_983 = arith.index_cast %add3A_980 : i32 to index
        %get3A_984 = arith.constant 48 : index
        %get3A_985 = tpu.vector_load %arg7[%get3A_982, %get3A_983, %get3A_984] {strides = array<i32>} : memref<2x640x64xf32, #tpu.memory_space<vmem>>, vector<1x1x16xf32>,
        %get3A_986 = vector.shape_cast %get3A_985 : vector<1x1x16xf32> to vector<16xf32>
        %add3A_987 = arith.constant 17 : i32
        %add3A_988 = arith.addi %mul3A_294, %add3A_987 : i32
        %get3A_989 = arith.constant 1 : i32
        %get3A_990 = arith.index_cast %get3A_989 : i32 to index
        %get3A_991 = arith.index_cast %add3A_988 : i32 to index
        %get3A_992 = arith.constant 48 : index
        %get3A_993 = tpu.vector_load %arg7[%get3A_990, %get3A_991, %get3A_992] {strides = array<i32>} : memref<2x640x64xf32, #tpu.memory_space<vmem>>, vector<1x1x16xf32>,
        %get3A_994 = vector.shape_cast %get3A_993 : vector<1x1x16xf32> to vector<16xf32>
        %add3A_995 = arith.constant 18 : i32
        %add3A_996 = arith.addi %mul3A_294, %add3A_995 : i32
        %get3A_997 = arith.constant 1 : i32
        %get3A_998 = arith.index_cast %get3A_997 : i32 to index
        %get3A_999 = arith.index_cast %add3A_996 : i32 to index
        %get3A_1000 = arith.constant 48 : index
        %get3A_1001 = tpu.vector_load %arg7[%get3A_998, %get3A_999, %get3A_1000] {strides = array<i32>} : memref<2x640x64xf32, #tpu.memory_space<vmem>>, vector<1x1x16xf32>,
        %get3A_1002 = vector.shape_cast %get3A_1001 : vector<1x1x16xf32> to vector<16xf32>
        %add3A_1003 = arith.constant 19 : i32
        %add3A_1004 = arith.addi %mul3A_294, %add3A_1003 : i32
        %get3A_1005 = arith.constant 1 : i32
        %get3A_1006 = arith.index_cast %get3A_1005 : i32 to index
        %get3A_1007 = arith.index_cast %add3A_1004 : i32 to index
        %get3A_1008 = arith.constant 48 : index
        %get3A_1009 = tpu.vector_load %arg7[%get3A_1006, %get3A_1007, %get3A_1008] {strides = array<i32>} : memref<2x640x64xf32, #tpu.memory_space<vmem>>, vector<1x1x16xf32>,
        %get3A_1010 = vector.shape_cast %get3A_1009 : vector<1x1x16xf32> to vector<16xf32>
        %add3A_1011 = arith.addf %get3A_858, %get3A_866 : vector<16xf32>
        %add3A_1012 = arith.addf %get3A_874, %get3A_882 : vector<16xf32>
        %add3A_1013 = arith.addf %get3A_890, %get3A_898 : vector<16xf32>
        %add3A_1014 = arith.addf %get3A_906, %get3A_914 : vector<16xf32>
        %add3A_1015 = arith.addf %get3A_922, %get3A_930 : vector<16xf32>
        %add3A_1016 = arith.addf %get3A_938, %get3A_946 : vector<16xf32>
        %add3A_1017 = arith.addf %get3A_954, %get3A_962 : vector<16xf32>
        %add3A_1018 = arith.addf %get3A_970, %get3A_978 : vector<16xf32>
        %add3A_1019 = arith.addf %get3A_986, %get3A_994 : vector<16xf32>
        %add3A_1020 = arith.addf %get3A_1002, %get3A_1010 : vector<16xf32>
        %add3A_1021 = arith.addf %add3A_1011, %add3A_1012 : vector<16xf32>
        %add3A_1022 = arith.addf %add3A_1013, %add3A_1014 : vector<16xf32>
        %add3A_1023 = arith.addf %add3A_1015, %add3A_1016 : vector<16xf32>
        %add3A_1024 = arith.addf %add3A_1017, %add3A_1018 : vector<16xf32>
        %add3A_1025 = arith.addf %add3A_1019, %add3A_1020 : vector<16xf32>
        %add3A_1026 = arith.addf %add3A_1021, %add3A_1022 : vector<16xf32>
        %add3A_1027 = arith.addf %add3A_1023, %add3A_1024 : vector<16xf32>
        %add3A_1028 = arith.addf %add3A_1026, %add3A_1027 : vector<16xf32>
        %add3A_1029 = arith.addf %add3A_1028, %add3A_1025 : vector<16xf32>
        %add3A_1030 = arith.constant 32 : i32
        %add3A_1031 = arith.addi %add3A_1030, %scan3A_292 : i32
        %swap3A_1032 = arith.index_cast %add3A_1031 : i32 to index
        %swap3A_1033 = arith.constant 48 : index
        %swap3A_1034 = tpu.vector_load %arg8[%swap3A_1032, %swap3A_1033] {strides = array<i32>} : memref<64x64xf32, #tpu.memory_space<vmem>>, vector<1x16xf32>,
        %swap3A_1035 = vector.shape_cast %swap3A_1034 : vector<1x16xf32> to vector<16xf32>
        %swap3A_1036 = vector.shape_cast %add3A_1029 : vector<16xf32> to vector<1x16xf32>
        tpu.vector_store %arg8[%swap3A_1032, %swap3A_1033], %swap3A_1036 {strides = array<i32>} : memref<64x64xf32, #tpu.memory_space<vmem>>, vector<1x16xf32>,
      }
      %scan3A_288 = arith.constant 32 : i32
      %mul3A_289 = arith.constant 64 : i32
      %mul3A_290 = arith.muli %scan3A_89, %mul3A_289 : i32
      %add3A_291 = arith.addi %multiple_of3A, %mul3A_290 : i32
      "tpu.region"() ({
        %run_scoped3A_292 = tpu.sem_alloc : memref<!tpu.dma_semaphore, #tpu.memory_space<semaphore_mem>>
        %dma_start3A_293 = arith.constant 0 : i32
        %dma_start3A_294 = tpu.memref_slice %arg4[%add3A_291, %dma_start3A_293] : memref<51200x64xf32, #tpu.memory_space<hbm>> -> memref<64x64xf32, #tpu.memory_space<hbm>>
        %dma_start3A_295 = arith.constant 0 : i32
        %dma_start3A_296 = tpu.memref_slice %arg4[%add3A_291, %dma_start3A_295] : memref<51200x64xf32, #tpu.memory_space<hbm>> -> memref<64x64xf32, #tpu.memory_space<hbm>>
        tpu.enqueue_dma source(%arg8 : memref<64x64xf32, #tpu.memory_space<vmem>>) target(%dma_start3A_296 : memref<64x64xf32, #tpu.memory_space<hbm>>) target_semaphore(%run_scoped3A_292 : memref<!tpu.dma_semaphore, #tpu.memory_space<semaphore_mem>>)
        %dma_wait3A_297 = arith.constant 0 : i32
        %dma_wait3A_298 = tpu.memref_slice %arg4[%add3A_291, %dma_wait3A_297] : memref<51200x64xf32, #tpu.memory_space<hbm>> -> memref<64x64xf32, #tpu.memory_space<hbm>>
        %dma_wait3A_299 = arith.constant 0 : i32
        %dma_wait3A_300 = tpu.memref_slice %arg4[%add3A_291, %dma_wait3A_299] : memref<51200x64xf32, #tpu.memory_space<hbm>> -> memref<64x64xf32, #tpu.memory_space<hbm>>
        tpu.wait_dma2 semaphore(%run_scoped3A_292 : memref<!tpu.dma_semaphore, #tpu.memory_space<semaphore_mem>>) src(%arg8 : memref<64x64xf32, #tpu.memory_space<vmem>>) dst(%dma_wait3A_300 : memref<64x64xf32, #tpu.memory_space<hbm>>)
        tpu.yield
      }) : () -> ()
    }
    %scan3A_88 = arith.constant 25 : i32
    return
  }
}

#map = affine_map<(d0, d1) -> (0)>
#map1 = affine_map<(d0, d1) -> (0, 0)>
module attributes {stable_mosaic.version = 14 : i64} {
  func.func @_sc_seq(%arg0: i32, %arg1: i32, %arg2: memref<51200xi32, #tpu.memory_space<hbm>>, %arg3: memref<1048576x32xf32, #tpu.memory_space<hbm>>, %arg4: memref<51200x64xf32, #tpu.memory_space<hbm>>, %arg5: memref<51200x32xf32, #tpu.memory_space<hbm>>, %arg6: memref<80xi32, #tpu.memory_space<vmem>>, %arg7: memref<2x80x32xf32, #tpu.memory_space<vmem>>, %arg8: memref<!tpu.dma_semaphore, #tpu.memory_space<semaphore_mem>>, %arg9: memref<!tpu.dma_semaphore, #tpu.memory_space<semaphore_mem>>, %arg10: memref<!tpu.dma_semaphore, #tpu.memory_space<semaphore_mem>>) attributes {dimension_semantics = [#tpu.dimension_semantics<core_parallel>, #tpu.dimension_semantics<subcore_parallel>], iteration_bounds = array<i64: 2, 16>, scalar_prefetch = 0 : i64, scratch_operands = 5 : i64, tpu.core_type = #tpu.core_type<sc_vector_subcore>, window_params = [{transform_indices = #map}, {transform_indices = #map1}, {transform_indices = #map1}, {transform_indices = #map1}]} {
    %mul3A = arith.constant 2 : i32
    %mul3A_0 = arith.muli %arg1, %mul3A : i32
    %add3A = arith.addi %mul3A_0, %arg0 : i32
    %mul3A_1 = arith.constant 1600 : i32
    %mul3A_2 = arith.muli %add3A, %mul3A_1 : i32
    %multiple_of3A = tpu.assume_multiple %mul3A_2, 1600 : i32
    %scan3A = arith.constant 0 : i32
    %scan3A_3 = arith.constant 0 : i32
    %scan3A_4 = arith.constant 20 : i32
    %scan3A_5 = arith.addi %scan3A_3, %scan3A_4 : i32
    %scan3A_6 = arith.constant 1 : i32
    scf.for %scan3A_37 = %scan3A_3 to %scan3A_5 step %scan3A_6  : i32 {
      %mul3A_38 = arith.constant 80 : i32
      %mul3A_39 = arith.muli %scan3A_37, %mul3A_38 : i32
      %add3A_40 = arith.addi %multiple_of3A, %mul3A_39 : i32
      %multiple_of3A_41 = tpu.assume_multiple %add3A_40, 80 : i32
      %rem3A = arith.constant 2 : i32
      %rem3A_42 = arith.remsi %scan3A_37, %rem3A : i32
      %ge3A = arith.constant 2 : i32
      %ge3A_43 = arith.cmpi sge, %scan3A_37, %ge3A : i32
      %convert_element_type3A = arith.extui %ge3A_43 : i1 to i32
      %cond3A = arith.constant 0 : i32
      %cond3A_44 = arith.cmpi ne, %convert_element_type3A, %cond3A : i32
      scf.if %cond3A_44 {
        %dma_wait3A_186 = arith.constant 0 : i32
        %dma_wait3A_187 = arith.constant 0 : i32
        %dma_wait3A_188 = tpu.memref_slice %arg7[%rem3A_42, %dma_wait3A_186, %dma_wait3A_187] : memref<2x80x32xf32, #tpu.memory_space<vmem>> -> memref<1x80x32xf32, #tpu.memory_space<vmem>>
        %dma_wait3A_189 = tpu.memref_squeeze %dma_wait3A_188 : memref<1x80x32xf32, #tpu.memory_space<vmem>> -> memref<80x32xf32, #tpu.memory_space<vmem>>
        %dma_wait3A_190 = arith.constant 0 : i32
        %dma_wait3A_191 = arith.constant 0 : i32
        %dma_wait3A_192 = tpu.memref_slice %arg5[%dma_wait3A_190, %dma_wait3A_191] : memref<51200x32xf32, #tpu.memory_space<hbm>> -> memref<80x32xf32, #tpu.memory_space<hbm>>
        %dma_wait3A_193 = arith.constant 0 : i32
        %dma_wait3A_194 = arith.constant 0 : i32
        %dma_wait3A_195 = tpu.memref_slice %arg5[%dma_wait3A_193, %dma_wait3A_194] : memref<51200x32xf32, #tpu.memory_space<hbm>> -> memref<80x32xf32, #tpu.memory_space<hbm>>
        %dma_wait3A_196 = arith.constant 0 : i32
        %dma_wait3A_197 = arith.constant 0 : i32
        %dma_wait3A_198 = tpu.memref_slice %arg7[%rem3A_42, %dma_wait3A_196, %dma_wait3A_197] : memref<2x80x32xf32, #tpu.memory_space<vmem>> -> memref<1x80x32xf32, #tpu.memory_space<vmem>>
        %dma_wait3A_199 = tpu.memref_squeeze %dma_wait3A_198 : memref<1x80x32xf32, #tpu.memory_space<vmem>> -> memref<80x32xf32, #tpu.memory_space<vmem>>
        tpu.wait_dma2 semaphore(%arg10 : memref<!tpu.dma_semaphore, #tpu.memory_space<semaphore_mem>>) src(%dma_wait3A_199 : memref<80x32xf32, #tpu.memory_space<vmem>>) dst(%dma_wait3A_195 : memref<80x32xf32, #tpu.memory_space<hbm>>)
      } else {
      }
      "tpu.region"() ({
        %run_scoped3A = tpu.sem_alloc : memref<!tpu.dma_semaphore, #tpu.memory_space<semaphore_mem>>
        %dma_start3A_186 = tpu.memref_slice %arg2[%multiple_of3A_41] : memref<51200xi32, #tpu.memory_space<hbm>> -> memref<80xi32, #tpu.memory_space<hbm>>
        %dma_start3A_187 = tpu.memref_slice %arg2[%multiple_of3A_41] : memref<51200xi32, #tpu.memory_space<hbm>> -> memref<80xi32, #tpu.memory_space<hbm>>
        tpu.enqueue_dma source(%dma_start3A_187 : memref<80xi32, #tpu.memory_space<hbm>>) target(%arg6 : memref<80xi32, #tpu.memory_space<vmem>>) target_semaphore(%run_scoped3A : memref<!tpu.dma_semaphore, #tpu.memory_space<semaphore_mem>>)
        %dma_wait3A_188 = tpu.memref_slice %arg2[%multiple_of3A_41] : memref<51200xi32, #tpu.memory_space<hbm>> -> memref<80xi32, #tpu.memory_space<hbm>>
        %dma_wait3A_189 = tpu.memref_slice %arg2[%multiple_of3A_41] : memref<51200xi32, #tpu.memory_space<hbm>> -> memref<80xi32, #tpu.memory_space<hbm>>
        tpu.wait_dma2 semaphore(%run_scoped3A : memref<!tpu.dma_semaphore, #tpu.memory_space<semaphore_mem>>) src(%dma_wait3A_189 : memref<80xi32, #tpu.memory_space<hbm>>) dst(%arg6 : memref<80xi32, #tpu.memory_space<vmem>>)
        tpu.yield
      }) : () -> ()
      %get3A = arith.constant 0 : index
      %get3A_45 = tpu.vector_load %arg6[%get3A] {strides = array<i32>} : memref<80xi32, #tpu.memory_space<vmem>>, vector<16xi32>,
      %get3A_46 = vector.shape_cast %get3A_45 : vector<16xi32> to vector<16xi32>
      %and3A = arith.constant -8192 : i32
      %and3A_47 = vector.broadcast %and3A : i32 to vector<16xi32>
      %and3A_48 = arith.andi %get3A_46, %and3A_47 : vector<16xi32>
      %and3A_49 = arith.constant 2047 : i32
      %and3A_50 = vector.broadcast %and3A_49 : i32 to vector<16xi32>
      %and3A_51 = arith.andi %get3A_46, %and3A_50 : vector<16xi32>
      %mul3A_52 = arith.constant 4 : i32
      %mul3A_53 = vector.broadcast %mul3A_52 : i32 to vector<16xi32>
      %mul3A_54 = arith.muli %mul3A_53, %and3A_51 : vector<16xi32>
      %add3A_55 = arith.addi %and3A_48, %mul3A_54 : vector<16xi32>
      %and3A_56 = arith.constant 8191 : i32
      %and3A_57 = vector.broadcast %and3A_56 : i32 to vector<16xi32>
      %and3A_58 = arith.andi %get3A_46, %and3A_57 : vector<16xi32>
      %shift_right_arithmetic3A = arith.constant 11 : i32
      %shift_right_arithmetic3A_59 = vector.broadcast %shift_right_arithmetic3A : i32 to vector<16xi32>
      %shift_right_arithmetic3A_60 = arith.shrsi %and3A_58, %shift_right_arithmetic3A_59 : vector<16xi32>
      %add3A_61 = arith.addi %add3A_55, %shift_right_arithmetic3A_60 : vector<16xi32>
      %swap3A = arith.constant 0 : index
      %swap3A_62 = tpu.vector_load %arg6[%swap3A] {strides = array<i32>} : memref<80xi32, #tpu.memory_space<vmem>>, vector<16xi32>,
      %swap3A_63 = vector.shape_cast %swap3A_62 : vector<16xi32> to vector<16xi32>
      %swap3A_64 = vector.shape_cast %add3A_61 : vector<16xi32> to vector<16xi32>
      tpu.vector_store %arg6[%swap3A], %swap3A_64 {strides = array<i32>} : memref<80xi32, #tpu.memory_space<vmem>>, vector<16xi32>,
      %get3A_65 = arith.constant 16 : index
      %get3A_66 = tpu.vector_load %arg6[%get3A_65] {strides = array<i32>} : memref<80xi32, #tpu.memory_space<vmem>>, vector<16xi32>,
      %get3A_67 = vector.shape_cast %get3A_66 : vector<16xi32> to vector<16xi32>
      %and3A_68 = arith.constant -8192 : i32
      %and3A_69 = vector.broadcast %and3A_68 : i32 to vector<16xi32>
      %and3A_70 = arith.andi %get3A_67, %and3A_69 : vector<16xi32>
      %and3A_71 = arith.constant 2047 : i32
      %and3A_72 = vector.broadcast %and3A_71 : i32 to vector<16xi32>
      %and3A_73 = arith.andi %get3A_67, %and3A_72 : vector<16xi32>
      %mul3A_74 = arith.constant 4 : i32
      %mul3A_75 = vector.broadcast %mul3A_74 : i32 to vector<16xi32>
      %mul3A_76 = arith.muli %mul3A_75, %and3A_73 : vector<16xi32>
      %add3A_77 = arith.addi %and3A_70, %mul3A_76 : vector<16xi32>
      %and3A_78 = arith.constant 8191 : i32
      %and3A_79 = vector.broadcast %and3A_78 : i32 to vector<16xi32>
      %and3A_80 = arith.andi %get3A_67, %and3A_79 : vector<16xi32>
      %shift_right_arithmetic3A_81 = arith.constant 11 : i32
      %shift_right_arithmetic3A_82 = vector.broadcast %shift_right_arithmetic3A_81 : i32 to vector<16xi32>
      %shift_right_arithmetic3A_83 = arith.shrsi %and3A_80, %shift_right_arithmetic3A_82 : vector<16xi32>
      %add3A_84 = arith.addi %add3A_77, %shift_right_arithmetic3A_83 : vector<16xi32>
      %swap3A_85 = arith.constant 16 : index
      %swap3A_86 = tpu.vector_load %arg6[%swap3A_85] {strides = array<i32>} : memref<80xi32, #tpu.memory_space<vmem>>, vector<16xi32>,
      %swap3A_87 = vector.shape_cast %swap3A_86 : vector<16xi32> to vector<16xi32>
      %swap3A_88 = vector.shape_cast %add3A_84 : vector<16xi32> to vector<16xi32>
      tpu.vector_store %arg6[%swap3A_85], %swap3A_88 {strides = array<i32>} : memref<80xi32, #tpu.memory_space<vmem>>, vector<16xi32>,
      %get3A_89 = arith.constant 32 : index
      %get3A_90 = tpu.vector_load %arg6[%get3A_89] {strides = array<i32>} : memref<80xi32, #tpu.memory_space<vmem>>, vector<16xi32>,
      %get3A_91 = vector.shape_cast %get3A_90 : vector<16xi32> to vector<16xi32>
      %and3A_92 = arith.constant -8192 : i32
      %and3A_93 = vector.broadcast %and3A_92 : i32 to vector<16xi32>
      %and3A_94 = arith.andi %get3A_91, %and3A_93 : vector<16xi32>
      %and3A_95 = arith.constant 2047 : i32
      %and3A_96 = vector.broadcast %and3A_95 : i32 to vector<16xi32>
      %and3A_97 = arith.andi %get3A_91, %and3A_96 : vector<16xi32>
      %mul3A_98 = arith.constant 4 : i32
      %mul3A_99 = vector.broadcast %mul3A_98 : i32 to vector<16xi32>
      %mul3A_100 = arith.muli %mul3A_99, %and3A_97 : vector<16xi32>
      %add3A_101 = arith.addi %and3A_94, %mul3A_100 : vector<16xi32>
      %and3A_102 = arith.constant 8191 : i32
      %and3A_103 = vector.broadcast %and3A_102 : i32 to vector<16xi32>
      %and3A_104 = arith.andi %get3A_91, %and3A_103 : vector<16xi32>
      %shift_right_arithmetic3A_105 = arith.constant 11 : i32
      %shift_right_arithmetic3A_106 = vector.broadcast %shift_right_arithmetic3A_105 : i32 to vector<16xi32>
      %shift_right_arithmetic3A_107 = arith.shrsi %and3A_104, %shift_right_arithmetic3A_106 : vector<16xi32>
      %add3A_108 = arith.addi %add3A_101, %shift_right_arithmetic3A_107 : vector<16xi32>
      %swap3A_109 = arith.constant 32 : index
      %swap3A_110 = tpu.vector_load %arg6[%swap3A_109] {strides = array<i32>} : memref<80xi32, #tpu.memory_space<vmem>>, vector<16xi32>,
      %swap3A_111 = vector.shape_cast %swap3A_110 : vector<16xi32> to vector<16xi32>
      %swap3A_112 = vector.shape_cast %add3A_108 : vector<16xi32> to vector<16xi32>
      tpu.vector_store %arg6[%swap3A_109], %swap3A_112 {strides = array<i32>} : memref<80xi32, #tpu.memory_space<vmem>>, vector<16xi32>,
      %get3A_113 = arith.constant 48 : index
      %get3A_114 = tpu.vector_load %arg6[%get3A_113] {strides = array<i32>} : memref<80xi32, #tpu.memory_space<vmem>>, vector<16xi32>,
      %get3A_115 = vector.shape_cast %get3A_114 : vector<16xi32> to vector<16xi32>
      %and3A_116 = arith.constant -8192 : i32
      %and3A_117 = vector.broadcast %and3A_116 : i32 to vector<16xi32>
      %and3A_118 = arith.andi %get3A_115, %and3A_117 : vector<16xi32>
      %and3A_119 = arith.constant 2047 : i32
      %and3A_120 = vector.broadcast %and3A_119 : i32 to vector<16xi32>
      %and3A_121 = arith.andi %get3A_115, %and3A_120 : vector<16xi32>
      %mul3A_122 = arith.constant 4 : i32
      %mul3A_123 = vector.broadcast %mul3A_122 : i32 to vector<16xi32>
      %mul3A_124 = arith.muli %mul3A_123, %and3A_121 : vector<16xi32>
      %add3A_125 = arith.addi %and3A_118, %mul3A_124 : vector<16xi32>
      %and3A_126 = arith.constant 8191 : i32
      %and3A_127 = vector.broadcast %and3A_126 : i32 to vector<16xi32>
      %and3A_128 = arith.andi %get3A_115, %and3A_127 : vector<16xi32>
      %shift_right_arithmetic3A_129 = arith.constant 11 : i32
      %shift_right_arithmetic3A_130 = vector.broadcast %shift_right_arithmetic3A_129 : i32 to vector<16xi32>
      %shift_right_arithmetic3A_131 = arith.shrsi %and3A_128, %shift_right_arithmetic3A_130 : vector<16xi32>
      %add3A_132 = arith.addi %add3A_125, %shift_right_arithmetic3A_131 : vector<16xi32>
      %swap3A_133 = arith.constant 48 : index
      %swap3A_134 = tpu.vector_load %arg6[%swap3A_133] {strides = array<i32>} : memref<80xi32, #tpu.memory_space<vmem>>, vector<16xi32>,
      %swap3A_135 = vector.shape_cast %swap3A_134 : vector<16xi32> to vector<16xi32>
      %swap3A_136 = vector.shape_cast %add3A_132 : vector<16xi32> to vector<16xi32>
      tpu.vector_store %arg6[%swap3A_133], %swap3A_136 {strides = array<i32>} : memref<80xi32, #tpu.memory_space<vmem>>, vector<16xi32>,
      %get3A_137 = arith.constant 64 : index
      %get3A_138 = tpu.vector_load %arg6[%get3A_137] {strides = array<i32>} : memref<80xi32, #tpu.memory_space<vmem>>, vector<16xi32>,
      %get3A_139 = vector.shape_cast %get3A_138 : vector<16xi32> to vector<16xi32>
      %and3A_140 = arith.constant -8192 : i32
      %and3A_141 = vector.broadcast %and3A_140 : i32 to vector<16xi32>
      %and3A_142 = arith.andi %get3A_139, %and3A_141 : vector<16xi32>
      %and3A_143 = arith.constant 2047 : i32
      %and3A_144 = vector.broadcast %and3A_143 : i32 to vector<16xi32>
      %and3A_145 = arith.andi %get3A_139, %and3A_144 : vector<16xi32>
      %mul3A_146 = arith.constant 4 : i32
      %mul3A_147 = vector.broadcast %mul3A_146 : i32 to vector<16xi32>
      %mul3A_148 = arith.muli %mul3A_147, %and3A_145 : vector<16xi32>
      %add3A_149 = arith.addi %and3A_142, %mul3A_148 : vector<16xi32>
      %and3A_150 = arith.constant 8191 : i32
      %and3A_151 = vector.broadcast %and3A_150 : i32 to vector<16xi32>
      %and3A_152 = arith.andi %get3A_139, %and3A_151 : vector<16xi32>
      %shift_right_arithmetic3A_153 = arith.constant 11 : i32
      %shift_right_arithmetic3A_154 = vector.broadcast %shift_right_arithmetic3A_153 : i32 to vector<16xi32>
      %shift_right_arithmetic3A_155 = arith.shrsi %and3A_152, %shift_right_arithmetic3A_154 : vector<16xi32>
      %add3A_156 = arith.addi %add3A_149, %shift_right_arithmetic3A_155 : vector<16xi32>
      %swap3A_157 = arith.constant 64 : index
      %swap3A_158 = tpu.vector_load %arg6[%swap3A_157] {strides = array<i32>} : memref<80xi32, #tpu.memory_space<vmem>>, vector<16xi32>,
      %swap3A_159 = vector.shape_cast %swap3A_158 : vector<16xi32> to vector<16xi32>
      %swap3A_160 = vector.shape_cast %add3A_156 : vector<16xi32> to vector<16xi32>
      tpu.vector_store %arg6[%swap3A_157], %swap3A_160 {strides = array<i32>} : memref<80xi32, #tpu.memory_space<vmem>>, vector<16xi32>,
      %dma_start3A = arith.constant 0 : i32
      %dma_start3A_161 = arith.constant 0 : i32
      %dma_start3A_162 = tpu.memref_slice %arg7[%rem3A_42, %dma_start3A, %dma_start3A_161] : memref<2x80x32xf32, #tpu.memory_space<vmem>> -> memref<1x80x32xf32, #tpu.memory_space<vmem>>
      %dma_start3A_163 = tpu.memref_squeeze %dma_start3A_162 : memref<1x80x32xf32, #tpu.memory_space<vmem>> -> memref<80x32xf32, #tpu.memory_space<vmem>>
      %dma_start3A_164 = arith.constant 0 : i32
      %dma_start3A_165 = arith.constant 0 : i32
      %dma_start3A_166 = tpu.memref_slice %arg3[%dma_start3A_164, %dma_start3A_165] : memref<1048576x32xf32, #tpu.memory_space<hbm>> -> memref<1048576x32xf32, #tpu.memory_space<hbm>>
      tpu.enqueue_indirect_dma source(%dma_start3A_166 : memref<1048576x32xf32, #tpu.memory_space<hbm>>) target(%dma_start3A_163 : memref<80x32xf32, #tpu.memory_space<vmem>>) offsets(%arg6 : memref<80xi32, #tpu.memory_space<vmem>>) semaphore(%arg9 : memref<!tpu.dma_semaphore, #tpu.memory_space<semaphore_mem>>)
      %dma_wait3A_167 = arith.constant 0 : i32
      %dma_wait3A_168 = arith.constant 0 : i32
      %dma_wait3A_169 = tpu.memref_slice %arg7[%rem3A_42, %dma_wait3A_167, %dma_wait3A_168] : memref<2x80x32xf32, #tpu.memory_space<vmem>> -> memref<1x80x32xf32, #tpu.memory_space<vmem>>
      %dma_wait3A_170 = tpu.memref_squeeze %dma_wait3A_169 : memref<1x80x32xf32, #tpu.memory_space<vmem>> -> memref<80x32xf32, #tpu.memory_space<vmem>>
      %dma_wait3A_171 = arith.constant 0 : i32
      %dma_wait3A_172 = arith.constant 0 : i32
      %dma_wait3A_173 = tpu.memref_slice %arg3[%dma_wait3A_171, %dma_wait3A_172] : memref<1048576x32xf32, #tpu.memory_space<hbm>> -> memref<1048576x32xf32, #tpu.memory_space<hbm>>
      tpu.wait_indirect_dma semaphore(%arg9 : memref<!tpu.dma_semaphore, #tpu.memory_space<semaphore_mem>>) src(%dma_wait3A_173 : memref<1048576x32xf32, #tpu.memory_space<hbm>>) dst(%dma_wait3A_170 : memref<80x32xf32, #tpu.memory_space<vmem>>)
      %dma_start3A_174 = arith.constant 0 : i32
      %dma_start3A_175 = arith.constant 0 : i32
      %dma_start3A_176 = tpu.memref_slice %arg7[%rem3A_42, %dma_start3A_174, %dma_start3A_175] : memref<2x80x32xf32, #tpu.memory_space<vmem>> -> memref<1x80x32xf32, #tpu.memory_space<vmem>>
      %dma_start3A_177 = tpu.memref_squeeze %dma_start3A_176 : memref<1x80x32xf32, #tpu.memory_space<vmem>> -> memref<80x32xf32, #tpu.memory_space<vmem>>
      %dma_start3A_178 = arith.constant 0 : i32
      %dma_start3A_179 = tpu.memref_slice %arg5[%multiple_of3A_41, %dma_start3A_178] : memref<51200x32xf32, #tpu.memory_space<hbm>> -> memref<80x32xf32, #tpu.memory_space<hbm>>
      %dma_start3A_180 = arith.constant 0 : i32
      %dma_start3A_181 = tpu.memref_slice %arg5[%multiple_of3A_41, %dma_start3A_180] : memref<51200x32xf32, #tpu.memory_space<hbm>> -> memref<80x32xf32, #tpu.memory_space<hbm>>
      %dma_start3A_182 = arith.constant 0 : i32
      %dma_start3A_183 = arith.constant 0 : i32
      %dma_start3A_184 = tpu.memref_slice %arg7[%rem3A_42, %dma_start3A_182, %dma_start3A_183] : memref<2x80x32xf32, #tpu.memory_space<vmem>> -> memref<1x80x32xf32, #tpu.memory_space<vmem>>
      %dma_start3A_185 = tpu.memref_squeeze %dma_start3A_184 : memref<1x80x32xf32, #tpu.memory_space<vmem>> -> memref<80x32xf32, #tpu.memory_space<vmem>>
      tpu.enqueue_dma source(%dma_start3A_185 : memref<80x32xf32, #tpu.memory_space<vmem>>) target(%dma_start3A_181 : memref<80x32xf32, #tpu.memory_space<hbm>>) target_semaphore(%arg10 : memref<!tpu.dma_semaphore, #tpu.memory_space<semaphore_mem>>)
    }
    %scan3A_7 = arith.constant 20 : i32
    %dma_wait3A = arith.constant 0 : i32
    %dma_wait3A_8 = arith.constant 0 : i32
    %dma_wait3A_9 = arith.constant 0 : i32
    %dma_wait3A_10 = tpu.memref_slice %arg7[%dma_wait3A, %dma_wait3A_8, %dma_wait3A_9] : memref<2x80x32xf32, #tpu.memory_space<vmem>> -> memref<1x80x32xf32, #tpu.memory_space<vmem>>
    %dma_wait3A_11 = tpu.memref_squeeze %dma_wait3A_10 : memref<1x80x32xf32, #tpu.memory_space<vmem>> -> memref<80x32xf32, #tpu.memory_space<vmem>>
    %dma_wait3A_12 = arith.constant 0 : i32
    %dma_wait3A_13 = arith.constant 0 : i32
    %dma_wait3A_14 = tpu.memref_slice %arg5[%dma_wait3A_12, %dma_wait3A_13] : memref<51200x32xf32, #tpu.memory_space<hbm>> -> memref<80x32xf32, #tpu.memory_space<hbm>>
    %dma_wait3A_15 = arith.constant 0 : i32
    %dma_wait3A_16 = arith.constant 0 : i32
    %dma_wait3A_17 = tpu.memref_slice %arg5[%dma_wait3A_15, %dma_wait3A_16] : memref<51200x32xf32, #tpu.memory_space<hbm>> -> memref<80x32xf32, #tpu.memory_space<hbm>>
    %dma_wait3A_18 = arith.constant 0 : i32
    %dma_wait3A_19 = arith.constant 0 : i32
    %dma_wait3A_20 = tpu.memref_slice %arg7[%dma_wait3A, %dma_wait3A_18, %dma_wait3A_19] : memref<2x80x32xf32, #tpu.memory_space<vmem>> -> memref<1x80x32xf32, #tpu.memory_space<vmem>>
    %dma_wait3A_21 = tpu.memref_squeeze %dma_wait3A_20 : memref<1x80x32xf32, #tpu.memory_space<vmem>> -> memref<80x32xf32, #tpu.memory_space<vmem>>
    tpu.wait_dma2 semaphore(%arg10 : memref<!tpu.dma_semaphore, #tpu.memory_space<semaphore_mem>>) src(%dma_wait3A_21 : memref<80x32xf32, #tpu.memory_space<vmem>>) dst(%dma_wait3A_17 : memref<80x32xf32, #tpu.memory_space<hbm>>)
    %dma_wait3A_22 = arith.constant 1 : i32
    %dma_wait3A_23 = arith.constant 0 : i32
    %dma_wait3A_24 = arith.constant 0 : i32
    %dma_wait3A_25 = tpu.memref_slice %arg7[%dma_wait3A_22, %dma_wait3A_23, %dma_wait3A_24] : memref<2x80x32xf32, #tpu.memory_space<vmem>> -> memref<1x80x32xf32, #tpu.memory_space<vmem>>
    %dma_wait3A_26 = tpu.memref_squeeze %dma_wait3A_25 : memref<1x80x32xf32, #tpu.memory_space<vmem>> -> memref<80x32xf32, #tpu.memory_space<vmem>>
    %dma_wait3A_27 = arith.constant 0 : i32
    %dma_wait3A_28 = arith.constant 0 : i32
    %dma_wait3A_29 = tpu.memref_slice %arg5[%dma_wait3A_27, %dma_wait3A_28] : memref<51200x32xf32, #tpu.memory_space<hbm>> -> memref<80x32xf32, #tpu.memory_space<hbm>>
    %dma_wait3A_30 = arith.constant 0 : i32
    %dma_wait3A_31 = arith.constant 0 : i32
    %dma_wait3A_32 = tpu.memref_slice %arg5[%dma_wait3A_30, %dma_wait3A_31] : memref<51200x32xf32, #tpu.memory_space<hbm>> -> memref<80x32xf32, #tpu.memory_space<hbm>>
    %dma_wait3A_33 = arith.constant 0 : i32
    %dma_wait3A_34 = arith.constant 0 : i32
    %dma_wait3A_35 = tpu.memref_slice %arg7[%dma_wait3A_22, %dma_wait3A_33, %dma_wait3A_34] : memref<2x80x32xf32, #tpu.memory_space<vmem>> -> memref<1x80x32xf32, #tpu.memory_space<vmem>>
    %dma_wait3A_36 = tpu.memref_squeeze %dma_wait3A_35 : memref<1x80x32xf32, #tpu.memory_space<vmem>> -> memref<80x32xf32, #tpu.memory_space<vmem>>
    tpu.wait_dma2 semaphore(%arg10 : memref<!tpu.dma_semaphore, #tpu.memory_space<semaphore_mem>>) src(%dma_wait3A_36 : memref<80x32xf32, #tpu.memory_space<vmem>>) dst(%dma_wait3A_32 : memref<80x32xf32, #tpu.memory_space<hbm>>)
    return
  }
}

module attributes {stable_mosaic.version = 14 : i64} {
  func.func @_g_matmul_body(%arg0: i32, %arg1: memref<1024x32xf32, #tpu.memory_space<vmem>>, %arg2: memref<1x32x64xf32, #tpu.memory_space<vmem>>, %arg3: memref<1024x64xf32, #tpu.memory_space<vmem>>) attributes {dimension_semantics = [#tpu.dimension_semantics<arbitrary>], iteration_bounds = array<i64: 20>, scalar_prefetch = 0 : i64, scratch_operands = 0 : i64, tpu.core_type = #tpu.core_type<tc>, window_params = [{pipeline_mode = #tpu.pipeline_mode<synchronous>, transform_indices = @transform_0, window_bounds = array<i64: 1024, 32>}, {transform_indices = @transform_1, window_bounds = array<i64: 1, 32, 64>}, {transform_indices = @transform_2, window_bounds = array<i64: 1024, 64>}]} {
    %get3A = arith.constant 0 : index
    %get3A_0 = arith.constant 0 : index
    %get3A_1 = vector.load %arg1[%get3A, %get3A_0] : memref<1024x32xf32, #tpu.memory_space<vmem>>, vector<1024x32xf32>
    %get3A_2 = arith.constant 0 : index
    %get3A_3 = arith.constant 0 : index
    %get3A_4 = arith.constant 0 : index
    %get3A_5 = vector.load %arg2[%get3A_2, %get3A_3, %get3A_4] : memref<1x32x64xf32, #tpu.memory_space<vmem>>, vector<1x32x64xf32>
    %get3A_6 = vector.shape_cast %get3A_5 : vector<1x32x64xf32> to vector<32x64xf32>
    %dot_general3A = arith.constant dense<0.000000e+00> : vector<1024x64xf32>
    %dot_general3A_7 = tpu.matmul %get3A_1, %get3A_6, %dot_general3A {dimension_numbers = #tpu.dot_dimension_numbers<[1], [0], [0], [1], [0, 0, 1, 1], [], []>, transpose_lhs_hint = false} : vector<1024x32xf32>, vector<32x64xf32>, vector<1024x64xf32> -> vector<1024x64xf32>
    %swap3A = arith.constant 0 : index
    %swap3A_8 = arith.constant 0 : index
    %swap3A_9 = vector.load %arg3[%swap3A, %swap3A_8] : memref<1024x64xf32, #tpu.memory_space<vmem>>, vector<1024x64xf32>
    tpu.vector_store %arg3[%swap3A, %swap3A_8], %dot_general3A_7 {strides = array<i32>} : memref<1024x64xf32, #tpu.memory_space<vmem>>, vector<1024x64xf32>,
    return
  }
  func.func @transform_0(%arg0: i32) -> (i32, i32) {
    %c0_i32 = arith.constant 0 : i32
    %c0_i32_0 = arith.constant 0 : i32
    %c0_i32_1 = arith.constant 0 : i32
    return %c0_i32, %c0_i32_0 : i32, i32
  }
  func.func @transform_1(%arg0: i32) -> (i32, i32, i32) {
    %c0_i32 = arith.constant 0 : i32
    %c0_i32_0 = arith.constant 0 : i32
    %c0_i32_1 = arith.constant 0 : i32
    return %arg0, %c0_i32, %c0_i32_0 : i32, i32, i32
  }
  func.func @transform_2(%arg0: i32) -> (i32, i32) {
    %c0_i32 = arith.constant 0 : i32
    %c0_i32_0 = arith.constant 0 : i32
    return %arg0, %c0_i32 : i32, i32
  }
}

module attributes {stable_mosaic.version = 14 : i64} {
  func.func @_tr_body(%arg0: i32, %arg1: memref<32x8192xf32, #tpu.memory_space<vmem>>, %arg2: memref<2048x128xf32, #tpu.memory_space<vmem>>) attributes {dimension_semantics = [#tpu.dimension_semantics<arbitrary>], iteration_bounds = array<i64: 128>, scalar_prefetch = 0 : i64, scratch_operands = 0 : i64, tpu.core_type = #tpu.core_type<tc>, window_params = [{transform_indices = @transform_0, window_bounds = array<i64: 32, 8192>}, {transform_indices = @transform_1, window_bounds = array<i64: 2048, 128>}]} {
    %iota3A = tpu.iota {dimensions = array<i32: 0>} : vector<32x128xi32>
    %iota3A_0 = tpu.iota {dimensions = array<i32: 1>} : vector<32x128xi32>
    %get3A = arith.constant 0 : index
    %get3A_1 = arith.constant 0 : index
    %get3A_2 = vector.load %arg1[%get3A, %get3A_1] : memref<32x8192xf32, #tpu.memory_space<vmem>>, vector<32x8192xf32>
    %add3A = arith.constant 0 : i32
    %add3A_3 = vector.broadcast %add3A : i32 to vector<32x128xi32>
    %add3A_4 = arith.addi %iota3A, %add3A_3 : vector<32x128xi32>
    %eq3A = arith.cmpi eq, %iota3A_0, %add3A_4 : vector<32x128xi32>
    %convert_element_type3A = arith.extui %eq3A : vector<32x128xi1> to vector<32x128xi32>
    %convert_element_type3A_5 = arith.sitofp %convert_element_type3A : vector<32x128xi32> to vector<32x128xf32>
    %slice3A = vector.extract_strided_slice %get3A_2 {offsets = [0, 0], sizes = [32, 2048], strides = [1, 1]} : vector<32x8192xf32> to vector<32x2048xf32>
    %dot_general3A = arith.constant dense<0.000000e+00> : vector<2048x128xf32>
    %dot_general3A_6 = tpu.matmul %slice3A, %convert_element_type3A_5, %dot_general3A {dimension_numbers = #tpu.dot_dimension_numbers<[0], [0], [1], [1], [0, 1, 1, 1], [], []>, transpose_lhs_hint = false} : vector<32x2048xf32>, vector<32x128xf32>, vector<2048x128xf32> -> vector<2048x128xf32>
    %add3A_7 = arith.constant 32 : i32
    %add3A_8 = vector.broadcast %add3A_7 : i32 to vector<32x128xi32>
    %add3A_9 = arith.addi %iota3A, %add3A_8 : vector<32x128xi32>
    %eq3A_10 = arith.cmpi eq, %iota3A_0, %add3A_9 : vector<32x128xi32>
    %convert_element_type3A_11 = arith.extui %eq3A_10 : vector<32x128xi1> to vector<32x128xi32>
    %convert_element_type3A_12 = arith.sitofp %convert_element_type3A_11 : vector<32x128xi32> to vector<32x128xf32>
    %slice3A_13 = vector.extract_strided_slice %get3A_2 {offsets = [0, 2048], sizes = [32, 2048], strides = [1, 1]} : vector<32x8192xf32> to vector<32x2048xf32>
    %dot_general3A_14 = arith.constant dense<0.000000e+00> : vector<2048x128xf32>
    %dot_general3A_15 = tpu.matmul %slice3A_13, %convert_element_type3A_12, %dot_general3A_14 {dimension_numbers = #tpu.dot_dimension_numbers<[0], [0], [1], [1], [0, 1, 1, 1], [], []>, transpose_lhs_hint = false} : vector<32x2048xf32>, vector<32x128xf32>, vector<2048x128xf32> -> vector<2048x128xf32>
    %add3A_16 = arith.addf %dot_general3A_6, %dot_general3A_15 : vector<2048x128xf32>
    %add3A_17 = arith.constant 64 : i32
    %add3A_18 = vector.broadcast %add3A_17 : i32 to vector<32x128xi32>
    %add3A_19 = arith.addi %iota3A, %add3A_18 : vector<32x128xi32>
    %eq3A_20 = arith.cmpi eq, %iota3A_0, %add3A_19 : vector<32x128xi32>
    %convert_element_type3A_21 = arith.extui %eq3A_20 : vector<32x128xi1> to vector<32x128xi32>
    %convert_element_type3A_22 = arith.sitofp %convert_element_type3A_21 : vector<32x128xi32> to vector<32x128xf32>
    %slice3A_23 = vector.extract_strided_slice %get3A_2 {offsets = [0, 4096], sizes = [32, 2048], strides = [1, 1]} : vector<32x8192xf32> to vector<32x2048xf32>
    %dot_general3A_24 = arith.constant dense<0.000000e+00> : vector<2048x128xf32>
    %dot_general3A_25 = tpu.matmul %slice3A_23, %convert_element_type3A_22, %dot_general3A_24 {dimension_numbers = #tpu.dot_dimension_numbers<[0], [0], [1], [1], [0, 1, 1, 1], [], []>, transpose_lhs_hint = false} : vector<32x2048xf32>, vector<32x128xf32>, vector<2048x128xf32> -> vector<2048x128xf32>
    %add3A_26 = arith.addf %add3A_16, %dot_general3A_25 : vector<2048x128xf32>
    %add3A_27 = arith.constant 96 : i32
    %add3A_28 = vector.broadcast %add3A_27 : i32 to vector<32x128xi32>
    %add3A_29 = arith.addi %iota3A, %add3A_28 : vector<32x128xi32>
    %eq3A_30 = arith.cmpi eq, %iota3A_0, %add3A_29 : vector<32x128xi32>
    %convert_element_type3A_31 = arith.extui %eq3A_30 : vector<32x128xi1> to vector<32x128xi32>
    %convert_element_type3A_32 = arith.sitofp %convert_element_type3A_31 : vector<32x128xi32> to vector<32x128xf32>
    %slice3A_33 = vector.extract_strided_slice %get3A_2 {offsets = [0, 6144], sizes = [32, 2048], strides = [1, 1]} : vector<32x8192xf32> to vector<32x2048xf32>
    %dot_general3A_34 = arith.constant dense<0.000000e+00> : vector<2048x128xf32>
    %dot_general3A_35 = tpu.matmul %slice3A_33, %convert_element_type3A_32, %dot_general3A_34 {dimension_numbers = #tpu.dot_dimension_numbers<[0], [0], [1], [1], [0, 1, 1, 1], [], []>, transpose_lhs_hint = false} : vector<32x2048xf32>, vector<32x128xf32>, vector<2048x128xf32> -> vector<2048x128xf32>
    %add3A_36 = arith.addf %add3A_26, %dot_general3A_35 : vector<2048x128xf32>
    %swap3A = arith.constant 0 : index
    %swap3A_37 = arith.constant 0 : index
    %swap3A_38 = vector.load %arg2[%swap3A, %swap3A_37] : memref<2048x128xf32, #tpu.memory_space<vmem>>, vector<2048x128xf32>
    tpu.vector_store %arg2[%swap3A, %swap3A_37], %add3A_36 {strides = array<i32>} : memref<2048x128xf32, #tpu.memory_space<vmem>>, vector<2048x128xf32>,
    return
  }
  func.func @transform_0(%arg0: i32) -> (i32, i32) {
    %min3A = arith.constant 122 : i32
    %min3A_0 = arith.minsi %arg0, %min3A : i32
    %c0_i32 = arith.constant 0 : i32
    %c0_i32_1 = arith.constant 0 : i32
    return %c0_i32, %min3A_0 : i32, i32
  }
  func.func @transform_1(%arg0: i32) -> (i32, i32) {
    %c0_i32 = arith.constant 0 : i32
    %c0_i32_0 = arith.constant 0 : i32
    return %arg0, %c0_i32 : i32, i32
  }
}

</mosaic_0001>

<sc_bundles>
// kernel: kernel.6.cloned.1.call-start
scs
__scs_entry_jumppad:
0x0: {  	(pc) =	sbr.rel $0x88, $3  }
0x1: {  	(tag) =	ssettag $0x0;
	lr =	simm.s32 $0x1  }
0x2: {  	[smem:$0x3F9C] =	sst lr;
	_ =	strace $0xD0000000  }
0x3: {  	_ = 	snop  }
0x4: {  	_ = 	snop  }
0x5: {  	_ = 	snop  }
0x6: {  	_ = 	snop  }
0x7: {  	_ = 	snop  }
__scs_overlays_trampoline_lowered:
0x8: {  	[smem:$0x3FAB] =	sst s0  }
0x9: {  	[smem:$0x3FAC] =	sst s1  }
0xa: {  	[smem:$0x3FAD] =	sst s2  }
0xb: {  	[smem:$0x3FAE] =	sst s3  }
0xc: {  	[smem:$0x3FAF] =	sst s4  }
0xd: {  	[smem:$0x3FB0] =	sst s5  }
0xe: {  	[smem:$0x3FB1] =	sst s6  }
0xf: {  	[smem:$0x3FB2] =	sst s7  }
0x10: {  	[smem:$0x3FB3] =	sst s8  }
0x11: {  	[smem:$0x3FB4] =	sst s9;
	s0 =	simm.s32 @!p0 $0x0  }
0x12: {  	s1 =	sld [smem:$0x3F9A];
	s0 =	simm.s32 @p0 $0x1  }
0x13: {  	[smem:$0x3FB5] =	sst s0;
	s0 =	simm.s32 @!p1 $0x0  }
0x14: {  	s2 =	sld [smem:$0x3F99];
	s0 =	simm.s32 @p1 $0x1  }
0x15: {  	[smem:$0x3FB6] =	sst s0;
	s0 =	simm.s32 @!p2 $0x0  }
0x16: {  	s3 =	sld [smem:$0x3FDB];
	s0 =	simm.s32 @p2 $0x1  }
0x17: {  	s4 =	simm.s32 $0x1BF5;
	[smem:$0x3FB8] =	sst s0  }
0x18: {  	s0 =	sld [smem:$0x3F9B];
	_ =	swait.ge [sflag:s4], $0x0  }
0x19: {  	s7 =	sld [smem:$0x3F9C]  }
0x1a: {  	s8 =	sadd.s32 $0xFFFFE003, lr  }
0x1b: {  	s9 =	sadd.s32 $0xFFFFFEF7, lr;
	s5 =	simm.s32 $0xFFFFFFFF;
	p2 =	slt.u32 s8, $0xFFFFF086  }
0x1c: {  	p1 =	slt.u32 s9, $0xF7A;
	s5 =	simm.s32 @!p2 $0x0  }
0x1d: {  	s5 =	simm.s32 @p1 $0x1;
	p0 =	seq.s32 s7, s2  }
0x1e: {  	s7 =	smul.u32 @!p0 $0xF7A, s2;
	p2 =	seq.s32 @!p0 s5, $0x0  }
0x1f: {  	s9 =	smul.u32 $0xF7A, s1;
	s8 =	simm.s32 @!p0 $0x1BF5;
	p2 =	por !p2, p0  }
0x20: {  	[sflag:s8] =	ssyncset.s32 @!p0 $0xFFFFF086;
	s6 =	sadd.s32 @!p0 s3, s7;
	s7 =	simm.s32 @!p0 $0x108  }
0x21: {  	s3 =	sadd.s32 s3, s9;
	s6 =	sadd.s32 @!p0 $0x88, s6;
	s7 =	simm.s32 @p2 $0x1082  }
0x22: {  	[simem:s7], [sflag:s8] =	dma.local @!p0 [hbm:s6], $0xF7A  }
0x23: {  	s9 =	sor.u32 $0xD0000000, s2;
	s6 =	simm.s32 $0x108;
	_ =	swait.ge @!p0 [sflag:s8], $0x0  }
0x24: {  	s3 =	sadd.s32 $0x88, s3;
	s6 =	simm.s32 @!p1 $0x1082;
	[sflag:s4] =	ssyncset.s32 $0xFFFFF086  }
0x25: {  	[simem:s6], [sflag:s4] =	dma.local [hbm:s3], $0xF7A  }
0x26: {  	[smem:$0x3F9C] =	sst s1;
	(tag) =	ssettag s2;
	_ =	strace s9  }
0x27: {  	s1 =	sld [smem:$0x3FAC]  }
0x28: {  	s2 =	sld [smem:$0x3FAD]  }
0x29: {  	s4 =	sld [smem:$0x3FAF]  }
0x2a: {  	p0 =	seq.s32 s5, $0x0;
	s5 =	sld [smem:$0x3FB0]  }
0x2b: {  	s6 =	sld [smem:$0x3FB1]  }
0x2c: {  	s7 =	sld [smem:$0x3FB2]  }
0x2d: {  	s3 =	simm.s32 $0x108;
	s8 =	sld [smem:$0x3FB3]  }
0x2e: {  	s3 =	simm.s32 @!p0 $0x1082;
	s9 =	sld [smem:$0x3FB4]  }
0x2f: {  	lr =	sadd.s32 s0, s3;
	s0 =	sld [smem:$0x3FAB]  }
0x30: {  	s3 =	sld [smem:$0x3FAE]  }
0x31: {  	[smem:$0x3FB7] =	sst s10  }
0x32: {  	s10 =	sld [smem:$0x3FB5];
	_ =	sdelay $0x3  }
0x33: {  	p0 =	seq.s32 s10, $0x1;
	s10 =	sld [smem:$0x3FB7];
	_ =	sdelay $0x3  }
0x34: {  	[smem:$0x3FB7] =	sst s10  }
0x35: {  	s10 =	sld [smem:$0x3FB6];
	_ =	sdelay $0x3  }
0x36: {  	p1 =	seq.s32 s10, $0x1;
	s10 =	sld [smem:$0x3FB7];
	_ =	sdelay $0x3  }
0x37: {  	[smem:$0x3FB7] =	sst s10  }
0x38: {  	s10 =	sld [smem:$0x3FB8]  }
0x39: {  	_ = 	snop;
	(pc) =	sbr.ind lr, $3  }
0x3a: {  	_ = 	snop  }
0x3b: {  	_ = 	snop  }
0x3c: {  	p2 =	seq.s32 s10, $0x1;
	s10 =	sld [smem:$0x3FB7]  }
0x3d: {  	_ =	shalt  }
0x3e: {  	_ =	shalt  }
0x3f: {  	_ =	shalt  }
0x40: {  	_ =	shalt  }
0x41: {  	_ =	shalt  }
0x42: {  	_ =	shalt  }
0x43: {  	_ =	shalt  }
0x44: {  	_ =	shalt  }
0x45: {  	_ =	shalt  }
0x46: {  	_ =	shalt  }
0x47: {  	_ =	shalt  }
0x48: {  	_ =	shalt  }
0x49: {  	_ =	shalt  }
0x4a: {  	_ =	shalt  }
0x4b: {  	_ =	shalt  }
0x4c: {  	_ =	shalt  }
0x4d: {  	_ =	shalt  }
0x4e: {  	_ =	shalt  }
0x4f: {  	_ =	shalt  }
0x50: {  	_ =	shalt  }
0x51: {  	_ =	shalt  }
0x52: {  	_ =	shalt  }
0x53: {  	_ =	shalt  }
0x54: {  	_ =	shalt  }
0x55: {  	_ =	shalt  }
0x56: {  	_ =	shalt  }
0x57: {  	_ =	shalt  }
0x58: {  	_ =	shalt  }
0x59: {  	_ =	shalt  }
0x5a: {  	_ =	shalt  }
0x5b: {  	_ =	shalt  }
0x5c: {  	_ =	shalt  }
0x5d: {  	_ =	shalt  }
0x5e: {  	_ =	shalt  }
0x5f: {  	_ =	shalt  }
0x60: {  	_ =	shalt  }
0x61: {  	_ =	shalt  }
0x62: {  	_ =	shalt  }
0x63: {  	_ =	shalt  }
0x64: {  	_ =	shalt  }
0x65: {  	_ =	shalt  }
0x66: {  	_ =	shalt  }
0x67: {  	_ =	shalt  }
0x68: {  	_ =	shalt  }
0x69: {  	_ =	shalt  }
0x6a: {  	_ =	shalt  }
0x6b: {  	_ =	shalt  }
0x6c: {  	_ =	shalt  }
0x6d: {  	_ =	shalt  }
0x6e: {  	_ =	shalt  }
0x6f: {  	_ =	shalt  }
0x70: {  	_ =	shalt  }
0x71: {  	_ =	shalt  }
0x72: {  	_ =	shalt  }
0x73: {  	_ =	shalt  }
0x74: {  	_ =	shalt  }
0x75: {  	_ =	shalt  }
0x76: {  	_ =	shalt  }
0x77: {  	_ =	shalt  }
0x78: {  	_ =	shalt  }
0x79: {  	_ =	shalt  }
0x7a: {  	_ =	shalt  }
0x7b: {  	_ =	shalt  }
0x7c: {  	_ =	shalt  }
0x7d: {  	_ =	shalt  }
0x7e: {  	_ =	shalt  }
0x7f: {  	_ =	shalt  }
0x80: {  	_ =	shalt  }
0x81: {  	_ =	shalt  }
0x82: {  	_ =	shalt  }
0x83: {  	_ =	shalt  }
0x84: {  	_ =	shalt  }
0x85: {  	_ =	shalt  }
0x86: {  	_ =	shalt  }
0x87: {  	_ =	shalt  }
.Lfunc_end0:
.L_simem_size_0:
called_computation_lowered:
.L_overlay_start_0:
0x88: {  	s2 =	sld [smem:$0x3FD9]  }
0x89: {  	s3 =	sld [smem:$0x3FFE];
	_ =	sdelay $0x1  }
0x8a: {  	s1 =	srdreg.scid  }
0x8b: {  	s0 =	sand.u32 $0x1, s1  }
0x8c: {  	s14 =	sshll.u32 s0, $0xA;
	s2 =	sadd.s32 s3, s2  }
0x8d: {  	s2 =	sadd.s32 s2, s14  }
0x8e: {  	[smem:$0x3FC3] =	sst s2  }
0x8f: {  	_ = 	snop  }
0x90: {  	s2 =	sld [smem:$0x3FD0];
	_ =	sdelay $0x2  }
0x91: {  	s15 =	simm.s32 $0xA;
	s4 =	simm.s32 $0x10  }
0x92: {  	[smem:s4], [sflag:s15] =	dma.local [hbm:s2], $0x1  }
0x93: {  	_ =	swait.eq [sflag:s15], $0x1  }
0x94: {  	[sflag:s15] =	ssyncset.done $0x0  }
0x95: {  	s16 =	sld [smem:$0x10];
	[sflag:s15] =	ssyncadd.s32 $0xFFFFFFFF  }
0x96: {  	s17 =	sld [smem:$0x11];
	(tm) =	ssettm $0x1  }
0x97: {  	s18 =	sld [smem:$0x3FFB];
	_ =	sdelay $0x3  }
0x98: {  	_ =	strace s18  }
0x99: {  	s4 =	sld [smem:$0x3FFC];
	_ =	sdelay $0x3  }
0x9a: {  	_ =	strace s4  }
0x9b: {  	s4 =	sld [smem:$0x3FFD];
	_ =	sdelay $0x3  }
0x9c: {  	_ =	strace s4  }
0x9d: {  	_ =	strace $0x8FFFFFFF  }
0x9e: {  	s19 =	sld [smem:$0x3FDB];
	_ =	sdelay $0x1  }
0x9f: {  	s5 =	simm.s32 $_scs_section_size  }
0xa0: {  	s6 =	simm.s32 $_size__tile_overlayer_lowered;
	s7 =	simm.s32 $_tile_overlayer_lowered  }
0xa1: {  	s22 =	simm.s32 $0x1BFF;
	s21 =	sshll.u32 s7, $0x1;
	s4 =	sadd.s32 s5, s19  }
0xa2: {  	s8 =	simm.s32 $0x0;
	s20 =	sshll.u32 s6, $0x1;
	s6 =	sadd.s32 s21, s4  }
0xa3: {  	[timem:s8], [sflag:s22] =	dma.local [hbm:s6], s20  }
0xa4: {  	_ =	swait.ge [sflag:s22], s20  }
0xa5: {  	s5 =	ssub.s32 $0x0, s20;
	[sflag:s22] =	ssyncset.done $0x0  }
0xa6: {  	[sflag:s22] =	ssyncadd.s32 s5;
	_ =	sdelay $0x1  }
0xa7: {  	s23 =	simm.s32 $0x1B8B  }
0xa8: {  	_ =	swait.ge [sflag:s23], $0x1  }
0xa9: {  	[sflag:s23] =	ssyncset.done $0x0  }
0xaa: {  	s25 =	simm.s32 $0x1B8E;
	s24 =	sld [smem:$0x3FFE];
	[sflag:s23] =	ssyncadd.s32 $0xFFFFFFFF  }
0xab: {  	s26 =	simm.s32 $execute0_lowered;
	[smem:$0x3FD2] =	sst s25  }
0xac: {  	s6 =	sshll.u32 s26, $0x1;
	_ =	strace $0x80000046;
	[dreg:$0x1] =	wrdreg $0xFFFFFFFF  }
0xad: {  	s28 =	simm.s32 $_size_execute0_lowered;
	s4 =	sadd.s32 s4, s6;
	[dreg:$0x0] =	wrdreg $0x0  }
0xae: {  	s6 =	sshll.u32 s28, $0x1;
	[dreg:$0x2] =	wrdreg s4  }
0xaf: {  	[dreg:$0x3] =	wrdreg s6  }
0xb0: {  	[dreg:$0x4] =	wrdreg $0xC0  }
0xb1: {  	_ =	task [dreg:s8], $0x5FFFF  }
0xb2: {  	[dreg:$0x1] =	wrdreg $0xFFFFFFFF  }
0xb3: {  	[dreg:$0x0] =	wrdreg $0x60  }
0xb4: {  	[dreg:$0x2] =	wrdreg s17  }
0xb5: {  	[dreg:$0x3] =	wrdreg s16  }
0xb6: {  	[dreg:$0x4] =	wrdreg s24  }
0xb7: {  	[dreg:$0x5] =	wrdreg $0x9  }
0xb8: {  	_ =	task.clear_ibuf [dreg:s8], $0x6FFFF;
	_ =	strace $0x90000046  }
0xb9: {  	s29 =	simm.s32 $0x9;
	_ =	strace $0x80000048  }
0xba: {  	_ =	swait.ge [sflag:s29], $0x1  }
0xbb: {  	[sflag:s29] =	ssyncadd.s32 $0xFFFFFFFF  }
0xbc: {  	_ =	strace $0x90000048  }
0xbd: {  	_ =	sfence  }
0xbe: {  	s30 =	sld [smem:$0x0];
	_ =	sdelay $0x2  }
0xbf: {  	s31 =	sshll.u32 s1, $0xD;
	s1 =	sshrl.u32 s1, $0x2  }
0xc0: {  	s3 =	sand.u32 $0x4000, s31;
	s1 =	sadd.s32 s1, s30  }
0xc1: {  	s0 =	sor.u32 s3, s0;
	s1 =	sshll.u32 s1, $0x11  }
0xc2: {  	s0 =	sor.u32 s1, s0  }
0xc3: {  	s0 =	sadd.s32 $0x8F2B, s0  }
0xc4: {  	[sflag:s0] =	ssyncadd.remote.s32 $0x1  }
0xc5: {  	_ =	sfence.sel $0xFFFF  }
0xc6: {  	[dreg:$0x0] =	wrdreg $0xFFFFFFFF;
	(pc) =	sbr.abs _section_cstart, $3  }
0xc7: {  	[dreg:$0x1] =	wrdreg $0xFFFFFFFF  }
0xc8: {  	_ =	task.clear_ibuf [dreg:s8], $0x2FFFF;
	_ =	strace $0x9FFFFFFF  }
0xc9: {  	(tm) =	ssettm $0x7FFFFFFF  }
tec
execute0_lowered:
.L_overlay_start_1:
0x0: {  	(tag) =	ssettag $0x1  }
0x1: {  	s1 =	rddreg [dreg:$0x0]  }
0x2: {  	s0 =	srdreg.scid;
	s3 =	rddreg [dreg:$0x1]  }
0x3: {  	s2 =	stileid.u32;
	s5 =	rddreg [dreg:$0x2]  }
0x4: {  	s4 =	simm.s32 $0x0;
	s10 =	simm.s32 $0x3;
	s11 =	simm.s32 $0x80  }
0x5: {  	s14 =	simm.s32 $0x100;
	s15 =	simm.s32 $0x4F00;
	s16 =	simm.s32 $0x180  }
0x6: {  	s17 =	simm.s32 $0x6F00;
	s18 =	simm.s32 $0x200;
	s19 =	simm.s32 $0x8F00  }
0x7: {  	s20 =	simm.s32 $0x1;
	s21 =	simm.s32 $0xAF00;
	s22 =	simm.s32 $0xCF00  }
0x8: {  	s23 =	simm.s32 $0xEF00;
	s24 =	simm.s32 $0x10F00;
	s25 =	simm.s32 $0x12F00  }
0x9: {  	s26 =	simm.s32 $0x2;
	s0 =	sand.u32 $0x1, s0;
	s2 =	sshll.u32 s2, $0x1  }
0xa: {  	s28 =	simm.s32 $0x14F00;
	s29 =	simm.s32 $0x0;
	s2 =	sor.u32 s0, s2  }
0xb: {  	[smem:$0x7FF] =	sst s4;
	s0 =	ssub.s32 $0x2, s0;
	s7 =	smul.u32 $0x640, s2  }
0xc: {  	s5 =	sadd.s32 $0x1000, s5;
	s6 =	smul.u32 $0xFA0, s2;
	s8 =	sshrl.u32 s0, $0x1  }
0xd: {  	_ =	strace $0x80000047;
	s0 =	ssub.s32 s0, s8;
	s8 =	smul.u32 $0x19000, s2  }
0xe: {  	v0 =	vlaneseq.u32;
	s6 =	sadd.s32 s1, s6;
	s7 =	sadd.s32 $0x40, s7;
	s9 =	smax.u32 s0, $0x1  }
.LBB2_1:
0xf: {  	v2 =	vor.u32 s4, v0  }
0x10: {  	v1 =	vmulhi.u32 $0xCCCCCCCD, v2;
	_ =	sdelay $0x1  }
0x11: {  	s0 =	simm.s32 $0x10;
	v1 =	vshrl.u32 v1, $0x4  }
0x12: {  	v3 =	vmul.u32 $0x14, v1;
	v1 =	vor.u32 s0, v0  }
0x13: {  	v4 =	vmulhi.u32 $0xCCCCCCCD, v1  }
0x14: {  	v2 =	vsub.s32 v2, v3  }
0x15: {  	s0 =	simm.s32 $0xA00;
	v2 =	vshll.u32 v2, $0xA;
	v3 =	vshrl.u32 v4, $0x4  }
0x16: {  	s2 =	simm.s32 $0x20;
	[tilespmem:s0+$0x0] =	vst v2;
	v2 =	vmul.u32 $0x14, v3  }
.LBB2_2:
0x17: {  	p0 =	sne.s32 s2, $0x4F0  }
.Ltmp0:
0x18: {  	v2 =	vsub.s32 v1, v2;
	v1 =	vor.u32 s2, v0;
	s2 =	sadd.s32 $0x10, s2;
	(pc) =	sbr.rel @p0 .LBB2_2-.Ltmp0, $4  }
0x19: {  	s0 =	sadd.s32 $0x10, s0;
	v3 =	vmulhi.u32 $0xCCCCCCCD, v1;
	v2 =	vshll.u32 v2, $0xA  }
0x1a: {  	[tilespmem:s0+$0x0] =	vst v2  }
0x1b: {  	v2 =	vshrl.u32 v3, $0x4  }
0x1c: {  	v2 =	vmul.u32 $0x14, v2  }
0x1d: {  	_ = 	snop  }
0x1e: {  	v1 =	vsub.s32 v1, v2  }
0x1f: {  	s0 =	sadd.s32 $0x10, s0;
	v1 =	vshll.u32 v1, $0xA  }
0x20: {  	s31 =	simm.s32 $0x0;
	[tilespmem:s0+$0x0] =	vst v1  }
0x21: {  	[tilespmem:s31], [sflag:$0x3] =	stream.linear.gather [hbm4b:s6+s31], $0x500, $0x38;
	[tilespmem:$0x15F00] =	vst v63  }
0x22: {  	_ =	swait.ge [sflag:s10], $0x500  }
0x23: {  	[sflag:s10] =	ssyncset.done $0x0  }
0x24: {  	s2 =	simm.s32 $0x40;
	s0 =	simm.s32 $0x0;
	[sflag:s10] =	ssyncadd.s32 $0xFFFFFB00  }
.LBB2_4:
0x25: {  	p0 =	sne.s32 s2, $0x13C0;
	v1 =	vld [tilespmem:s0+$0x0];
	_ =	sdelay $0x1  }
0x26: {  	v2 =	vld [tilespmem:s0+$0xA00];
	_ =	sdelay $0x1  }
.Ltmp1:
0x27: {  	(pc) =	sbr.rel @p0 .LBB2_4-.Ltmp1, $4  }
0x28: {  	vm0 =	vlt.s32 v1, $0x0  }
0x29: {  	v1 =	vsel vm0, $0x3E8, v1  }
0x2a: {  	v1 =	vadd.s32 v2, v1  }
0x2b: {  	[tilespmem:s0+$0x0] =	vst v1;
	s0 =	sshra.s32 s2, $0x2;
	s2 =	sadd.s32 $0x40, s2  }
0x2c: {  	v1 =	vld [tilespmem:s0+$0x0];
	_ =	sdelay $0x1  }
0x2d: {  	v2 =	vld [tilespmem:s0+$0xA00];
	_ =	sdelay $0x2  }
0x2e: {  	vm0 =	vlt.s32 v1, $0x0  }
0x2f: {  	v1 =	vsel vm0, $0x3E8, v1  }
0x30: {  	v1 =	vadd.s32 v2, v1  }
0x31: {  	s30 =	simm.s32 $0x0;
	s13 =	simm.s32 $0xF00;
	[tilespmem:s0+$0x0] =	vst v1  }
0x32: {  	[tilespmem:s13], [sflag:$0x1] =	stream.indirect.gather [hbm4b:s3+s11], $0x40, s30, s11, $0xb8;
	[tilespmem:$0x15F00] =	vst v63  }
0x33: {  	s31 =	simm.s32 $0x2F00  }
0x34: {  	[tilespmem:s31], [sflag:$0x1] =	stream.indirect.gather [hbm4b:s3+s11], $0x40, s11, s11, $0xb8;
	[tilespmem:$0x15F00] =	vst v63  }
0x35: {  	_ = 	snop  }
0x36: {  	[tilespmem:s15], [sflag:$0x1] =	stream.indirect.gather [hbm4b:s3+s11], $0x40, s14, s11, $0xb8;
	[tilespmem:$0x15F00] =	vst v63  }
0x37: {  	_ = 	snop  }
0x38: {  	[tilespmem:s17], [sflag:$0x1] =	stream.indirect.gather [hbm4b:s3+s11], $0x40, s16, s11, $0xb8;
	[tilespmem:$0x15F00] =	vst v63  }
0x39: {  	p0 =	por $0x1, $0x1  }
0x3a: {  	[tilespmem:s19], [sflag:$0x1] =	stream.indirect.gather [hbm4b:s3+s11], $0x40, s18, s11, $0xb8;
	[tilespmem:$0x15F00] =	vst v63  }
.LBB2_6:
0x3b: {  	s31 =	sand.u32 $0x1, s30  }
0x3c: {  	s0 =	smul.u32 $0x1400, s31;
	_ =	sdelay $0x1  }
0x3d: {  	s0 =	sshrl.u32 s0, $0x2  }
0x3e: {  	s2 =	sadd.s32 $0x280, s0  }
0x3f: {  	[tilespmem:s21], [sflag:$0x2] =	stream.indirect.gather [hbm4b:s3+s11], $0x40, s2, s11, $0xb8;
	[tilespmem:$0x15F00] =	vst v63  }
0x40: {  	s13 =	sadd.s32 $0x300, s0  }
0x41: {  	[tilespmem:s22], [sflag:$0x2] =	stream.indirect.gather [hbm4b:s3+s11], $0x40, s13, s11, $0xb8;
	[tilespmem:$0x15F00] =	vst v63  }
0x42: {  	p1 =	seq.s32 s30, $0x18;
	s12 =	sadd.s32 $0x380, s0  }
0x43: {  	[tilespmem:s23], [sflag:$0x2] =	stream.indirect.gather [hbm4b:s3+s11], $0x40, s12, s11, $0xb8;
	[tilespmem:$0x15F00] =	vst v63  }
.Ltmp2:
0x44: {  	_ = 	snop;
	(pc) =	sbr.rel @p1 .LBB2_10-.Ltmp2, $4  }
0x45: {  	s13 =	sadd.s32 $0x400, s0  }
0x46: {  	[tilespmem:s24], [sflag:$0x2] =	stream.indirect.gather [hbm4b:s3+s11], $0x40, s13, s11, $0xb8;
	[tilespmem:$0x15F00] =	vst v63  }
0x47: {  	s0 =	sadd.s32 $0x480, s0  }
0x48: {  	[tilespmem:s25], [sflag:$0x2] =	stream.indirect.gather [hbm4b:s3+s11], $0x40, s0, s11, $0xb8;
	[tilespmem:$0x15F00] =	vst v63  }
0x49: {  	s0 =	sshll.u32 s30, $0x6  }
0x4a: {  	s0 =	sadd.s32 s0, s7  }
0x4b: {  	s12 =	sxor.u32 $0x1, s31;
	s0 =	smul.u32 $0x14, s0  }
0x4c: {  	s2 =	simm.s32 $0x1;
	s12 =	smul.u32 $0x1400, s12  }
0x4d: {  	s13 =	simm.s32 $0x0;
	s2 =	simm.s32 @!p0 $0x0;
	s0 =	sshrl.u32 s0, $0x3  }
0x4e: {  	s2 =	smul.u32 $0x1400, s2;
	s12 =	sshrl.u32 s12, $0x2;
	s0 =	sadd.s32 s1, s0  }
0x4f: {  	[tilespmem:s12], [sflag:$0x3] =	stream.linear.gather [hbm4b:s0+s13], $0x500, $0x38;
	[tilespmem:$0x15F00] =	vst v63  }
0x50: {  	s13 =	sshrl.u32 s2, $0x2  }
0x51: {  	v1 =	vmov s13;
	_ =	sdelay $0x1  }
0x52: {  	_ =	swait.ge [sflag:s10], $0x500  }
0x53: {  	[sflag:s10] =	ssyncset.done $0x0  }
0x54: {  	s0 =	simm.s32 $0x0;
	s2 =	simm.s32 $0x40;
	[sflag:s10] =	ssyncadd.s32 $0xFFFFFB00  }
.LBB2_8:
0x55: {  	p2 =	sne.s32 s2, $0x13C0;
	v2 =	vld.idx.msk [tilespmem:v1+s0+$0x0 ss:$0x1], $0xffff;
	_ =	sdelay $0x2  }
0x56: {  	v3 =	vld [tilespmem:s0+$0xA00];
	_ =	sdelay $0x1  }
.Ltmp3:
0x57: {  	(pc) =	sbr.rel @p2 .LBB2_8-.Ltmp3, $4  }
0x58: {  	vm0 =	vlt.s32 v2, $0x0  }
0x59: {  	v2 =	vsel vm0, $0x3E8, v2  }
0x5a: {  	v2 =	vadd.s32 v3, v2  }
0x5b: {  	[tilespmem:v1+s0+$0x0 ss:$0x1] =	vst.idx.msk $0xffff, v2;
	s0 =	sshra.s32 s2, $0x2;
	s2 =	sadd.s32 $0x40, s2  }
0x5c: {  	_ =	sdelay $0x3  }
0x5d: {  	v2 =	vld.idx.msk [tilespmem:v1+s0+$0x0 ss:$0x1], $0xffff;
	_ =	sdelay $0x1  }
0x5e: {  	v3 =	vld [tilespmem:s0+$0xA00];
	_ =	sdelay $0x2  }
0x5f: {  	vm0 =	vlt.s32 v2, $0x0  }
0x60: {  	v2 =	vsel vm0, $0x3E8, v2  }
0x61: {  	v2 =	vadd.s32 v3, v2  }
0x62: {  	[tilespmem:v1+s0+$0x0 ss:$0x1] =	vst.idx.msk $0xffff, v2  }
.LBB2_10:
0x63: {  	_ =	swait.ge [sflag:s20], $0x2000  }
0x64: {  	[sflag:s20] =	ssyncset.done $0x0  }
0x65: {  	[sflag:s20] =	ssyncadd.s32 $0xFFFFE000  }
0x66: {  	_ =	swait.ge [sflag:s20], $0x2000  }
0x67: {  	[sflag:s20] =	ssyncset.done $0x0  }
0x68: {  	[sflag:s20] =	ssyncadd.s32 $0xFFFFE000  }
0x69: {  	_ =	swait.ge [sflag:s20], $0x2000  }
0x6a: {  	[sflag:s20] =	ssyncset.done $0x0  }
0x6b: {  	[sflag:s20] =	ssyncadd.s32 $0xFFFFE000  }
0x6c: {  	_ =	swait.ge [sflag:s20], $0x2000  }
0x6d: {  	[sflag:s20] =	ssyncset.done $0x0  }
0x6e: {  	[sflag:s20] =	ssyncadd.s32 $0xFFFFE000  }
0x6f: {  	_ =	swait.ge [sflag:s20], $0x2000  }
0x70: {  	[sflag:s20] =	ssyncset.done $0x0  }
0x71: {  	s2 =	simm.s32 $0x0;
	s0 =	simm.s32 $0x1180;
	[sflag:s20] =	ssyncadd.s32 $0xFFFFE000  }
.LBB2_11:
0x72: {  	v1 =	vld [tilespmem:s0+$0xFFFFFD80]  }
0x73: {  	v2 =	vld [tilespmem:s0+$0xFFFFFDC0]  }
0x74: {  	v3 =	vld [tilespmem:s0+$0xFFFFFE00]  }
0x75: {  	v4 =	vld [tilespmem:s0+$0xFFFFFE40]  }
0x76: {  	v5 =	vld [tilespmem:s0+$0xFFFFFE80]  }
0x77: {  	v6 =	vld [tilespmem:s0+$0xFFFFFEC0]  }
0x78: {  	v7 =	vld [tilespmem:s0+$0xFFFFFF00]  }
0x79: {  	v8 =	vld [tilespmem:s0+$0xFFFFFF40]  }
0x7a: {  	v9 =	vld [tilespmem:s0+$0xFFFFFF80]  }
0x7b: {  	v10 =	vld [tilespmem:s0+$0xFFFFFFC0]  }
0x7c: {  	v11 =	vld [tilespmem:s0+$0x0]  }
0x7d: {  	v12 =	vld [tilespmem:s0+$0x40]  }
0x7e: {  	v13 =	vld [tilespmem:s0+$0x80]  }
0x7f: {  	v14 =	vld [tilespmem:s0+$0xC0]  }
0x80: {  	v15 =	vld [tilespmem:s0+$0x100]  }
0x81: {  	v16 =	vld [tilespmem:s0+$0x140]  }
0x82: {  	v17 =	vld [tilespmem:s0+$0x180]  }
0x83: {  	v18 =	vld [tilespmem:s0+$0x1C0];
	v1 =	vadd.f32 v2, v1;
	v2 =	vadd.f32 v4, v3  }
0x84: {  	v19 =	vld [tilespmem:s0+$0x200];
	v23 =	vadd.f32 v6, v5;
	v24 =	vadd.f32 v8, v7  }
0x85: {  	v3 =	vld [tilespmem:s0+$0x240];
	v25 =	vadd.f32 v10, v9;
	v26 =	vadd.f32 v12, v11  }
0x86: {  	v27 =	vadd.f32 v14, v13;
	v28 =	vadd.f32 v16, v15  }
0x87: {  	v1 =	vadd.f32 v2, v1;
	v2 =	vadd.f32 v24, v23  }
0x88: {  	v29 =	vadd.f32 v26, v25;
	v30 =	vadd.f32 v28, v27  }
0x89: {  	v31 =	vadd.f32 v18, v17;
	v1 =	vadd.f32 v2, v1  }
0x8a: {  	v2 =	vadd.f32 v30, v29;
	v3 =	vadd.f32 v3, v19;
	_ =	sdelay $0x1  }
0x8b: {  	v1 =	vadd.f32 v2, v1;
	v3 =	vadd.f32 v3, v31;
	_ =	sdelay $0x1  }
0x8c: {  	v1 =	vadd.f32 v3, v1  }
0x8d: {  	s12 =	sshra.s32 s2, $0x2  }
0x8e: {  	[tilespmem:s12+$0x14F00] =	vst v1  }
0x8f: {  	v1 =	vld [tilespmem:s0+$0xFFFFFD90]  }
0x90: {  	v2 =	vld [tilespmem:s0+$0xFFFFFDD0]  }
0x91: {  	v3 =	vld [tilespmem:s0+$0xFFFFFE10]  }
0x92: {  	v32 =	vld [tilespmem:s0+$0xFFFFFE50]  }
0x93: {  	v33 =	vld [tilespmem:s0+$0xFFFFFE90]  }
0x94: {  	v34 =	vld [tilespmem:s0+$0xFFFFFED0]  }
0x95: {  	v35 =	vld [tilespmem:s0+$0xFFFFFF10]  }
0x96: {  	v36 =	vld [tilespmem:s0+$0xFFFFFF50]  }
0x97: {  	v37 =	vld [tilespmem:s0+$0xFFFFFF90]  }
0x98: {  	v38 =	vld [tilespmem:s0+$0xFFFFFFD0]  }
0x99: {  	v39 =	vld [tilespmem:s0+$0x10]  }
0x9a: {  	v40 =	vld [tilespmem:s0+$0x50]  }
0x9b: {  	v41 =	vld [tilespmem:s0+$0x90]  }
0x9c: {  	v42 =	vld [tilespmem:s0+$0xD0]  }
0x9d: {  	v43 =	vld [tilespmem:s0+$0x110]  }
0x9e: {  	v44 =	vld [tilespmem:s0+$0x150]  }
0x9f: {  	v45 =	vld [tilespmem:s0+$0x190]  }
0xa0: {  	v46 =	vld [tilespmem:s0+$0x1D0];
	v1 =	vadd.f32 v2, v1;
	v2 =	vadd.f32 v32, v3  }
0xa1: {  	v47 =	vld [tilespmem:s0+$0x210];
	v48 =	vadd.f32 v34, v33;
	v49 =	vadd.f32 v36, v35  }
0xa2: {  	v3 =	vld [tilespmem:s0+$0x250];
	v50 =	vadd.f32 v38, v37;
	v51 =	vadd.f32 v40, v39  }
0xa3: {  	v52 =	vadd.f32 v42, v41;
	v53 =	vadd.f32 v44, v43  }
0xa4: {  	v1 =	vadd.f32 v2, v1;
	v2 =	vadd.f32 v49, v48  }
0xa5: {  	v54 =	vadd.f32 v51, v50;
	v55 =	vadd.f32 v53, v52  }
0xa6: {  	v56 =	vadd.f32 v46, v45;
	v1 =	vadd.f32 v2, v1  }
0xa7: {  	v2 =	vadd.f32 v55, v54;
	v3 =	vadd.f32 v3, v47;
	_ =	sdelay $0x1  }
0xa8: {  	v1 =	vadd.f32 v2, v1;
	v3 =	vadd.f32 v3, v56;
	_ =	sdelay $0x1  }
0xa9: {  	v1 =	vadd.f32 v3, v1;
	_ =	sdelay $0x1  }
0xaa: {  	[tilespmem:s12+$0x14F10] =	vst v1  }
0xab: {  	v1 =	vld [tilespmem:s0+$0xFFFFFDA0]  }
0xac: {  	v2 =	vld [tilespmem:s0+$0xFFFFFDE0]  }
0xad: {  	v3 =	vld [tilespmem:s0+$0xFFFFFE20]  }
0xae: {  	v57 =	vld [tilespmem:s0+$0xFFFFFE60]  }
0xaf: {  	v58 =	vld [tilespmem:s0+$0xFFFFFEA0]  }
0xb0: {  	v59 =	vld [tilespmem:s0+$0xFFFFFEE0]  }
0xb1: {  	v60 =	vld [tilespmem:s0+$0xFFFFFF20]  }
0xb2: {  	v61 =	vld [tilespmem:s0+$0xFFFFFF60]  }
0xb3: {  	v62 =	vld [tilespmem:s0+$0xFFFFFFA0]  }
0xb4: {  	v63 =	vld [tilespmem:s0+$0xFFFFFFE0]  }
0xb5: {  	v21 =	vld [tilespmem:s0+$0x20]  }
0xb6: {  	v22 =	vld [tilespmem:s0+$0x60]  }
0xb7: {  	v23 =	vld [tilespmem:s0+$0xA0]  }
0xb8: {  	v24 =	vld [tilespmem:s0+$0xE0]  }
0xb9: {  	v25 =	vld [tilespmem:s0+$0x120]  }
0xba: {  	v26 =	vld [tilespmem:s0+$0x160]  }
0xbb: {  	v27 =	vld [tilespmem:s0+$0x1A0]  }
0xbc: {  	v28 =	vld [tilespmem:s0+$0x1E0];
	v1 =	vadd.f32 v2, v1;
	v2 =	vadd.f32 v57, v3  }
0xbd: {  	v29 =	vld [tilespmem:s0+$0x220];
	v30 =	vadd.f32 v59, v58;
	v31 =	vadd.f32 v61, v60  }
0xbe: {  	v3 =	vld [tilespmem:s0+$0x260];
	v32 =	vadd.f32 v63, v62;
	v33 =	vadd.f32 v22, v21  }
0xbf: {  	v34 =	vadd.f32 v24, v23;
	v35 =	vadd.f32 v26, v25  }
0xc0: {  	v1 =	vadd.f32 v2, v1;
	v2 =	vadd.f32 v31, v30  }
0xc1: {  	v36 =	vadd.f32 v33, v32;
	v37 =	vadd.f32 v35, v34  }
0xc2: {  	v38 =	vadd.f32 v28, v27;
	v1 =	vadd.f32 v2, v1  }
0xc3: {  	v2 =	vadd.f32 v37, v36;
	v3 =	vadd.f32 v3, v29;
	_ =	sdelay $0x1  }
0xc4: {  	v1 =	vadd.f32 v2, v1;
	v3 =	vadd.f32 v3, v38;
	_ =	sdelay $0x1  }
0xc5: {  	v1 =	vadd.f32 v3, v1;
	_ =	sdelay $0x1  }
0xc6: {  	[tilespmem:s12+$0x14F20] =	vst v1  }
0xc7: {  	v1 =	vld [tilespmem:s0+$0xFFFFFDB0]  }
0xc8: {  	v2 =	vld [tilespmem:s0+$0xFFFFFDF0]  }
0xc9: {  	v3 =	vld [tilespmem:s0+$0xFFFFFE30]  }
0xca: {  	v39 =	vld [tilespmem:s0+$0xFFFFFE70]  }
0xcb: {  	v40 =	vld [tilespmem:s0+$0xFFFFFEB0]  }
0xcc: {  	v41 =	vld [tilespmem:s0+$0xFFFFFEF0]  }
0xcd: {  	v42 =	vld [tilespmem:s0+$0xFFFFFF30]  }
0xce: {  	v43 =	vld [tilespmem:s0+$0xFFFFFF70]  }
0xcf: {  	v44 =	vld [tilespmem:s0+$0xFFFFFFB0]  }
0xd0: {  	v45 =	vld [tilespmem:s0+$0xFFFFFFF0]  }
0xd1: {  	v46 =	vld [tilespmem:s0+$0x30]  }
0xd2: {  	v47 =	vld [tilespmem:s0+$0x70]  }
0xd3: {  	v48 =	vld [tilespmem:s0+$0xB0]  }
0xd4: {  	v49 =	vld [tilespmem:s0+$0xF0]  }
0xd5: {  	v50 =	vld [tilespmem:s0+$0x130]  }
0xd6: {  	v51 =	vld [tilespmem:s0+$0x170]  }
0xd7: {  	v52 =	vld [tilespmem:s0+$0x1B0]  }
0xd8: {  	v53 =	vld [tilespmem:s0+$0x1F0];
	v1 =	vadd.f32 v2, v1;
	v2 =	vadd.f32 v39, v3  }
0xd9: {  	v54 =	vld [tilespmem:s0+$0x230];
	v55 =	vadd.f32 v41, v40;
	v56 =	vadd.f32 v43, v42  }
0xda: {  	v3 =	vld [tilespmem:s0+$0x270];
	v57 =	vadd.f32 v45, v44;
	v58 =	vadd.f32 v47, v46  }
0xdb: {  	v59 =	vadd.f32 v49, v48;
	v60 =	vadd.f32 v51, v50  }
0xdc: {  	v1 =	vadd.f32 v2, v1;
	v2 =	vadd.f32 v56, v55  }
0xdd: {  	v61 =	vadd.f32 v58, v57;
	v62 =	vadd.f32 v60, v59  }
0xde: {  	v63 =	vadd.f32 v53, v52;
	v1 =	vadd.f32 v2, v1  }
0xdf: {  	v2 =	vadd.f32 v62, v61;
	v3 =	vadd.f32 v3, v54  }
0xe0: {  	p2 =	sne.s32 s2, $0x1F00  }
.Ltmp4:
0xe1: {  	v1 =	vadd.f32 v2, v1;
	v3 =	vadd.f32 v3, v63;
	(pc) =	sbr.rel @p2 .LBB2_11-.Ltmp4, $3  }
0xe2: {  	_ = 	snop  }
0xe3: {  	v1 =	vadd.f32 v3, v1;
	_ =	sdelay $0x1  }
0xe4: {  	s2 =	sadd.s32 $0x100, s2;
	s0 =	sadd.s32 $0x500, s0;
	[tilespmem:s12+$0x14F30] =	vst v1  }
0xe5: {  	s0 =	sxor.u32 @!p1 $0x1, s31  }
0xe6: {  	s0 =	smul.u32 @!p1 $0x1400, s0;
	_ =	sdelay $0x1  }
0xe7: {  	s2 =	simm.s32 @!p1 $0x80;
	s12 =	simm.s32 @!p1 $0xF00;
	s0 =	sshrl.u32 @!p1 s0, $0x2  }
0xe8: {  	[tilespmem:s12], [sflag:$0x1] =	stream.indirect.gather @!p1 [hbm4b:s3+s2], $0x40, s0, s2, $0xb8;
	[tilespmem:$0x15F00] =	vst v63  }
0xe9: {  	s13 =	simm.s32 @!p1 $0x2F00;
	s12 =	sor.u32 @!p1 $0x80, s0  }
0xea: {  	[tilespmem:s13], [sflag:$0x1] =	stream.indirect.gather @!p1 [hbm4b:s3+s2], $0x40, s12, s2, $0xb8;
	[tilespmem:$0x15F00] =	vst v63  }
0xeb: {  	s12 =	sadd.s32 @!p1 $0x100, s0;
	s13 =	simm.s32 @!p1 $0x4F00  }
0xec: {  	[tilespmem:s13], [sflag:$0x1] =	stream.indirect.gather @!p1 [hbm4b:s3+s2], $0x40, s12, s2, $0xb8;
	[tilespmem:$0x15F00] =	vst v63  }
0xed: {  	s12 =	sadd.s32 @!p1 $0x180, s0;
	s13 =	simm.s32 @!p1 $0x6F00  }
0xee: {  	[tilespmem:s13], [sflag:$0x1] =	stream.indirect.gather @!p1 [hbm4b:s3+s2], $0x40, s12, s2, $0xb8;
	[tilespmem:$0x15F00] =	vst v63  }
0xef: {  	s0 =	sadd.s32 @!p1 $0x200, s0;
	s12 =	simm.s32 @!p1 $0x8F00  }
0xf0: {  	[tilespmem:s12], [sflag:$0x1] =	stream.indirect.gather @!p1 [hbm4b:s3+s2], $0x40, s0, s2, $0xb8;
	[tilespmem:$0x15F00] =	vst v63  }
0xf1: {  	_ =	swait.ge [sflag:s26], $0x2000  }
0xf2: {  	[sflag:s26] =	ssyncset.done $0x0  }
0xf3: {  	[sflag:s26] =	ssyncadd.s32 $0xFFFFE000  }
0xf4: {  	_ =	swait.ge [sflag:s26], $0x2000  }
0xf5: {  	[sflag:s26] =	ssyncset.done $0x0  }
0xf6: {  	[sflag:s26] =	ssyncadd.s32 $0xFFFFE000  }
0xf7: {  	_ =	swait.ge [sflag:s26], $0x2000  }
0xf8: {  	[sflag:s26] =	ssyncset.done $0x0  }
0xf9: {  	[sflag:s26] =	ssyncadd.s32 $0xFFFFE000  }
0xfa: {  	_ =	swait.ge [sflag:s26], $0x2000  }
0xfb: {  	[sflag:s26] =	ssyncset.done $0x0  }
0xfc: {  	[sflag:s26] =	ssyncadd.s32 $0xFFFFE000  }
0xfd: {  	_ =	swait.ge [sflag:s26], $0x2000  }
0xfe: {  	[sflag:s26] =	ssyncset.done $0x0  }
0xff: {  	s2 =	simm.s32 $0x0;
	s0 =	simm.s32 $0x15730;
	[sflag:s26] =	ssyncadd.s32 $0xFFFFE000  }
.LBB2_13:
0x100: {  	s31 =	sshra.s32 s2, $0x2  }
0x101: {  	v1 =	vld [tilespmem:s31+$0xAF00]  }
0x102: {  	v2 =	vld [tilespmem:s31+$0xAF40]  }
0x103: {  	v3 =	vld [tilespmem:s31+$0xAF80]  }
0x104: {  	v4 =	vld [tilespmem:s31+$0xAFC0]  }
0x105: {  	v5 =	vld [tilespmem:s31+$0xB000]  }
0x106: {  	v6 =	vld [tilespmem:s31+$0xB040]  }
0x107: {  	v7 =	vld [tilespmem:s31+$0xB080]  }
0x108: {  	v8 =	vld [tilespmem:s31+$0xB0C0]  }
0x109: {  	v9 =	vld [tilespmem:s31+$0xB100]  }
0x10a: {  	v10 =	vld [tilespmem:s31+$0xB140]  }
0x10b: {  	v11 =	vld [tilespmem:s31+$0xB180]  }
0x10c: {  	v12 =	vld [tilespmem:s31+$0xB1C0]  }
0x10d: {  	v13 =	vld [tilespmem:s31+$0xB200]  }
0x10e: {  	v14 =	vld [tilespmem:s31+$0xB240]  }
0x10f: {  	v15 =	vld [tilespmem:s31+$0xB280]  }
0x110: {  	v16 =	vld [tilespmem:s31+$0xB2C0]  }
0x111: {  	v17 =	vld [tilespmem:s31+$0xB300]  }
0x112: {  	v18 =	vld [tilespmem:s31+$0xB340];
	v1 =	vadd.f32 v2, v1;
	v2 =	vadd.f32 v4, v3  }
0x113: {  	v19 =	vld [tilespmem:s31+$0xB380];
	v23 =	vadd.f32 v6, v5;
	v24 =	vadd.f32 v8, v7  }
0x114: {  	v3 =	vld [tilespmem:s31+$0xB3C0];
	v25 =	vadd.f32 v10, v9;
	v26 =	vadd.f32 v12, v11  }
0x115: {  	v27 =	vadd.f32 v14, v13;
	v28 =	vadd.f32 v16, v15  }
0x116: {  	v1 =	vadd.f32 v2, v1;
	v2 =	vadd.f32 v24, v23  }
0x117: {  	v29 =	vadd.f32 v26, v25;
	v30 =	vadd.f32 v28, v27  }
0x118: {  	v31 =	vadd.f32 v18, v17;
	v1 =	vadd.f32 v2, v1  }
0x119: {  	v2 =	vadd.f32 v30, v29;
	v3 =	vadd.f32 v3, v19;
	_ =	sdelay $0x1  }
0x11a: {  	v1 =	vadd.f32 v2, v1;
	v3 =	vadd.f32 v3, v31;
	_ =	sdelay $0x1  }
0x11b: {  	v1 =	vadd.f32 v3, v1;
	_ =	sdelay $0x1  }
0x11c: {  	[tilespmem:s0+$0xFFFFFFD0] =	vst v1  }
0x11d: {  	v1 =	vld [tilespmem:s31+$0xAF10]  }
0x11e: {  	v2 =	vld [tilespmem:s31+$0xAF50]  }
0x11f: {  	v3 =	vld [tilespmem:s31+$0xAF90]  }
0x120: {  	v32 =	vld [tilespmem:s31+$0xAFD0]  }
0x121: {  	v33 =	vld [tilespmem:s31+$0xB010]  }
0x122: {  	v34 =	vld [tilespmem:s31+$0xB050]  }
0x123: {  	v35 =	vld [tilespmem:s31+$0xB090]  }
0x124: {  	v36 =	vld [tilespmem:s31+$0xB0D0]  }
0x125: {  	v37 =	vld [tilespmem:s31+$0xB110]  }
0x126: {  	v38 =	vld [tilespmem:s31+$0xB150]  }
0x127: {  	v39 =	vld [tilespmem:s31+$0xB190]  }
0x128: {  	v40 =	vld [tilespmem:s31+$0xB1D0]  }
0x129: {  	v41 =	vld [tilespmem:s31+$0xB210]  }
0x12a: {  	v42 =	vld [tilespmem:s31+$0xB250]  }
0x12b: {  	v43 =	vld [tilespmem:s31+$0xB290]  }
0x12c: {  	v44 =	vld [tilespmem:s31+$0xB2D0]  }
0x12d: {  	v45 =	vld [tilespmem:s31+$0xB310]  }
0x12e: {  	v46 =	vld [tilespmem:s31+$0xB350];
	v1 =	vadd.f32 v2, v1;
	v2 =	vadd.f32 v32, v3  }
0x12f: {  	v47 =	vld [tilespmem:s31+$0xB390];
	v48 =	vadd.f32 v34, v33;
	v49 =	vadd.f32 v36, v35  }
0x130: {  	v3 =	vld [tilespmem:s31+$0xB3D0];
	v50 =	vadd.f32 v38, v37;
	v51 =	vadd.f32 v40, v39  }
0x131: {  	v52 =	vadd.f32 v42, v41;
	v53 =	vadd.f32 v44, v43  }
0x132: {  	v1 =	vadd.f32 v2, v1;
	v2 =	vadd.f32 v49, v48  }
0x133: {  	v54 =	vadd.f32 v51, v50;
	v55 =	vadd.f32 v53, v52  }
0x134: {  	v56 =	vadd.f32 v46, v45;
	v1 =	vadd.f32 v2, v1  }
0x135: {  	v2 =	vadd.f32 v55, v54;
	v3 =	vadd.f32 v3, v47;
	_ =	sdelay $0x1  }
0x136: {  	v1 =	vadd.f32 v2, v1;
	v3 =	vadd.f32 v3, v56;
	_ =	sdelay $0x1  }
0x137: {  	v1 =	vadd.f32 v3, v1;
	_ =	sdelay $0x1  }
0x138: {  	[tilespmem:s0+$0xFFFFFFE0] =	vst v1  }
0x139: {  	v1 =	vld [tilespmem:s31+$0xAF20]  }
0x13a: {  	v2 =	vld [tilespmem:s31+$0xAF60]  }
0x13b: {  	v3 =	vld [tilespmem:s31+$0xAFA0]  }
0x13c: {  	v57 =	vld [tilespmem:s31+$0xAFE0]  }
0x13d: {  	v58 =	vld [tilespmem:s31+$0xB020]  }
0x13e: {  	v59 =	vld [tilespmem:s31+$0xB060]  }
0x13f: {  	v60 =	vld [tilespmem:s31+$0xB0A0]  }
0x140: {  	v61 =	vld [tilespmem:s31+$0xB0E0]  }
0x141: {  	v62 =	vld [tilespmem:s31+$0xB120]  }
0x142: {  	v63 =	vld [tilespmem:s31+$0xB160]  }
0x143: {  	v21 =	vld [tilespmem:s31+$0xB1A0]  }
0x144: {  	v22 =	vld [tilespmem:s31+$0xB1E0]  }
0x145: {  	v23 =	vld [tilespmem:s31+$0xB220]  }
0x146: {  	v24 =	vld [tilespmem:s31+$0xB260]  }
0x147: {  	v25 =	vld [tilespmem:s31+$0xB2A0]  }
0x148: {  	v26 =	vld [tilespmem:s31+$0xB2E0]  }
0x149: {  	v27 =	vld [tilespmem:s31+$0xB320]  }
0x14a: {  	v28 =	vld [tilespmem:s31+$0xB360];
	v1 =	vadd.f32 v2, v1;
	v2 =	vadd.f32 v57, v3  }
0x14b: {  	v29 =	vld [tilespmem:s31+$0xB3A0];
	v30 =	vadd.f32 v59, v58;
	v31 =	vadd.f32 v61, v60  }
0x14c: {  	v3 =	vld [tilespmem:s31+$0xB3E0];
	v32 =	vadd.f32 v63, v62;
	v33 =	vadd.f32 v22, v21  }
0x14d: {  	v34 =	vadd.f32 v24, v23;
	v35 =	vadd.f32 v26, v25  }
0x14e: {  	v1 =	vadd.f32 v2, v1;
	v2 =	vadd.f32 v31, v30  }
0x14f: {  	v36 =	vadd.f32 v33, v32;
	v37 =	vadd.f32 v35, v34  }
0x150: {  	v38 =	vadd.f32 v28, v27;
	v1 =	vadd.f32 v2, v1  }
0x151: {  	v2 =	vadd.f32 v37, v36;
	v3 =	vadd.f32 v3, v29;
	_ =	sdelay $0x1  }
0x152: {  	v1 =	vadd.f32 v2, v1;
	v3 =	vadd.f32 v3, v38;
	_ =	sdelay $0x1  }
0x153: {  	v1 =	vadd.f32 v3, v1;
	_ =	sdelay $0x1  }
0x154: {  	[tilespmem:s0+$0xFFFFFFF0] =	vst v1  }
0x155: {  	v1 =	vld [tilespmem:s31+$0xAF30]  }
0x156: {  	v2 =	vld [tilespmem:s31+$0xAF70]  }
0x157: {  	v3 =	vld [tilespmem:s31+$0xAFB0]  }
0x158: {  	v39 =	vld [tilespmem:s31+$0xAFF0]  }
0x159: {  	v40 =	vld [tilespmem:s31+$0xB030]  }
0x15a: {  	v41 =	vld [tilespmem:s31+$0xB070]  }
0x15b: {  	v42 =	vld [tilespmem:s31+$0xB0B0]  }
0x15c: {  	v43 =	vld [tilespmem:s31+$0xB0F0]  }
0x15d: {  	v44 =	vld [tilespmem:s31+$0xB130]  }
0x15e: {  	v45 =	vld [tilespmem:s31+$0xB170]  }
0x15f: {  	v46 =	vld [tilespmem:s31+$0xB1B0]  }
0x160: {  	v47 =	vld [tilespmem:s31+$0xB1F0]  }
0x161: {  	v48 =	vld [tilespmem:s31+$0xB230]  }
0x162: {  	v49 =	vld [tilespmem:s31+$0xB270]  }
0x163: {  	v50 =	vld [tilespmem:s31+$0xB2B0]  }
0x164: {  	v51 =	vld [tilespmem:s31+$0xB2F0]  }
0x165: {  	v52 =	vld [tilespmem:s31+$0xB330]  }
0x166: {  	v53 =	vld [tilespmem:s31+$0xB370];
	v1 =	vadd.f32 v2, v1;
	v2 =	vadd.f32 v39, v3  }
0x167: {  	v54 =	vld [tilespmem:s31+$0xB3B0];
	v55 =	vadd.f32 v41, v40;
	v56 =	vadd.f32 v43, v42  }
0x168: {  	v3 =	vld [tilespmem:s31+$0xB3F0];
	v57 =	vadd.f32 v45, v44;
	v58 =	vadd.f32 v47, v46  }
0x169: {  	v59 =	vadd.f32 v49, v48;
	v60 =	vadd.f32 v51, v50  }
0x16a: {  	v1 =	vadd.f32 v2, v1;
	v2 =	vadd.f32 v56, v55  }
0x16b: {  	v61 =	vadd.f32 v58, v57;
	v62 =	vadd.f32 v60, v59  }
0x16c: {  	v63 =	vadd.f32 v53, v52;
	v1 =	vadd.f32 v2, v1  }
0x16d: {  	v2 =	vadd.f32 v62, v61;
	v3 =	vadd.f32 v3, v54  }
0x16e: {  	p1 =	sne.s32 s2, $0x26C00  }
.Ltmp5:
0x16f: {  	v1 =	vadd.f32 v2, v1;
	v3 =	vadd.f32 v3, v63;
	(pc) =	sbr.rel @p1 .LBB2_13-.Ltmp5, $3  }
0x170: {  	_ = 	snop  }
0x171: {  	v1 =	vadd.f32 v3, v1;
	_ =	sdelay $0x1  }
0x172: {  	s2 =	sadd.s32 $0x1400, s2;
	[tilespmem:s0+$0x0] =	vst v1;
	s0 =	sadd.s32 $0x40, s0  }
0x173: {  	s0 =	sshll.u32 s30, $0xC  }
0x174: {  	s30 =	sadd.s32 $0x1, s30;
	s0 =	sadd.s32 s8, s0  }
0x175: {  	p1 =	sne.s32 s30, $0x19;
	s0 =	sshrl.u32 s0, $0x3  }
.Ltmp6:
0x176: {  	s0 =	sadd.s32 s5, s0;
	(pc) =	sbr.rel @p1 .LBB2_6-.Ltmp6, $4  }
0x177: {  	[hbm4b:s0+s4] =	stream.linear.scatter [tilespmem:s28], [sflag:$0x3], $0x1000, $0x38;
	[tilespmem:$0x15F00] =	vst v63  }
0x178: {  	_ =	swait.ge [sflag:s10], $0x1000  }
0x179: {  	[sflag:s10] =	ssyncset.done $0x0  }
0x17a: {  	p0 =	por !p0, !p0;
	[sflag:s10] =	ssyncadd.s32 $0xFFFFF000  }
0x17b: {  	s29 =	sadd.s32 $0x1, s29  }
0x17c: {  	p0 =	sne.s32 s29, s9  }
.Ltmp7:
0x17d: {  	_ = 	snop;
	(pc) =	sbr.rel @p0 .LBB2_1-.Ltmp7, $1  }
0x17e: {  	_ =	sdelay $0x3  }
0x17f: {  	_ =	sfence.sel $0x180000  }
0x180: {  	[bflag:$0x0] =	sbarrier.arrive $0xFFFF  }
0x181: {  	_ =	strace $0x90000047  }
0x182: {  	s0 =	stileid.u32;
	[bflag:$0x2] =	sbarrier.arrive $0xFFFF  }
0x183: {  	p0 =	sne.s32 s0, $0x0;
	s0 =	rddreg [dreg:$0x3]  }
0x184: {  	s0 =	sadd.s32 @!p0 $0x100000, s0  }
0x185: {  	[sflag:s0] =	ssyncadd.tile.s32 @!p0 $0x1;
	_ =	shalt  }
.Lfunc_end2:
_tile_overlayer_lowered:
.L_overlay_start_2:
0x186: {  	(tag) =	ssettag $0x2  }
0x187: {  	s0 =	rddreg [dreg:$0x0];
	s2 =	stileid.u32  }
0x188: {  	s1 =	rddreg [dreg:$0x1];
	p0 =	sne.s32 s2, $0x0  }
0x189: {  	s3 =	rddreg [dreg:$0x2];
	[bflag:$0x3] =	sbarrier.arrive $0xFFFF;
	s2 =	simm.s32 @!p0 $0x1C03  }
0x18a: {  	[timem:s3], [sflag:s2] =	dma.local @!p0 [hbm:s0], s1  }
0x18b: {  	s0 =	simm.s32 @!p0 $0x3  }
0x18c: {  	_ =	swait.ge @!p0 [sflag:s0], s1  }
0x18d: {  	s1 =	ssub.s32 @!p0 $0x0, s1;
	[sflag:s0] =	ssyncset.done @!p0 $0x0  }
0x18e: {  	[sflag:s0] =	ssyncadd.s32 @!p0 s1  }
0x18f: {  	[bflag:$0x3] =	sbarrier.arrive $0xFFFF  }
0x190: {  	_ =	shalt  }

// kernel: kernel.9.cloned.1.call-start
scs
__scs_entry_jumppad:
0x0: {  	(pc) =	sbr.rel $0x88, $3  }
0x1: {  	(tag) =	ssettag $0x0;
	lr =	simm.s32 $0x1  }
0x2: {  	[smem:$0x3F9C] =	sst lr;
	_ =	strace $0xD0000000  }
0x3: {  	_ = 	snop  }
0x4: {  	_ = 	snop  }
0x5: {  	_ = 	snop  }
0x6: {  	_ = 	snop  }
0x7: {  	_ = 	snop  }
__scs_overlays_trampoline_lowered:
0x8: {  	[smem:$0x3FAB] =	sst s0  }
0x9: {  	[smem:$0x3FAC] =	sst s1  }
0xa: {  	[smem:$0x3FAD] =	sst s2  }
0xb: {  	[smem:$0x3FAE] =	sst s3  }
0xc: {  	[smem:$0x3FAF] =	sst s4  }
0xd: {  	[smem:$0x3FB0] =	sst s5  }
0xe: {  	[smem:$0x3FB1] =	sst s6  }
0xf: {  	[smem:$0x3FB2] =	sst s7  }
0x10: {  	[smem:$0x3FB3] =	sst s8  }
0x11: {  	[smem:$0x3FB4] =	sst s9;
	s0 =	simm.s32 @!p0 $0x0  }
0x12: {  	s1 =	sld [smem:$0x3F9A];
	s0 =	simm.s32 @p0 $0x1  }
0x13: {  	[smem:$0x3FB5] =	sst s0;
	s0 =	simm.s32 @!p1 $0x0  }
0x14: {  	s2 =	sld [smem:$0x3F99];
	s0 =	simm.s32 @p1 $0x1  }
0x15: {  	[smem:$0x3FB6] =	sst s0;
	s0 =	simm.s32 @!p2 $0x0  }
0x16: {  	s3 =	sld [smem:$0x3FDB];
	s0 =	simm.s32 @p2 $0x1  }
0x17: {  	s4 =	simm.s32 $0x1BF5;
	[smem:$0x3FB8] =	sst s0  }
0x18: {  	s0 =	sld [smem:$0x3F9B];
	_ =	swait.ge [sflag:s4], $0x0  }
0x19: {  	s7 =	sld [smem:$0x3F9C]  }
0x1a: {  	s8 =	sadd.s32 $0xFFFFE003, lr  }
0x1b: {  	s9 =	sadd.s32 $0xFFFFFEF7, lr;
	s5 =	simm.s32 $0xFFFFFFFF;
	p2 =	slt.u32 s8, $0xFFFFF086  }
0x1c: {  	p1 =	slt.u32 s9, $0xF7A;
	s5 =	simm.s32 @!p2 $0x0  }
0x1d: {  	s5 =	simm.s32 @p1 $0x1;
	p0 =	seq.s32 s7, s2  }
0x1e: {  	s7 =	smul.u32 @!p0 $0xF7A, s2;
	p2 =	seq.s32 @!p0 s5, $0x0  }
0x1f: {  	s9 =	smul.u32 $0xF7A, s1;
	s8 =	simm.s32 @!p0 $0x1BF5;
	p2 =	por !p2, p0  }
0x20: {  	[sflag:s8] =	ssyncset.s32 @!p0 $0xFFFFF086;
	s6 =	sadd.s32 @!p0 s3, s7;
	s7 =	simm.s32 @!p0 $0x108  }
0x21: {  	s3 =	sadd.s32 s3, s9;
	s6 =	sadd.s32 @!p0 $0x88, s6;
	s7 =	simm.s32 @p2 $0x1082  }
0x22: {  	[simem:s7], [sflag:s8] =	dma.local @!p0 [hbm:s6], $0xF7A  }
0x23: {  	s9 =	sor.u32 $0xD0000000, s2;
	s6 =	simm.s32 $0x108;
	_ =	swait.ge @!p0 [sflag:s8], $0x0  }
0x24: {  	s3 =	sadd.s32 $0x88, s3;
	s6 =	simm.s32 @!p1 $0x1082;
	[sflag:s4] =	ssyncset.s32 $0xFFFFF086  }
0x25: {  	[simem:s6], [sflag:s4] =	dma.local [hbm:s3], $0xF7A  }
0x26: {  	[smem:$0x3F9C] =	sst s1;
	(tag) =	ssettag s2;
	_ =	strace s9  }
0x27: {  	s1 =	sld [smem:$0x3FAC]  }
0x28: {  	s2 =	sld [smem:$0x3FAD]  }
0x29: {  	s4 =	sld [smem:$0x3FAF]  }
0x2a: {  	p0 =	seq.s32 s5, $0x0;
	s5 =	sld [smem:$0x3FB0]  }
0x2b: {  	s6 =	sld [smem:$0x3FB1]  }
0x2c: {  	s7 =	sld [smem:$0x3FB2]  }
0x2d: {  	s3 =	simm.s32 $0x108;
	s8 =	sld [smem:$0x3FB3]  }
0x2e: {  	s3 =	simm.s32 @!p0 $0x1082;
	s9 =	sld [smem:$0x3FB4]  }
0x2f: {  	lr =	sadd.s32 s0, s3;
	s0 =	sld [smem:$0x3FAB]  }
0x30: {  	s3 =	sld [smem:$0x3FAE]  }
0x31: {  	[smem:$0x3FB7] =	sst s10  }
0x32: {  	s10 =	sld [smem:$0x3FB5];
	_ =	sdelay $0x3  }
0x33: {  	p0 =	seq.s32 s10, $0x1;
	s10 =	sld [smem:$0x3FB7];
	_ =	sdelay $0x3  }
0x34: {  	[smem:$0x3FB7] =	sst s10  }
0x35: {  	s10 =	sld [smem:$0x3FB6];
	_ =	sdelay $0x3  }
0x36: {  	p1 =	seq.s32 s10, $0x1;
	s10 =	sld [smem:$0x3FB7];
	_ =	sdelay $0x3  }
0x37: {  	[smem:$0x3FB7] =	sst s10  }
0x38: {  	s10 =	sld [smem:$0x3FB8]  }
0x39: {  	_ = 	snop;
	(pc) =	sbr.ind lr, $3  }
0x3a: {  	_ = 	snop  }
0x3b: {  	_ = 	snop  }
0x3c: {  	p2 =	seq.s32 s10, $0x1;
	s10 =	sld [smem:$0x3FB7]  }
0x3d: {  	_ =	shalt  }
0x3e: {  	_ =	shalt  }
0x3f: {  	_ =	shalt  }
0x40: {  	_ =	shalt  }
0x41: {  	_ =	shalt  }
0x42: {  	_ =	shalt  }
0x43: {  	_ =	shalt  }
0x44: {  	_ =	shalt  }
0x45: {  	_ =	shalt  }
0x46: {  	_ =	shalt  }
0x47: {  	_ =	shalt  }
0x48: {  	_ =	shalt  }
0x49: {  	_ =	shalt  }
0x4a: {  	_ =	shalt  }
0x4b: {  	_ =	shalt  }
0x4c: {  	_ =	shalt  }
0x4d: {  	_ =	shalt  }
0x4e: {  	_ =	shalt  }
0x4f: {  	_ =	shalt  }
0x50: {  	_ =	shalt  }
0x51: {  	_ =	shalt  }
0x52: {  	_ =	shalt  }
0x53: {  	_ =	shalt  }
0x54: {  	_ =	shalt  }
0x55: {  	_ =	shalt  }
0x56: {  	_ =	shalt  }
0x57: {  	_ =	shalt  }
0x58: {  	_ =	shalt  }
0x59: {  	_ =	shalt  }
0x5a: {  	_ =	shalt  }
0x5b: {  	_ =	shalt  }
0x5c: {  	_ =	shalt  }
0x5d: {  	_ =	shalt  }
0x5e: {  	_ =	shalt  }
0x5f: {  	_ =	shalt  }
0x60: {  	_ =	shalt  }
0x61: {  	_ =	shalt  }
0x62: {  	_ =	shalt  }
0x63: {  	_ =	shalt  }
0x64: {  	_ =	shalt  }
0x65: {  	_ =	shalt  }
0x66: {  	_ =	shalt  }
0x67: {  	_ =	shalt  }
0x68: {  	_ =	shalt  }
0x69: {  	_ =	shalt  }
0x6a: {  	_ =	shalt  }
0x6b: {  	_ =	shalt  }
0x6c: {  	_ =	shalt  }
0x6d: {  	_ =	shalt  }
0x6e: {  	_ =	shalt  }
0x6f: {  	_ =	shalt  }
0x70: {  	_ =	shalt  }
0x71: {  	_ =	shalt  }
0x72: {  	_ =	shalt  }
0x73: {  	_ =	shalt  }
0x74: {  	_ =	shalt  }
0x75: {  	_ =	shalt  }
0x76: {  	_ =	shalt  }
0x77: {  	_ =	shalt  }
0x78: {  	_ =	shalt  }
0x79: {  	_ =	shalt  }
0x7a: {  	_ =	shalt  }
0x7b: {  	_ =	shalt  }
0x7c: {  	_ =	shalt  }
0x7d: {  	_ =	shalt  }
0x7e: {  	_ =	shalt  }
0x7f: {  	_ =	shalt  }
0x80: {  	_ =	shalt  }
0x81: {  	_ =	shalt  }
0x82: {  	_ =	shalt  }
0x83: {  	_ =	shalt  }
0x84: {  	_ =	shalt  }
0x85: {  	_ =	shalt  }
0x86: {  	_ =	shalt  }
0x87: {  	_ =	shalt  }
.Lfunc_end0:
.L_simem_size_0:
called_computation.1_lowered:
.L_overlay_start_0:
0x88: {  	s2 =	sld [smem:$0x3FD9]  }
0x89: {  	s3 =	sld [smem:$0x3FFE];
	_ =	sdelay $0x1  }
0x8a: {  	s1 =	srdreg.scid  }
0x8b: {  	s0 =	sand.u32 $0x1, s1  }
0x8c: {  	s14 =	sshll.u32 s0, $0xA;
	s2 =	sadd.s32 s3, s2  }
0x8d: {  	s2 =	sadd.s32 s2, s14  }
0x8e: {  	[smem:$0x3FC3] =	sst s2  }
0x8f: {  	_ = 	snop  }
0x90: {  	s2 =	sld [smem:$0x3FD0];
	_ =	sdelay $0x2  }
0x91: {  	s15 =	simm.s32 $0xA;
	s4 =	simm.s32 $0x10  }
0x92: {  	[smem:s4], [sflag:s15] =	dma.local [hbm:s2], $0x1  }
0x93: {  	_ =	swait.eq [sflag:s15], $0x1  }
0x94: {  	[sflag:s15] =	ssyncset.done $0x0  }
0x95: {  	[sflag:s15] =	ssyncadd.s32 $0xFFFFFFFF  }
0x96: {  	s16 =	sld [smem:$0x10];
	(tm) =	ssettm $0x1  }
0x97: {  	s17 =	sld [smem:$0x3FFB];
	_ =	sdelay $0x3  }
0x98: {  	_ =	strace s17  }
0x99: {  	s3 =	sld [smem:$0x3FFC];
	_ =	sdelay $0x3  }
0x9a: {  	_ =	strace s3  }
0x9b: {  	s3 =	sld [smem:$0x3FFD];
	_ =	sdelay $0x3  }
0x9c: {  	_ =	strace s3  }
0x9d: {  	_ =	strace $0x8FFFFFFF  }
0x9e: {  	s18 =	sld [smem:$0x3FDB];
	_ =	sdelay $0x1  }
0x9f: {  	s19 =	simm.s32 $_scs_section_size  }
0xa0: {  	s5 =	simm.s32 $_size__tile_overlayer_lowered;
	s6 =	simm.s32 $_tile_overlayer_lowered  }
0xa1: {  	s22 =	simm.s32 $0x1BFF;
	s21 =	sshll.u32 s6, $0x1;
	s3 =	sadd.s32 s19, s18  }
0xa2: {  	s7 =	simm.s32 $0x0;
	s20 =	sshll.u32 s5, $0x1;
	s5 =	sadd.s32 s21, s3  }
0xa3: {  	[timem:s7], [sflag:s22] =	dma.local [hbm:s5], s20  }
0xa4: {  	_ =	swait.ge [sflag:s22], s20  }
0xa5: {  	s4 =	ssub.s32 $0x0, s20;
	[sflag:s22] =	ssyncset.done $0x0  }
0xa6: {  	[sflag:s22] =	ssyncadd.s32 s4;
	_ =	sdelay $0x1  }
0xa7: {  	s23 =	simm.s32 $0x1B8B  }
0xa8: {  	_ =	swait.ge [sflag:s23], $0x1  }
0xa9: {  	[sflag:s23] =	ssyncset.done $0x0  }
0xaa: {  	s25 =	simm.s32 $0x1B8E;
	s24 =	sld [smem:$0x3FFE];
	[sflag:s23] =	ssyncadd.s32 $0xFFFFFFFF  }
0xab: {  	s26 =	simm.s32 $execute0_lowered;
	[smem:$0x3FD2] =	sst s25  }
0xac: {  	s5 =	sshll.u32 s26, $0x1;
	_ =	strace $0x80000049;
	[dreg:$0x1] =	wrdreg $0xFFFFFFFF  }
0xad: {  	s28 =	simm.s32 $_size_execute0_lowered;
	s3 =	sadd.s32 s3, s5;
	[dreg:$0x0] =	wrdreg $0x0  }
0xae: {  	s5 =	sshll.u32 s28, $0x1;
	[dreg:$0x2] =	wrdreg s3  }
0xaf: {  	[dreg:$0x3] =	wrdreg s5  }
0xb0: {  	[dreg:$0x4] =	wrdreg $0xC0  }
0xb1: {  	_ =	task [dreg:s7], $0x5FFFF  }
0xb2: {  	[dreg:$0x1] =	wrdreg $0xFFFFFFFF  }
0xb3: {  	[dreg:$0x0] =	wrdreg $0x60  }
0xb4: {  	[dreg:$0x2] =	wrdreg s24  }
0xb5: {  	[dreg:$0x3] =	wrdreg s16  }
0xb6: {  	[dreg:$0x4] =	wrdreg $0x9  }
0xb7: {  	_ =	task.clear_ibuf [dreg:s7], $0x5FFFF;
	_ =	strace $0x90000049  }
0xb8: {  	s29 =	simm.s32 $0x9;
	_ =	strace $0x8000004B  }
0xb9: {  	_ =	swait.ge [sflag:s29], $0x1  }
0xba: {  	[sflag:s29] =	ssyncadd.s32 $0xFFFFFFFF  }
0xbb: {  	_ =	strace $0x9000004B  }
0xbc: {  	_ =	sfence  }
0xbd: {  	s30 =	sld [smem:$0x0];
	_ =	sdelay $0x2  }
0xbe: {  	s31 =	sshll.u32 s1, $0xD;
	s1 =	sshrl.u32 s1, $0x2  }
0xbf: {  	s3 =	sand.u32 $0x4000, s31;
	s1 =	sadd.s32 s1, s30  }
0xc0: {  	s0 =	sor.u32 s3, s0;
	s1 =	sshll.u32 s1, $0x11  }
0xc1: {  	s0 =	sor.u32 s1, s0  }
0xc2: {  	s0 =	sadd.s32 $0x8F2B, s0  }
0xc3: {  	[sflag:s0] =	ssyncadd.remote.s32 $0x1  }
0xc4: {  	_ =	sfence.sel $0xFFFF  }
0xc5: {  	[dreg:$0x0] =	wrdreg $0xFFFFFFFF;
	(pc) =	sbr.abs _section_cstart, $3  }
0xc6: {  	[dreg:$0x1] =	wrdreg $0xFFFFFFFF  }
0xc7: {  	_ =	task.clear_ibuf [dreg:s7], $0x2FFFF;
	_ =	strace $0x9FFFFFFF  }
0xc8: {  	(tm) =	ssettm $0x7FFFFFFF  }
0xc9: {  	_ =	shalt  }
tec
execute0_lowered:
.L_overlay_start_1:
0x0: {  	(tag) =	ssettag $0x1  }
0x1: {  	s3 =	rddreg [dreg:$0x0]  }
0x2: {  	s4 =	rddreg [dreg:$0x1]  }
0x3: {  	s0 =	rddreg [dreg:$0x2]  }
0x4: {  	s5 =	srdreg.scid;
	s1 =	stileid.u32  }
0x5: {  	s2 =	simm.s32 $0x0;
	s10 =	simm.s32 $0x2;
	s6 =	smul.u32 $0xC80, s1  }
0x6: {  	s11 =	simm.s32 $0x0;
	s5 =	sand.u32 $0x1, s5;
	s8 =	smul.u32 $0x3200, s1  }
0x7: {  	[smem:$0x7FF] =	sst s2;
	s7 =	smul.u32 $0x640, s5;
	s31 =	ssub.s32 $0x2, s5  }
0x8: {  	_ =	strace $0x8000004A;
	s5 =	smul.u32 $0x1900, s5;
	s9 =	sshrl.u32 s31, $0x1  }
0x9: {  	s8 =	sadd.s32 s8, s4;
	s6 =	sadd.s32 s7, s6;
	s7 =	ssub.s32 s31, s9  }
0xa: {  	s5 =	sadd.s32 s5, s8;
	s8 =	simm.s32 $0x50;
	s6 =	sshrl.u32 s6, $0x3  }
0xb: {  	s9 =	simm.s32 $0x1;
	s4 =	smax.u32 s7, $0x1;
	s6 =	sadd.s32 s6, s3  }
0xc: {  	s7 =	simm.s32 $0x3;
	s3 =	sadd.s32 $0x65000, s3;
	s6 =	sadd.s32 $0x465000, s6  }
.LBB2_1:
0xd: {  	p0 =	por $0x1, $0x1  }
0xe: {  	s12 =	simm.s32 @!p0 $0x2  }
0xf: {  	_ =	swait.ge @!p0 [sflag:s12], $0xA00  }
0x10: {  	[sflag:s12] =	ssyncset.done @!p0 $0x0  }
0x11: {  	[sflag:s12] =	ssyncadd.s32 @!p0 $0xFFFFF600  }
0x12: {  	[tilespmem:s2], [sflag:$0x3] =	stream.linear.gather [hbm4b:s6+s2], $0x50, $0x38;
	[tilespmem:$0x1450] =	vst v63  }
0x13: {  	_ =	swait.ge [sflag:s7], $0x50  }
0x14: {  	[sflag:s7] =	ssyncset.done $0x0  }
0x15: {  	[sflag:s7] =	ssyncadd.s32 $0xFFFFFFB0  }
0x16: {  	v1 =	vld [tilespmem:$0x40]  }
0x17: {  	v3 =	vld [tilespmem:$0x30]  }
0x18: {  	v7 =	vld [tilespmem:$0x20];
	_ =	sdelay $0x1  }
0x19: {  	v6 =	vld [tilespmem:$0x10]  }
0x1a: {  	v4 =	vld [tilespmem:$0x0];
	v0 =	vand.u32 $0xFFFFE000, v1;
	v2 =	vshll.u32 v1, $0x2;
	v1 =	vshrl.u32 v1, $0xB  }
0x1b: {  	v5 =	vshrl.u32 v3, $0xB;
	v8 =	vand.u32 $0xFFFFE000, v3;
	v3 =	vshll.u32 v3, $0x2  }
0x1c: {  	v10 =	vshll.u32 v7, $0x2;
	v12 =	vshrl.u32 v7, $0xB;
	v2 =	vand.u32 $0x1FFC, v2  }
0x1d: {  	v1 =	vand.u32 $0x3, v1;
	v9 =	vand.u32 $0x3, v5;
	v5 =	vand.u32 $0xFFFFE000, v7  }
0x1e: {  	v11 =	vand.u32 $0x1FFC, v3;
	v3 =	vshrl.u32 v6, $0xB;
	v10 =	vand.u32 $0x1FFC, v10  }
0x1f: {  	v8 =	vor.u32 v8, v11;
	v11 =	vand.u32 $0xFFFFE000, v4;
	v5 =	vor.u32 v5, v10  }
0x20: {  	v10 =	vshrl.u32 v4, $0xB;
	v8 =	vor.u32 v9, v8;
	v9 =	vshll.u32 v4, $0x2  }
0x21: {  	s14 =	simm.s32 $0x1;
	s15 =	smov.u32 s5;
	v4 =	vand.u32 $0xFFFFE000, v6;
	v6 =	vshll.u32 v6, $0x2;
	v9 =	vand.u32 $0x1FFC, v9  }
0x22: {  	s16 =	smov.u32 s6;
	s13 =	simm.s32 $0x0;
	s12 =	smov.u32 s5;
	[tilespmem:$0x30] =	vst v8;
	v8 =	vand.u32 $0x3, v10;
	v7 =	vor.u32 v11, v9;
	v9 =	vand.u32 $0x3, v12  }
.LBB2_2:
0x23: {  	s15 =	sadd.s32 $0x140, s15  }
0x24: {  	v7 =	vor.u32 v8, v7;
	v6 =	vand.u32 $0x1FFC, v6;
	v5 =	vor.u32 v9, v5;
	s16 =	sadd.s32 $0xA, s16;
	s17 =	smov.u32 s14;
	s14 =	sadd.s32 $0x1, s14  }
0x25: {  	v3 =	vand.u32 $0x3, v3;
	v0 =	vor.u32 v0, v2;
	s18 =	sand.u32 $0x1, s13;
	p0 =	sne.s32 s14, $0x14;
	v4 =	vor.u32 v4, v6;
	[tilespmem:$0x20] =	vst v5;
	s13 =	smov.u32 s17  }
0x26: {  	v0 =	vor.u32 v1, v0;
	p1 =	seq.s32 s18, $0x1;
	s17 =	simm.s32 $0xA50;
	[tilespmem:$0x0] =	vst v7;
	v2 =	vor.u32 v3, v4  }
0x27: {  	s17 =	simm.s32 @!p1 $0x50;
	[tilespmem:$0x40] =	vst v0  }
0x28: {  	[tilespmem:$0x10] =	vst v2  }
0x29: {  	[tilespmem:s17], [sflag:$0x1] =	stream.indirect.gather [hbm4b:s3+s8], $0x20, s2, s8, $0xb8;
	[tilespmem:$0x1450] =	vst v63  }
0x2a: {  	_ =	swait.ge [sflag:s9], $0xA00  }
0x2b: {  	p1 =	slt.u32 s13, $0x2;
	[sflag:s9] =	ssyncset.done $0x0  }
0x2c: {  	s18 =	simm.s32 @!p1 $0x2;
	[sflag:s9] =	ssyncadd.s32 $0xFFFFF600  }
0x2d: {  	[hbm4b:s12+s2] =	stream.linear.scatter [tilespmem:s17], [sflag:$0x2], $0xA00, $0x38;
	[tilespmem:$0x1450] =	vst v63  }
0x2e: {  	s12 =	smov.u32 s15;
	_ =	swait.ge @!p1 [sflag:s18], $0xA00  }
0x2f: {  	[sflag:s18] =	ssyncset.done @!p1 $0x0  }
0x30: {  	[sflag:s18] =	ssyncadd.s32 @!p1 $0xFFFFF600  }
0x31: {  	[tilespmem:s2], [sflag:$0x3] =	stream.linear.gather [hbm4b:s16+s2], $0x50, $0x38;
	[tilespmem:$0x1450] =	vst v63  }
0x32: {  	_ =	swait.ge [sflag:s7], $0x50  }
0x33: {  	[sflag:s7] =	ssyncset.done $0x0  }
0x34: {  	[sflag:s7] =	ssyncadd.s32 $0xFFFFFFB0  }
0x35: {  	v1 =	vld [tilespmem:$0x40]  }
0x36: {  	v3 =	vld [tilespmem:$0x30]  }
0x37: {  	v7 =	vld [tilespmem:$0x20]  }
0x38: {  	v4 =	vld [tilespmem:$0x0]  }
0x39: {  	v6 =	vld [tilespmem:$0x10]  }
0x3a: {  	v0 =	vand.u32 $0xFFFFE000, v1;
	v2 =	vshll.u32 v1, $0x2;
	v1 =	vshrl.u32 v1, $0xB  }
0x3b: {  	v5 =	vshrl.u32 v3, $0xB;
	v2 =	vand.u32 $0x1FFC, v2;
	v1 =	vand.u32 $0x3, v1  }
0x3c: {  	v8 =	vand.u32 $0xFFFFE000, v3;
	v3 =	vshll.u32 v3, $0x2;
	v9 =	vand.u32 $0x3, v5  }
0x3d: {  	v5 =	vand.u32 $0xFFFFE000, v7;
	v10 =	vshll.u32 v7, $0x2;
	v11 =	vand.u32 $0x1FFC, v3  }
.Ltmp0:
0x3e: {  	v10 =	vand.u32 $0x1FFC, v10;
	v8 =	vor.u32 v8, v11;
	v3 =	vshrl.u32 v6, $0xB;
	(pc) =	sbr.rel @p0 .LBB2_2-.Ltmp0, $4  }
0x3f: {  	v11 =	vand.u32 $0xFFFFE000, v4;
	v5 =	vor.u32 v5, v10;
	v8 =	vor.u32 v9, v8  }
0x40: {  	v9 =	vshll.u32 v4, $0x2;
	v10 =	vshrl.u32 v4, $0xB;
	v4 =	vand.u32 $0xFFFFE000, v6;
	[tilespmem:$0x30] =	vst v8  }
0x41: {  	v6 =	vshll.u32 v6, $0x2;
	v8 =	vand.u32 $0x1FFC, v9;
	v9 =	vshrl.u32 v7, $0xB  }
0x42: {  	v7 =	vor.u32 v11, v8;
	v8 =	vand.u32 $0x3, v10;
	v9 =	vand.u32 $0x3, v9  }
0x43: {  	v5 =	vor.u32 v9, v5  }
0x44: {  	v7 =	vor.u32 v8, v7;
	v6 =	vand.u32 $0x1FFC, v6;
	v0 =	vor.u32 v0, v2;
	[tilespmem:$0x20] =	vst v5  }
0x45: {  	v3 =	vand.u32 $0x3, v3;
	s13 =	sand.u32 $0x1, s13;
	v62 =	vor.u32 v4, v6;
	[tilespmem:$0x0] =	vst v7;
	v0 =	vor.u32 v1, v0  }
0x46: {  	p0 =	seq.s32 s13, $0x1;
	s13 =	simm.s32 $0xA50;
	v63 =	vor.u32 v3, v62;
	[tilespmem:$0x40] =	vst v0  }
0x47: {  	s13 =	simm.s32 @!p0 $0x50;
	[tilespmem:$0x10] =	vst v63  }
0x48: {  	[tilespmem:s13], [sflag:$0x1] =	stream.indirect.gather [hbm4b:s3+s8], $0x20, s2, s8, $0xb8;
	[tilespmem:$0x1450] =	vst v63  }
0x49: {  	_ =	swait.ge [sflag:s9], $0xA00  }
0x4a: {  	[sflag:s9] =	ssyncset.done $0x0  }
0x4b: {  	s11 =	sadd.s32 $0x1, s11;
	[sflag:s9] =	ssyncadd.s32 $0xFFFFF600  }
0x4c: {  	[hbm4b:s12+s2] =	stream.linear.scatter [tilespmem:s13], [sflag:$0x2], $0xA00, $0x38;
	[tilespmem:$0x1450] =	vst v63  }
0x4d: {  	p0 =	sne.s32 s11, s4;
	_ =	swait.ge [sflag:s10], $0xA00  }
.Ltmp1:
0x4e: {  	[sflag:s10] =	ssyncset.done $0x0;
	(pc) =	sbr.rel @p0 .LBB2_1-.Ltmp1, $4  }
0x4f: {  	[sflag:s10] =	ssyncadd.s32 $0xFFFFF600  }
0x50: {  	_ =	swait.ge [sflag:s10], $0xA00  }
0x51: {  	[sflag:s10] =	ssyncset.done $0x0  }
0x52: {  	[sflag:s10] =	ssyncadd.s32 $0xFFFFF600  }
0x53: {  	_ =	sfence.sel $0x180000  }
0x54: {  	[bflag:$0x0] =	sbarrier.arrive $0xFFFF  }
0x55: {  	p0 =	sne.s32 s1, $0x0;
	_ =	strace $0x9000004A  }
0x56: {  	s0 =	sadd.s32 @!p0 $0x100000, s0;
	[bflag:$0x2] =	sbarrier.arrive $0xFFFF  }
0x57: {  	[sflag:s0] =	ssyncadd.tile.s32 @!p0 $0x1;
	_ =	shalt  }
.Lfunc_end2:
_tile_overlayer_lowered:
.L_overlay_start_2:
0x58: {  	(tag) =	ssettag $0x2  }
0x59: {  	s0 =	rddreg [dreg:$0x0];
	s2 =	stileid.u32  }
0x5a: {  	s1 =	rddreg [dreg:$0x1];
	p0 =	sne.s32 s2, $0x0  }
0x5b: {  	s3 =	rddreg [dreg:$0x2];
	[bflag:$0x3] =	sbarrier.arrive $0xFFFF;
	s2 =	simm.s32 @!p0 $0x1C03  }
0x5c: {  	[timem:s3], [sflag:s2] =	dma.local @!p0 [hbm:s0], s1  }
0x5d: {  	s0 =	simm.s32 @!p0 $0x3  }
0x5e: {  	_ =	swait.ge @!p0 [sflag:s0], s1  }
0x5f: {  	s1 =	ssub.s32 @!p0 $0x0, s1;
	[sflag:s0] =	ssyncset.done @!p0 $0x0  }
0x60: {  	[sflag:s0] =	ssyncadd.s32 @!p0 s1  }
0x61: {  	[bflag:$0x3] =	sbarrier.arrive $0xFFFF  }
0x62: {  	_ =	shalt  }

</sc_bundles>
